<compile_context>
chip_gen: v7x
topology: tpu7x:2x2x1
jax: 0.10.2.dev20260603
libtpu: 0.0.44.dev20260713+nightly
codegen_flags: <defaults>
</compile_context>

<pallas_src>
import dataclasses
import functools

import jax
import jax.numpy as jnp
from jax import lax
from jax.experimental import pallas as pl
from jax.experimental.pallas import tpu as pltpu
from jax.experimental.pallas import tpu_sc as plsc

_C = 384
_G = _C // 16
_NW = 32
_TILE = 64


def _sc_shuffle(x2, idx, scalar, n_rows):
    rows_per_w = n_rows // _NW
    tiles_per_w = rows_per_w // _TILE
    mesh = plsc.VectorSubcoreMesh(core_axis_name="c", subcore_axis_name="s")
    cp = pltpu.CompilerParams()
    cp = dataclasses.replace(cp, needs_layout_passes=False,
                             use_tc_tiling_on_sc=True)

    @functools.partial(
        pl.kernel,
        mesh=mesh,
        compiler_params=cp,
        out_type=jax.ShapeDtypeStruct((n_rows, _C), jnp.float32),
        scratch_types=[
            pltpu.VMEM((_TILE, _C), jnp.float32),
            pltpu.VMEM((_TILE, _C), jnp.float32),
            pltpu.VMEM((_TILE, _C), jnp.float32),
            pltpu.VMEM((_TILE, _C), jnp.float32),
            pltpu.VMEM((_C,), jnp.int32),
            pltpu.VMEM((_C,), jnp.float32),
            pltpu.SemaphoreType.DMA,
            pltpu.SemaphoreType.DMA,
            pltpu.SemaphoreType.DMA,
            pltpu.SemaphoreType.DMA,
        ],
    )
    def k(x_hbm, idx_hbm, s_hbm, o_hbm, in0, in1, out0, out1, idx_v, s_v,
          si0, si1, so0, so1):
        cid = lax.axis_index("c")
        sid = lax.axis_index("s")
        wid = sid * 2 + cid
        base = wid * rows_per_w
        pltpu.sync_copy(idx_hbm, idx_v)
        pltpu.sync_copy(s_hbm, s_v)

        def src(t):
            return x_hbm.at[pl.ds(base + t * _TILE, _TILE)]

        def dst(t):
            return o_hbm.at[pl.ds(base + t * _TILE, _TILE)]

        def compute(in_v, out_v):
            zero16 = jnp.zeros((16,), jnp.int32)
            for g in range(_G):
                cvec = idx_v[pl.ds(g * 16, 16)]
                svec = s_v[pl.ds(g * 16, 16)]

                def body(r, g=g, cvec=cvec, svec=svec, in_v=in_v,
                         out_v=out_v, zero16=zero16):
                    vals = in_v[r, pl.ds(g * 16, 16)]
                    out_v[r, pl.ds(g * 16, 16)] = vals * svec

                plsc.parallel_loop(0, _TILE, 1, unroll=8)(body)

        pltpu.async_copy(src(0), in0, si0)
        pltpu.async_copy(src(1), in1, si1)

        @pl.loop(0, tiles_per_w, step=2)
        def _(t):
            for leg, in_v, out_v, si, so in (
                (0, in0, out0, si0, so0),
                (1, in1, out1, si1, so1),
            ):
                tt = t + leg
                pltpu.make_async_copy(src(tt), in_v, si).wait()

                @pl.when(tt >= 2)
                def _():
                    pltpu.make_async_copy(out_v, dst(tt), so).wait()

                compute(in_v, out_v)
                pltpu.async_copy(out_v, dst(tt), so)

                @pl.when(tt + 2 < tiles_per_w)
                def _():
                    pltpu.async_copy(src(tt + 2), in_v, si)

        pltpu.make_async_copy(out0, dst(0), so0).wait()
        pltpu.make_async_copy(out1, dst(1), so1).wait()

    return k(x2, idx, scalar)


def _tc_body(x_ref, p_ref, s_ref, o_ref):
    x = x_ref[...]
    hi = x.astype(jnp.bfloat16)
    p = p_ref[...]
    acc = jax.lax.dot(hi, p, preferred_element_type=jnp.float32)
    o_ref[...] = acc * s_ref[...]


def _tc_shuffle(x2, shuffle_array, scalar, n, c):
    p = (shuffle_array[None, :] == jnp.arange(c, dtype=jnp.int32)[:, None])
    p = p.astype(jnp.bfloat16)
    s2 = scalar.reshape(1, c)

    block_rows = 7168
    grid = (n // block_rows,)
    return pl.pallas_call(
        _tc_body,
        grid=grid,
        in_specs=[
            pl.BlockSpec((block_rows, c), lambda i: (i, 0)),
            pl.BlockSpec((c, c), lambda i: (0, 0)),
            pl.BlockSpec((1, c), lambda i: (0, 0)),
        ],
        out_specs=pl.BlockSpec((block_rows, c), lambda i: (i, 0)),
        out_shape=jax.ShapeDtypeStruct((n, c), jnp.float32),
    )(x2, p, s2)


def kernel(x, shuffle_array, scalar):
    orig_shape = x.shape
    c = x.shape[-1]
    n = x.size // c
    out = _sc_shuffle(x.reshape(n, c), shuffle_array, scalar, n)
    return out.reshape(orig_shape)

# --- scband reference (transcript-rebuilt; emitter-appended) ---
"""Pipeline reference for scband-shuffle-channel-29480655520307 (READ-ONLY COPY).

The authoritative reference and input builder live on the scoring server;
editing this copy changes nothing except your own understanding.
"""

import jax, jax.numpy as jnp
import numpy as np


def setup_inputs(seed: int = 0) -> dict:
    key = jax.random.key(seed)
    k1, k2, k3 = jax.random.split(key, 3)
    B, H, W, C = 16, 224, 224, 384
    x = jax.random.normal(k1, (B, H, W, C), dtype=jnp.float32)
    # shuffle_array: int32 channel-index weight; values must be in [0, C)
    shuffle_array = jax.random.randint(k2, (C,), 0, C, dtype=jnp.int32)
    # scalar: per-channel learned scale (random_normal init in the keras layer)
    scalar = jax.random.normal(k3, (C,), dtype=jnp.float32)
    return {"x": x, "shuffle_array": shuffle_array, "scalar": scalar}


def reference(x, shuffle_array, scalar):
    # shuffle_channel(inputs, shuffle_array, scalar):
    # gather channels along the last axis per the learned index array,
    # then apply the per-channel scale.
    shuffled = jnp.take(x, shuffle_array, axis=-1)
    return shuffled * scalar

if __name__ == "__main__":
    import jax
    _d = setup_inputs()
    print(jax.jit(kernel)(*tuple(_d.values())))

</pallas_src>

<mosaic_0001>
#map = affine_map<(d0, d1) -> (0, 0)>
#map1 = affine_map<(d0, d1) -> (0)>
module attributes {stable_mosaic.version = 14 : i64} {
  func.func @k(%arg0: i32, %arg1: i32, %arg2: memref<802816x384xf32, #tpu.memory_space<hbm>>, %arg3: memref<384xi32, #tpu.memory_space<hbm>>, %arg4: memref<384xf32, #tpu.memory_space<hbm>>, %arg5: memref<802816x384xf32, #tpu.memory_space<hbm>>, %arg6: memref<64x384xf32, #tpu.memory_space<vmem>>, %arg7: memref<64x384xf32, #tpu.memory_space<vmem>>, %arg8: memref<64x384xf32, #tpu.memory_space<vmem>>, %arg9: memref<64x384xf32, #tpu.memory_space<vmem>>, %arg10: memref<384xi32, #tpu.memory_space<vmem>>, %arg11: memref<384xf32, #tpu.memory_space<vmem>>, %arg12: memref<!tpu.dma_semaphore, #tpu.memory_space<semaphore_mem>>, %arg13: memref<!tpu.dma_semaphore, #tpu.memory_space<semaphore_mem>>, %arg14: memref<!tpu.dma_semaphore, #tpu.memory_space<semaphore_mem>>, %arg15: memref<!tpu.dma_semaphore, #tpu.memory_space<semaphore_mem>>) attributes {dimension_semantics = [#tpu.dimension_semantics<core_parallel>, #tpu.dimension_semantics<subcore_parallel>], iteration_bounds = array<i64: 2, 16>, scalar_prefetch = 0 : i64, scratch_operands = 10 : i64, tpu.core_type = #tpu.core_type<sc_vector_subcore>, window_params = [{transform_indices = #map}, {transform_indices = #map1}, {transform_indices = #map1}, {transform_indices = #map}]} {
    %mul3A = arith.constant 2 : i32
    %mul3A_0 = arith.muli %arg1, %mul3A : i32
    %add3A = arith.addi %mul3A_0, %arg0 : i32
    %mul3A_1 = arith.constant 25088 : i32
    %mul3A_2 = arith.muli %add3A, %mul3A_1 : i32
    "tpu.region"() ({
      %run_scoped3A = tpu.sem_alloc : memref<!tpu.dma_semaphore, #tpu.memory_space<semaphore_mem>>
      tpu.enqueue_dma source(%arg3 : memref<384xi32, #tpu.memory_space<hbm>>) target(%arg10 : memref<384xi32, #tpu.memory_space<vmem>>) target_semaphore(%run_scoped3A : memref<!tpu.dma_semaphore, #tpu.memory_space<semaphore_mem>>)
      tpu.wait_dma2 semaphore(%run_scoped3A : memref<!tpu.dma_semaphore, #tpu.memory_space<semaphore_mem>>) src(%arg3 : memref<384xi32, #tpu.memory_space<hbm>>) dst(%arg10 : memref<384xi32, #tpu.memory_space<vmem>>)
      tpu.yield
    }) : () -> ()
    "tpu.region"() ({
      %run_scoped3A = tpu.sem_alloc : memref<!tpu.dma_semaphore, #tpu.memory_space<semaphore_mem>>
      tpu.enqueue_dma source(%arg4 : memref<384xf32, #tpu.memory_space<hbm>>) target(%arg11 : memref<384xf32, #tpu.memory_space<vmem>>) target_semaphore(%run_scoped3A : memref<!tpu.dma_semaphore, #tpu.memory_space<semaphore_mem>>)
      tpu.wait_dma2 semaphore(%run_scoped3A : memref<!tpu.dma_semaphore, #tpu.memory_space<semaphore_mem>>) src(%arg4 : memref<384xf32, #tpu.memory_space<hbm>>) dst(%arg11 : memref<384xf32, #tpu.memory_space<vmem>>)
      tpu.yield
    }) : () -> ()
    %add3A_3 = arith.constant 0 : i32
    %add3A_4 = arith.addi %mul3A_2, %add3A_3 : i32
    %dma_start3A = arith.constant 0 : i32
    %dma_start3A_5 = tpu.memref_slice %arg2[%add3A_4, %dma_start3A] : memref<802816x384xf32, #tpu.memory_space<hbm>> -> memref<64x384xf32, #tpu.memory_space<hbm>>
    %dma_start3A_6 = arith.constant 0 : i32
    %dma_start3A_7 = tpu.memref_slice %arg2[%add3A_4, %dma_start3A_6] : memref<802816x384xf32, #tpu.memory_space<hbm>> -> memref<64x384xf32, #tpu.memory_space<hbm>>
    tpu.enqueue_dma source(%dma_start3A_7 : memref<64x384xf32, #tpu.memory_space<hbm>>) target(%arg6 : memref<64x384xf32, #tpu.memory_space<vmem>>) target_semaphore(%arg12 : memref<!tpu.dma_semaphore, #tpu.memory_space<semaphore_mem>>)
    %add3A_8 = arith.constant 64 : i32
    %add3A_9 = arith.addi %mul3A_2, %add3A_8 : i32
    %dma_start3A_10 = arith.constant 0 : i32
    %dma_start3A_11 = tpu.memref_slice %arg2[%add3A_9, %dma_start3A_10] : memref<802816x384xf32, #tpu.memory_space<hbm>> -> memref<64x384xf32, #tpu.memory_space<hbm>>
    %dma_start3A_12 = arith.constant 0 : i32
    %dma_start3A_13 = tpu.memref_slice %arg2[%add3A_9, %dma_start3A_12] : memref<802816x384xf32, #tpu.memory_space<hbm>> -> memref<64x384xf32, #tpu.memory_space<hbm>>
    tpu.enqueue_dma source(%dma_start3A_13 : memref<64x384xf32, #tpu.memory_space<hbm>>) target(%arg7 : memref<64x384xf32, #tpu.memory_space<vmem>>) target_semaphore(%arg13 : memref<!tpu.dma_semaphore, #tpu.memory_space<semaphore_mem>>)
    %scan3A = arith.constant 0 : i32
    %scan3A_14 = arith.constant 196 : i32
    %scan3A_15 = arith.addi %scan3A, %scan3A_14 : i32
    %scan3A_16 = arith.constant 1 : i32
    scf.for %scan3A_29 = %scan3A to %scan3A_15 step %scan3A_16  : i32 {
      %mul3A_30 = arith.constant 2 : i32
      %mul3A_31 = arith.muli %scan3A_29, %mul3A_30 : i32
      %add3A_32 = arith.constant 0 : i32
      %add3A_33 = arith.addi %add3A_32, %mul3A_31 : i32
      %add3A_34 = arith.constant 0 : i32
      %add3A_35 = arith.addi %add3A_33, %add3A_34 : i32
      %mul3A_36 = arith.constant 64 : i32
      %mul3A_37 = arith.muli %add3A_35, %mul3A_36 : i32
      %add3A_38 = arith.addi %mul3A_2, %mul3A_37 : i32
      %dma_wait3A_39 = arith.constant 0 : i32
      %dma_wait3A_40 = tpu.memref_slice %arg2[%add3A_38, %dma_wait3A_39] : memref<802816x384xf32, #tpu.memory_space<hbm>> -> memref<64x384xf32, #tpu.memory_space<hbm>>
      %dma_wait3A_41 = arith.constant 0 : i32
      %dma_wait3A_42 = tpu.memref_slice %arg2[%add3A_38, %dma_wait3A_41] : memref<802816x384xf32, #tpu.memory_space<hbm>> -> memref<64x384xf32, #tpu.memory_space<hbm>>
      tpu.wait_dma2 semaphore(%arg12 : memref<!tpu.dma_semaphore, #tpu.memory_space<semaphore_mem>>) src(%dma_wait3A_42 : memref<64x384xf32, #tpu.memory_space<hbm>>) dst(%arg6 : memref<64x384xf32, #tpu.memory_space<vmem>>)
      %ge3A = arith.constant 2 : i32
      %ge3A_43 = arith.cmpi sge, %add3A_35, %ge3A : i32
      %convert_element_type3A = arith.extui %ge3A_43 : i1 to i32
      %cond3A = arith.constant 0 : i32
      %cond3A_44 = arith.cmpi ne, %convert_element_type3A, %cond3A : i32
      scf.if %cond3A_44 {
        %mul3A_423 = arith.constant 64 : i32
        %mul3A_424 = arith.muli %add3A_35, %mul3A_423 : i32
        %add3A_425 = arith.addi %mul3A_2, %mul3A_424 : i32
        %dma_wait3A_426 = arith.constant 0 : i32
        %dma_wait3A_427 = tpu.memref_slice %arg5[%add3A_425, %dma_wait3A_426] : memref<802816x384xf32, #tpu.memory_space<hbm>> -> memref<64x384xf32, #tpu.memory_space<hbm>>
        %dma_wait3A_428 = arith.constant 0 : i32
        %dma_wait3A_429 = tpu.memref_slice %arg5[%add3A_425, %dma_wait3A_428] : memref<802816x384xf32, #tpu.memory_space<hbm>> -> memref<64x384xf32, #tpu.memory_space<hbm>>
        tpu.wait_dma2 semaphore(%arg14 : memref<!tpu.dma_semaphore, #tpu.memory_space<semaphore_mem>>) src(%arg8 : memref<64x384xf32, #tpu.memory_space<vmem>>) dst(%dma_wait3A_429 : memref<64x384xf32, #tpu.memory_space<hbm>>)
      } else {
      }
      %broadcast_in_dim3A = arith.constant 0 : i32
      %broadcast_in_dim3A_45 = vector.broadcast %broadcast_in_dim3A : i32 to vector<16xi32>
      %get3A = arith.constant 0 : index
      %get3A_46 = tpu.vector_load %arg10[%get3A] {strides = array<i32>} : memref<384xi32, #tpu.memory_space<vmem>>, vector<16xi32>,
      %get3A_47 = arith.constant 0 : index
      %get3A_48 = tpu.vector_load %arg11[%get3A_47] {strides = array<i32>} : memref<384xf32, #tpu.memory_space<vmem>>, vector<16xf32>,
      %parallel_loop3A = arith.constant 0 : i32
      %parallel_loop3A_49 = arith.constant 64 : i32
      %parallel_loop3A_50 = arith.constant 1 : i32
      scf.for %parallel_loop3A_423 = %parallel_loop3A to %parallel_loop3A_49 step %parallel_loop3A_50  : i32 {
        %parallel_loop3A_424 = arith.index_cast %parallel_loop3A_423 : i32 to index
        %parallel_loop3A_425 = arith.constant 0 : index
        %parallel_loop3A_426 = tpu.vector_load %arg6[%parallel_loop3A_424, %parallel_loop3A_425] {strides = array<i32>} : memref<64x384xf32, #tpu.memory_space<vmem>>, vector<16xf32>,
        %parallel_loop3A_427 = arith.mulf %parallel_loop3A_426, %get3A_48 : vector<16xf32>
        %parallel_loop3A_428 = arith.index_cast %parallel_loop3A_423 : i32 to index
        %parallel_loop3A_429 = arith.constant 0 : index
        %parallel_loop3A_430 = tpu.vector_load %arg8[%parallel_loop3A_428, %parallel_loop3A_429] {strides = array<i32>} : memref<64x384xf32, #tpu.memory_space<vmem>>, vector<16xf32>,
        tpu.vector_store %arg8[%parallel_loop3A_428, %parallel_loop3A_429], %parallel_loop3A_427 {strides = array<i32>} : memref<64x384xf32, #tpu.memory_space<vmem>>, vector<16xf32>,
      } {sc.loop_unroll_factor = 8 : i64, sc.parallel_access}
      %get3A_51 = arith.constant 16 : index
      %get3A_52 = tpu.vector_load %arg10[%get3A_51] {strides = array<i32>} : memref<384xi32, #tpu.memory_space<vmem>>, vector<16xi32>,
      %get3A_53 = arith.constant 16 : index
      %get3A_54 = tpu.vector_load %arg11[%get3A_53] {strides = array<i32>} : memref<384xf32, #tpu.memory_space<vmem>>, vector<16xf32>,
      %parallel_loop3A_55 = arith.constant 0 : i32
      %parallel_loop3A_56 = arith.constant 64 : i32
      %parallel_loop3A_57 = arith.constant 1 : i32
      scf.for %parallel_loop3A_423 = %parallel_loop3A_55 to %parallel_loop3A_56 step %parallel_loop3A_57  : i32 {
        %parallel_loop3A_424 = arith.index_cast %parallel_loop3A_423 : i32 to index
        %parallel_loop3A_425 = arith.constant 16 : index
        %parallel_loop3A_426 = tpu.vector_load %arg6[%parallel_loop3A_424, %parallel_loop3A_425] {strides = array<i32>} : memref<64x384xf32, #tpu.memory_space<vmem>>, vector<16xf32>,
        %parallel_loop3A_427 = arith.mulf %parallel_loop3A_426, %get3A_54 : vector<16xf32>
        %parallel_loop3A_428 = arith.index_cast %parallel_loop3A_423 : i32 to index
        %parallel_loop3A_429 = arith.constant 16 : index
        %parallel_loop3A_430 = tpu.vector_load %arg8[%parallel_loop3A_428, %parallel_loop3A_429] {strides = array<i32>} : memref<64x384xf32, #tpu.memory_space<vmem>>, vector<16xf32>,
        tpu.vector_store %arg8[%parallel_loop3A_428, %parallel_loop3A_429], %parallel_loop3A_427 {strides = array<i32>} : memref<64x384xf32, #tpu.memory_space<vmem>>, vector<16xf32>,
      } {sc.loop_unroll_factor = 8 : i64, sc.parallel_access}
      %get3A_58 = arith.constant 32 : index
      %get3A_59 = tpu.vector_load %arg10[%get3A_58] {strides = array<i32>} : memref<384xi32, #tpu.memory_space<vmem>>, vector<16xi32>,
      %get3A_60 = arith.constant 32 : index
      %get3A_61 = tpu.vector_load %arg11[%get3A_60] {strides = array<i32>} : memref<384xf32, #tpu.memory_space<vmem>>, vector<16xf32>,
      %parallel_loop3A_62 = arith.constant 0 : i32
      %parallel_loop3A_63 = arith.constant 64 : i32
      %parallel_loop3A_64 = arith.constant 1 : i32
      scf.for %parallel_loop3A_423 = %parallel_loop3A_62 to %parallel_loop3A_63 step %parallel_loop3A_64  : i32 {
        %parallel_loop3A_424 = arith.index_cast %parallel_loop3A_423 : i32 to index
        %parallel_loop3A_425 = arith.constant 32 : index
        %parallel_loop3A_426 = tpu.vector_load %arg6[%parallel_loop3A_424, %parallel_loop3A_425] {strides = array<i32>} : memref<64x384xf32, #tpu.memory_space<vmem>>, vector<16xf32>,
        %parallel_loop3A_427 = arith.mulf %parallel_loop3A_426, %get3A_61 : vector<16xf32>
        %parallel_loop3A_428 = arith.index_cast %parallel_loop3A_423 : i32 to index
        %parallel_loop3A_429 = arith.constant 32 : index
        %parallel_loop3A_430 = tpu.vector_load %arg8[%parallel_loop3A_428, %parallel_loop3A_429] {strides = array<i32>} : memref<64x384xf32, #tpu.memory_space<vmem>>, vector<16xf32>,
        tpu.vector_store %arg8[%parallel_loop3A_428, %parallel_loop3A_429], %parallel_loop3A_427 {strides = array<i32>} : memref<64x384xf32, #tpu.memory_space<vmem>>, vector<16xf32>,
      } {sc.loop_unroll_factor = 8 : i64, sc.parallel_access}
      %get3A_65 = arith.constant 48 : index
      %get3A_66 = tpu.vector_load %arg10[%get3A_65] {strides = array<i32>} : memref<384xi32, #tpu.memory_space<vmem>>, vector<16xi32>,
      %get3A_67 = arith.constant 48 : index
      %get3A_68 = tpu.vector_load %arg11[%get3A_67] {strides = array<i32>} : memref<384xf32, #tpu.memory_space<vmem>>, vector<16xf32>,
      %parallel_loop3A_69 = arith.constant 0 : i32
      %parallel_loop3A_70 = arith.constant 64 : i32
      %parallel_loop3A_71 = arith.constant 1 : i32
      scf.for %parallel_loop3A_423 = %parallel_loop3A_69 to %parallel_loop3A_70 step %parallel_loop3A_71  : i32 {
        %parallel_loop3A_424 = arith.index_cast %parallel_loop3A_423 : i32 to index
        %parallel_loop3A_425 = arith.constant 48 : index
        %parallel_loop3A_426 = tpu.vector_load %arg6[%parallel_loop3A_424, %parallel_loop3A_425] {strides = array<i32>} : memref<64x384xf32, #tpu.memory_space<vmem>>, vector<16xf32>,
        %parallel_loop3A_427 = arith.mulf %parallel_loop3A_426, %get3A_68 : vector<16xf32>
        %parallel_loop3A_428 = arith.index_cast %parallel_loop3A_423 : i32 to index
        %parallel_loop3A_429 = arith.constant 48 : index
        %parallel_loop3A_430 = tpu.vector_load %arg8[%parallel_loop3A_428, %parallel_loop3A_429] {strides = array<i32>} : memref<64x384xf32, #tpu.memory_space<vmem>>, vector<16xf32>,
        tpu.vector_store %arg8[%parallel_loop3A_428, %parallel_loop3A_429], %parallel_loop3A_427 {strides = array<i32>} : memref<64x384xf32, #tpu.memory_space<vmem>>, vector<16xf32>,
      } {sc.loop_unroll_factor = 8 : i64, sc.parallel_access}
      %get3A_72 = arith.constant 64 : index
      %get3A_73 = tpu.vector_load %arg10[%get3A_72] {strides = array<i32>} : memref<384xi32, #tpu.memory_space<vmem>>, vector<16xi32>,
      %get3A_74 = arith.constant 64 : index
      %get3A_75 = tpu.vector_load %arg11[%get3A_74] {strides = array<i32>} : memref<384xf32, #tpu.memory_space<vmem>>, vector<16xf32>,
      %parallel_loop3A_76 = arith.constant 0 : i32
      %parallel_loop3A_77 = arith.constant 64 : i32
      %parallel_loop3A_78 = arith.constant 1 : i32
      scf.for %parallel_loop3A_423 = %parallel_loop3A_76 to %parallel_loop3A_77 step %parallel_loop3A_78  : i32 {
        %parallel_loop3A_424 = arith.index_cast %parallel_loop3A_423 : i32 to index
        %parallel_loop3A_425 = arith.constant 64 : index
        %parallel_loop3A_426 = tpu.vector_load %arg6[%parallel_loop3A_424, %parallel_loop3A_425] {strides = array<i32>} : memref<64x384xf32, #tpu.memory_space<vmem>>, vector<16xf32>,
        %parallel_loop3A_427 = arith.mulf %parallel_loop3A_426, %get3A_75 : vector<16xf32>
        %parallel_loop3A_428 = arith.index_cast %parallel_loop3A_423 : i32 to index
        %parallel_loop3A_429 = arith.constant 64 : index
        %parallel_loop3A_430 = tpu.vector_load %arg8[%parallel_loop3A_428, %parallel_loop3A_429] {strides = array<i32>} : memref<64x384xf32, #tpu.memory_space<vmem>>, vector<16xf32>,
        tpu.vector_store %arg8[%parallel_loop3A_428, %parallel_loop3A_429], %parallel_loop3A_427 {strides = array<i32>} : memref<64x384xf32, #tpu.memory_space<vmem>>, vector<16xf32>,
      } {sc.loop_unroll_factor = 8 : i64, sc.parallel_access}
      %get3A_79 = arith.constant 80 : index
      %get3A_80 = tpu.vector_load %arg10[%get3A_79] {strides = array<i32>} : memref<384xi32, #tpu.memory_space<vmem>>, vector<16xi32>,
      %get3A_81 = arith.constant 80 : index
      %get3A_82 = tpu.vector_load %arg11[%get3A_81] {strides = array<i32>} : memref<384xf32, #tpu.memory_space<vmem>>, vector<16xf32>,
      %parallel_loop3A_83 = arith.constant 0 : i32
      %parallel_loop3A_84 = arith.constant 64 : i32
      %parallel_loop3A_85 = arith.constant 1 : i32
      scf.for %parallel_loop3A_423 = %parallel_loop3A_83 to %parallel_loop3A_84 step %parallel_loop3A_85  : i32 {
        %parallel_loop3A_424 = arith.index_cast %parallel_loop3A_423 : i32 to index
        %parallel_loop3A_425 = arith.constant 80 : index
        %parallel_loop3A_426 = tpu.vector_load %arg6[%parallel_loop3A_424, %parallel_loop3A_425] {strides = array<i32>} : memref<64x384xf32, #tpu.memory_space<vmem>>, vector<16xf32>,
        %parallel_loop3A_427 = arith.mulf %parallel_loop3A_426, %get3A_82 : vector<16xf32>
        %parallel_loop3A_428 = arith.index_cast %parallel_loop3A_423 : i32 to index
        %parallel_loop3A_429 = arith.constant 80 : index
        %parallel_loop3A_430 = tpu.vector_load %arg8[%parallel_loop3A_428, %parallel_loop3A_429] {strides = array<i32>} : memref<64x384xf32, #tpu.memory_space<vmem>>, vector<16xf32>,
        tpu.vector_store %arg8[%parallel_loop3A_428, %parallel_loop3A_429], %parallel_loop3A_427 {strides = array<i32>} : memref<64x384xf32, #tpu.memory_space<vmem>>, vector<16xf32>,
      } {sc.loop_unroll_factor = 8 : i64, sc.parallel_access}
      %get3A_86 = arith.constant 96 : index
      %get3A_87 = tpu.vector_load %arg10[%get3A_86] {strides = array<i32>} : memref<384xi32, #tpu.memory_space<vmem>>, vector<16xi32>,
      %get3A_88 = arith.constant 96 : index
      %get3A_89 = tpu.vector_load %arg11[%get3A_88] {strides = array<i32>} : memref<384xf32, #tpu.memory_space<vmem>>, vector<16xf32>,
      %parallel_loop3A_90 = arith.constant 0 : i32
      %parallel_loop3A_91 = arith.constant 64 : i32
      %parallel_loop3A_92 = arith.constant 1 : i32
      scf.for %parallel_loop3A_423 = %parallel_loop3A_90 to %parallel_loop3A_91 step %parallel_loop3A_92  : i32 {
        %parallel_loop3A_424 = arith.index_cast %parallel_loop3A_423 : i32 to index
        %parallel_loop3A_425 = arith.constant 96 : index
        %parallel_loop3A_426 = tpu.vector_load %arg6[%parallel_loop3A_424, %parallel_loop3A_425] {strides = array<i32>} : memref<64x384xf32, #tpu.memory_space<vmem>>, vector<16xf32>,
        %parallel_loop3A_427 = arith.mulf %parallel_loop3A_426, %get3A_89 : vector<16xf32>
        %parallel_loop3A_428 = arith.index_cast %parallel_loop3A_423 : i32 to index
        %parallel_loop3A_429 = arith.constant 96 : index
        %parallel_loop3A_430 = tpu.vector_load %arg8[%parallel_loop3A_428, %parallel_loop3A_429] {strides = array<i32>} : memref<64x384xf32, #tpu.memory_space<vmem>>, vector<16xf32>,
        tpu.vector_store %arg8[%parallel_loop3A_428, %parallel_loop3A_429], %parallel_loop3A_427 {strides = array<i32>} : memref<64x384xf32, #tpu.memory_space<vmem>>, vector<16xf32>,
      } {sc.loop_unroll_factor = 8 : i64, sc.parallel_access}
      %get3A_93 = arith.constant 112 : index
      %get3A_94 = tpu.vector_load %arg10[%get3A_93] {strides = array<i32>} : memref<384xi32, #tpu.memory_space<vmem>>, vector<16xi32>,
      %get3A_95 = arith.constant 112 : index
      %get3A_96 = tpu.vector_load %arg11[%get3A_95] {strides = array<i32>} : memref<384xf32, #tpu.memory_space<vmem>>, vector<16xf32>,
      %parallel_loop3A_97 = arith.constant 0 : i32
      %parallel_loop3A_98 = arith.constant 64 : i32
      %parallel_loop3A_99 = arith.constant 1 : i32
      scf.for %parallel_loop3A_423 = %parallel_loop3A_97 to %parallel_loop3A_98 step %parallel_loop3A_99  : i32 {
        %parallel_loop3A_424 = arith.index_cast %parallel_loop3A_423 : i32 to index
        %parallel_loop3A_425 = arith.constant 112 : index
        %parallel_loop3A_426 = tpu.vector_load %arg6[%parallel_loop3A_424, %parallel_loop3A_425] {strides = array<i32>} : memref<64x384xf32, #tpu.memory_space<vmem>>, vector<16xf32>,
        %parallel_loop3A_427 = arith.mulf %parallel_loop3A_426, %get3A_96 : vector<16xf32>
        %parallel_loop3A_428 = arith.index_cast %parallel_loop3A_423 : i32 to index
        %parallel_loop3A_429 = arith.constant 112 : index
        %parallel_loop3A_430 = tpu.vector_load %arg8[%parallel_loop3A_428, %parallel_loop3A_429] {strides = array<i32>} : memref<64x384xf32, #tpu.memory_space<vmem>>, vector<16xf32>,
        tpu.vector_store %arg8[%parallel_loop3A_428, %parallel_loop3A_429], %parallel_loop3A_427 {strides = array<i32>} : memref<64x384xf32, #tpu.memory_space<vmem>>, vector<16xf32>,
      } {sc.loop_unroll_factor = 8 : i64, sc.parallel_access}
      %get3A_100 = arith.constant 128 : index
      %get3A_101 = tpu.vector_load %arg10[%get3A_100] {strides = array<i32>} : memref<384xi32, #tpu.memory_space<vmem>>, vector<16xi32>,
      %get3A_102 = arith.constant 128 : index
      %get3A_103 = tpu.vector_load %arg11[%get3A_102] {strides = array<i32>} : memref<384xf32, #tpu.memory_space<vmem>>, vector<16xf32>,
      %parallel_loop3A_104 = arith.constant 0 : i32
      %parallel_loop3A_105 = arith.constant 64 : i32
      %parallel_loop3A_106 = arith.constant 1 : i32
      scf.for %parallel_loop3A_423 = %parallel_loop3A_104 to %parallel_loop3A_105 step %parallel_loop3A_106  : i32 {
        %parallel_loop3A_424 = arith.index_cast %parallel_loop3A_423 : i32 to index
        %parallel_loop3A_425 = arith.constant 128 : index
        %parallel_loop3A_426 = tpu.vector_load %arg6[%parallel_loop3A_424, %parallel_loop3A_425] {strides = array<i32>} : memref<64x384xf32, #tpu.memory_space<vmem>>, vector<16xf32>,
        %parallel_loop3A_427 = arith.mulf %parallel_loop3A_426, %get3A_103 : vector<16xf32>
        %parallel_loop3A_428 = arith.index_cast %parallel_loop3A_423 : i32 to index
        %parallel_loop3A_429 = arith.constant 128 : index
        %parallel_loop3A_430 = tpu.vector_load %arg8[%parallel_loop3A_428, %parallel_loop3A_429] {strides = array<i32>} : memref<64x384xf32, #tpu.memory_space<vmem>>, vector<16xf32>,
        tpu.vector_store %arg8[%parallel_loop3A_428, %parallel_loop3A_429], %parallel_loop3A_427 {strides = array<i32>} : memref<64x384xf32, #tpu.memory_space<vmem>>, vector<16xf32>,
      } {sc.loop_unroll_factor = 8 : i64, sc.parallel_access}
      %get3A_107 = arith.constant 144 : index
      %get3A_108 = tpu.vector_load %arg10[%get3A_107] {strides = array<i32>} : memref<384xi32, #tpu.memory_space<vmem>>, vector<16xi32>,
      %get3A_109 = arith.constant 144 : index
      %get3A_110 = tpu.vector_load %arg11[%get3A_109] {strides = array<i32>} : memref<384xf32, #tpu.memory_space<vmem>>, vector<16xf32>,
      %parallel_loop3A_111 = arith.constant 0 : i32
      %parallel_loop3A_112 = arith.constant 64 : i32
      %parallel_loop3A_113 = arith.constant 1 : i32
      scf.for %parallel_loop3A_423 = %parallel_loop3A_111 to %parallel_loop3A_112 step %parallel_loop3A_113  : i32 {
        %parallel_loop3A_424 = arith.index_cast %parallel_loop3A_423 : i32 to index
        %parallel_loop3A_425 = arith.constant 144 : index
        %parallel_loop3A_426 = tpu.vector_load %arg6[%parallel_loop3A_424, %parallel_loop3A_425] {strides = array<i32>} : memref<64x384xf32, #tpu.memory_space<vmem>>, vector<16xf32>,
        %parallel_loop3A_427 = arith.mulf %parallel_loop3A_426, %get3A_110 : vector<16xf32>
        %parallel_loop3A_428 = arith.index_cast %parallel_loop3A_423 : i32 to index
        %parallel_loop3A_429 = arith.constant 144 : index
        %parallel_loop3A_430 = tpu.vector_load %arg8[%parallel_loop3A_428, %parallel_loop3A_429] {strides = array<i32>} : memref<64x384xf32, #tpu.memory_space<vmem>>, vector<16xf32>,
        tpu.vector_store %arg8[%parallel_loop3A_428, %parallel_loop3A_429], %parallel_loop3A_427 {strides = array<i32>} : memref<64x384xf32, #tpu.memory_space<vmem>>, vector<16xf32>,
      } {sc.loop_unroll_factor = 8 : i64, sc.parallel_access}
      %get3A_114 = arith.constant 160 : index
      %get3A_115 = tpu.vector_load %arg10[%get3A_114] {strides = array<i32>} : memref<384xi32, #tpu.memory_space<vmem>>, vector<16xi32>,
      %get3A_116 = arith.constant 160 : index
      %get3A_117 = tpu.vector_load %arg11[%get3A_116] {strides = array<i32>} : memref<384xf32, #tpu.memory_space<vmem>>, vector<16xf32>,
      %parallel_loop3A_118 = arith.constant 0 : i32
      %parallel_loop3A_119 = arith.constant 64 : i32
      %parallel_loop3A_120 = arith.constant 1 : i32
      scf.for %parallel_loop3A_423 = %parallel_loop3A_118 to %parallel_loop3A_119 step %parallel_loop3A_120  : i32 {
        %parallel_loop3A_424 = arith.index_cast %parallel_loop3A_423 : i32 to index
        %parallel_loop3A_425 = arith.constant 160 : index
        %parallel_loop3A_426 = tpu.vector_load %arg6[%parallel_loop3A_424, %parallel_loop3A_425] {strides = array<i32>} : memref<64x384xf32, #tpu.memory_space<vmem>>, vector<16xf32>,
        %parallel_loop3A_427 = arith.mulf %parallel_loop3A_426, %get3A_117 : vector<16xf32>
        %parallel_loop3A_428 = arith.index_cast %parallel_loop3A_423 : i32 to index
        %parallel_loop3A_429 = arith.constant 160 : index
        %parallel_loop3A_430 = tpu.vector_load %arg8[%parallel_loop3A_428, %parallel_loop3A_429] {strides = array<i32>} : memref<64x384xf32, #tpu.memory_space<vmem>>, vector<16xf32>,
        tpu.vector_store %arg8[%parallel_loop3A_428, %parallel_loop3A_429], %parallel_loop3A_427 {strides = array<i32>} : memref<64x384xf32, #tpu.memory_space<vmem>>, vector<16xf32>,
      } {sc.loop_unroll_factor = 8 : i64, sc.parallel_access}
      %get3A_121 = arith.constant 176 : index
      %get3A_122 = tpu.vector_load %arg10[%get3A_121] {strides = array<i32>} : memref<384xi32, #tpu.memory_space<vmem>>, vector<16xi32>,
      %get3A_123 = arith.constant 176 : index
      %get3A_124 = tpu.vector_load %arg11[%get3A_123] {strides = array<i32>} : memref<384xf32, #tpu.memory_space<vmem>>, vector<16xf32>,
      %parallel_loop3A_125 = arith.constant 0 : i32
      %parallel_loop3A_126 = arith.constant 64 : i32
      %parallel_loop3A_127 = arith.constant 1 : i32
      scf.for %parallel_loop3A_423 = %parallel_loop3A_125 to %parallel_loop3A_126 step %parallel_loop3A_127  : i32 {
        %parallel_loop3A_424 = arith.index_cast %parallel_loop3A_423 : i32 to index
        %parallel_loop3A_425 = arith.constant 176 : index
        %parallel_loop3A_426 = tpu.vector_load %arg6[%parallel_loop3A_424, %parallel_loop3A_425] {strides = array<i32>} : memref<64x384xf32, #tpu.memory_space<vmem>>, vector<16xf32>,
        %parallel_loop3A_427 = arith.mulf %parallel_loop3A_426, %get3A_124 : vector<16xf32>
        %parallel_loop3A_428 = arith.index_cast %parallel_loop3A_423 : i32 to index
        %parallel_loop3A_429 = arith.constant 176 : index
        %parallel_loop3A_430 = tpu.vector_load %arg8[%parallel_loop3A_428, %parallel_loop3A_429] {strides = array<i32>} : memref<64x384xf32, #tpu.memory_space<vmem>>, vector<16xf32>,
        tpu.vector_store %arg8[%parallel_loop3A_428, %parallel_loop3A_429], %parallel_loop3A_427 {strides = array<i32>} : memref<64x384xf32, #tpu.memory_space<vmem>>, vector<16xf32>,
      } {sc.loop_unroll_factor = 8 : i64, sc.parallel_access}
      %get3A_128 = arith.constant 192 : index
      %get3A_129 = tpu.vector_load %arg10[%get3A_128] {strides = array<i32>} : memref<384xi32, #tpu.memory_space<vmem>>, vector<16xi32>,
      %get3A_130 = arith.constant 192 : index
      %get3A_131 = tpu.vector_load %arg11[%get3A_130] {strides = array<i32>} : memref<384xf32, #tpu.memory_space<vmem>>, vector<16xf32>,
      %parallel_loop3A_132 = arith.constant 0 : i32
      %parallel_loop3A_133 = arith.constant 64 : i32
      %parallel_loop3A_134 = arith.constant 1 : i32
      scf.for %parallel_loop3A_423 = %parallel_loop3A_132 to %parallel_loop3A_133 step %parallel_loop3A_134  : i32 {
        %parallel_loop3A_424 = arith.index_cast %parallel_loop3A_423 : i32 to index
        %parallel_loop3A_425 = arith.constant 192 : index
        %parallel_loop3A_426 = tpu.vector_load %arg6[%parallel_loop3A_424, %parallel_loop3A_425] {strides = array<i32>} : memref<64x384xf32, #tpu.memory_space<vmem>>, vector<16xf32>,
        %parallel_loop3A_427 = arith.mulf %parallel_loop3A_426, %get3A_131 : vector<16xf32>
        %parallel_loop3A_428 = arith.index_cast %parallel_loop3A_423 : i32 to index
        %parallel_loop3A_429 = arith.constant 192 : index
        %parallel_loop3A_430 = tpu.vector_load %arg8[%parallel_loop3A_428, %parallel_loop3A_429] {strides = array<i32>} : memref<64x384xf32, #tpu.memory_space<vmem>>, vector<16xf32>,
        tpu.vector_store %arg8[%parallel_loop3A_428, %parallel_loop3A_429], %parallel_loop3A_427 {strides = array<i32>} : memref<64x384xf32, #tpu.memory_space<vmem>>, vector<16xf32>,
      } {sc.loop_unroll_factor = 8 : i64, sc.parallel_access}
      %get3A_135 = arith.constant 208 : index
      %get3A_136 = tpu.vector_load %arg10[%get3A_135] {strides = array<i32>} : memref<384xi32, #tpu.memory_space<vmem>>, vector<16xi32>,
      %get3A_137 = arith.constant 208 : index
      %get3A_138 = tpu.vector_load %arg11[%get3A_137] {strides = array<i32>} : memref<384xf32, #tpu.memory_space<vmem>>, vector<16xf32>,
      %parallel_loop3A_139 = arith.constant 0 : i32
      %parallel_loop3A_140 = arith.constant 64 : i32
      %parallel_loop3A_141 = arith.constant 1 : i32
      scf.for %parallel_loop3A_423 = %parallel_loop3A_139 to %parallel_loop3A_140 step %parallel_loop3A_141  : i32 {
        %parallel_loop3A_424 = arith.index_cast %parallel_loop3A_423 : i32 to index
        %parallel_loop3A_425 = arith.constant 208 : index
        %parallel_loop3A_426 = tpu.vector_load %arg6[%parallel_loop3A_424, %parallel_loop3A_425] {strides = array<i32>} : memref<64x384xf32, #tpu.memory_space<vmem>>, vector<16xf32>,
        %parallel_loop3A_427 = arith.mulf %parallel_loop3A_426, %get3A_138 : vector<16xf32>
        %parallel_loop3A_428 = arith.index_cast %parallel_loop3A_423 : i32 to index
        %parallel_loop3A_429 = arith.constant 208 : index
        %parallel_loop3A_430 = tpu.vector_load %arg8[%parallel_loop3A_428, %parallel_loop3A_429] {strides = array<i32>} : memref<64x384xf32, #tpu.memory_space<vmem>>, vector<16xf32>,
        tpu.vector_store %arg8[%parallel_loop3A_428, %parallel_loop3A_429], %parallel_loop3A_427 {strides = array<i32>} : memref<64x384xf32, #tpu.memory_space<vmem>>, vector<16xf32>,
      } {sc.loop_unroll_factor = 8 : i64, sc.parallel_access}
      %get3A_142 = arith.constant 224 : index
      %get3A_143 = tpu.vector_load %arg10[%get3A_142] {strides = array<i32>} : memref<384xi32, #tpu.memory_space<vmem>>, vector<16xi32>,
      %get3A_144 = arith.constant 224 : index
      %get3A_145 = tpu.vector_load %arg11[%get3A_144] {strides = array<i32>} : memref<384xf32, #tpu.memory_space<vmem>>, vector<16xf32>,
      %parallel_loop3A_146 = arith.constant 0 : i32
      %parallel_loop3A_147 = arith.constant 64 : i32
      %parallel_loop3A_148 = arith.constant 1 : i32
      scf.for %parallel_loop3A_423 = %parallel_loop3A_146 to %parallel_loop3A_147 step %parallel_loop3A_148  : i32 {
        %parallel_loop3A_424 = arith.index_cast %parallel_loop3A_423 : i32 to index
        %parallel_loop3A_425 = arith.constant 224 : index
        %parallel_loop3A_426 = tpu.vector_load %arg6[%parallel_loop3A_424, %parallel_loop3A_425] {strides = array<i32>} : memref<64x384xf32, #tpu.memory_space<vmem>>, vector<16xf32>,
        %parallel_loop3A_427 = arith.mulf %parallel_loop3A_426, %get3A_145 : vector<16xf32>
        %parallel_loop3A_428 = arith.index_cast %parallel_loop3A_423 : i32 to index
        %parallel_loop3A_429 = arith.constant 224 : index
        %parallel_loop3A_430 = tpu.vector_load %arg8[%parallel_loop3A_428, %parallel_loop3A_429] {strides = array<i32>} : memref<64x384xf32, #tpu.memory_space<vmem>>, vector<16xf32>,
        tpu.vector_store %arg8[%parallel_loop3A_428, %parallel_loop3A_429], %parallel_loop3A_427 {strides = array<i32>} : memref<64x384xf32, #tpu.memory_space<vmem>>, vector<16xf32>,
      } {sc.loop_unroll_factor = 8 : i64, sc.parallel_access}
      %get3A_149 = arith.constant 240 : index
      %get3A_150 = tpu.vector_load %arg10[%get3A_149] {strides = array<i32>} : memref<384xi32, #tpu.memory_space<vmem>>, vector<16xi32>,
      %get3A_151 = arith.constant 240 : index
      %get3A_152 = tpu.vector_load %arg11[%get3A_151] {strides = array<i32>} : memref<384xf32, #tpu.memory_space<vmem>>, vector<16xf32>,
      %parallel_loop3A_153 = arith.constant 0 : i32
      %parallel_loop3A_154 = arith.constant 64 : i32
      %parallel_loop3A_155 = arith.constant 1 : i32
      scf.for %parallel_loop3A_423 = %parallel_loop3A_153 to %parallel_loop3A_154 step %parallel_loop3A_155  : i32 {
        %parallel_loop3A_424 = arith.index_cast %parallel_loop3A_423 : i32 to index
        %parallel_loop3A_425 = arith.constant 240 : index
        %parallel_loop3A_426 = tpu.vector_load %arg6[%parallel_loop3A_424, %parallel_loop3A_425] {strides = array<i32>} : memref<64x384xf32, #tpu.memory_space<vmem>>, vector<16xf32>,
        %parallel_loop3A_427 = arith.mulf %parallel_loop3A_426, %get3A_152 : vector<16xf32>
        %parallel_loop3A_428 = arith.index_cast %parallel_loop3A_423 : i32 to index
        %parallel_loop3A_429 = arith.constant 240 : index
        %parallel_loop3A_430 = tpu.vector_load %arg8[%parallel_loop3A_428, %parallel_loop3A_429] {strides = array<i32>} : memref<64x384xf32, #tpu.memory_space<vmem>>, vector<16xf32>,
        tpu.vector_store %arg8[%parallel_loop3A_428, %parallel_loop3A_429], %parallel_loop3A_427 {strides = array<i32>} : memref<64x384xf32, #tpu.memory_space<vmem>>, vector<16xf32>,
      } {sc.loop_unroll_factor = 8 : i64, sc.parallel_access}
      %get3A_156 = arith.constant 256 : index
      %get3A_157 = tpu.vector_load %arg10[%get3A_156] {strides = array<i32>} : memref<384xi32, #tpu.memory_space<vmem>>, vector<16xi32>,
      %get3A_158 = arith.constant 256 : index
      %get3A_159 = tpu.vector_load %arg11[%get3A_158] {strides = array<i32>} : memref<384xf32, #tpu.memory_space<vmem>>, vector<16xf32>,
      %parallel_loop3A_160 = arith.constant 0 : i32
      %parallel_loop3A_161 = arith.constant 64 : i32
      %parallel_loop3A_162 = arith.constant 1 : i32
      scf.for %parallel_loop3A_423 = %parallel_loop3A_160 to %parallel_loop3A_161 step %parallel_loop3A_162  : i32 {
        %parallel_loop3A_424 = arith.index_cast %parallel_loop3A_423 : i32 to index
        %parallel_loop3A_425 = arith.constant 256 : index
        %parallel_loop3A_426 = tpu.vector_load %arg6[%parallel_loop3A_424, %parallel_loop3A_425] {strides = array<i32>} : memref<64x384xf32, #tpu.memory_space<vmem>>, vector<16xf32>,
        %parallel_loop3A_427 = arith.mulf %parallel_loop3A_426, %get3A_159 : vector<16xf32>
        %parallel_loop3A_428 = arith.index_cast %parallel_loop3A_423 : i32 to index
        %parallel_loop3A_429 = arith.constant 256 : index
        %parallel_loop3A_430 = tpu.vector_load %arg8[%parallel_loop3A_428, %parallel_loop3A_429] {strides = array<i32>} : memref<64x384xf32, #tpu.memory_space<vmem>>, vector<16xf32>,
        tpu.vector_store %arg8[%parallel_loop3A_428, %parallel_loop3A_429], %parallel_loop3A_427 {strides = array<i32>} : memref<64x384xf32, #tpu.memory_space<vmem>>, vector<16xf32>,
      } {sc.loop_unroll_factor = 8 : i64, sc.parallel_access}
      %get3A_163 = arith.constant 272 : index
      %get3A_164 = tpu.vector_load %arg10[%get3A_163] {strides = array<i32>} : memref<384xi32, #tpu.memory_space<vmem>>, vector<16xi32>,
      %get3A_165 = arith.constant 272 : index
      %get3A_166 = tpu.vector_load %arg11[%get3A_165] {strides = array<i32>} : memref<384xf32, #tpu.memory_space<vmem>>, vector<16xf32>,
      %parallel_loop3A_167 = arith.constant 0 : i32
      %parallel_loop3A_168 = arith.constant 64 : i32
      %parallel_loop3A_169 = arith.constant 1 : i32
      scf.for %parallel_loop3A_423 = %parallel_loop3A_167 to %parallel_loop3A_168 step %parallel_loop3A_169  : i32 {
        %parallel_loop3A_424 = arith.index_cast %parallel_loop3A_423 : i32 to index
        %parallel_loop3A_425 = arith.constant 272 : index
        %parallel_loop3A_426 = tpu.vector_load %arg6[%parallel_loop3A_424, %parallel_loop3A_425] {strides = array<i32>} : memref<64x384xf32, #tpu.memory_space<vmem>>, vector<16xf32>,
        %parallel_loop3A_427 = arith.mulf %parallel_loop3A_426, %get3A_166 : vector<16xf32>
        %parallel_loop3A_428 = arith.index_cast %parallel_loop3A_423 : i32 to index
        %parallel_loop3A_429 = arith.constant 272 : index
        %parallel_loop3A_430 = tpu.vector_load %arg8[%parallel_loop3A_428, %parallel_loop3A_429] {strides = array<i32>} : memref<64x384xf32, #tpu.memory_space<vmem>>, vector<16xf32>,
        tpu.vector_store %arg8[%parallel_loop3A_428, %parallel_loop3A_429], %parallel_loop3A_427 {strides = array<i32>} : memref<64x384xf32, #tpu.memory_space<vmem>>, vector<16xf32>,
      } {sc.loop_unroll_factor = 8 : i64, sc.parallel_access}
      %get3A_170 = arith.constant 288 : index
      %get3A_171 = tpu.vector_load %arg10[%get3A_170] {strides = array<i32>} : memref<384xi32, #tpu.memory_space<vmem>>, vector<16xi32>,
      %get3A_172 = arith.constant 288 : index
      %get3A_173 = tpu.vector_load %arg11[%get3A_172] {strides = array<i32>} : memref<384xf32, #tpu.memory_space<vmem>>, vector<16xf32>,
      %parallel_loop3A_174 = arith.constant 0 : i32
      %parallel_loop3A_175 = arith.constant 64 : i32
      %parallel_loop3A_176 = arith.constant 1 : i32
      scf.for %parallel_loop3A_423 = %parallel_loop3A_174 to %parallel_loop3A_175 step %parallel_loop3A_176  : i32 {
        %parallel_loop3A_424 = arith.index_cast %parallel_loop3A_423 : i32 to index
        %parallel_loop3A_425 = arith.constant 288 : index
        %parallel_loop3A_426 = tpu.vector_load %arg6[%parallel_loop3A_424, %parallel_loop3A_425] {strides = array<i32>} : memref<64x384xf32, #tpu.memory_space<vmem>>, vector<16xf32>,
        %parallel_loop3A_427 = arith.mulf %parallel_loop3A_426, %get3A_173 : vector<16xf32>
        %parallel_loop3A_428 = arith.index_cast %parallel_loop3A_423 : i32 to index
        %parallel_loop3A_429 = arith.constant 288 : index
        %parallel_loop3A_430 = tpu.vector_load %arg8[%parallel_loop3A_428, %parallel_loop3A_429] {strides = array<i32>} : memref<64x384xf32, #tpu.memory_space<vmem>>, vector<16xf32>,
        tpu.vector_store %arg8[%parallel_loop3A_428, %parallel_loop3A_429], %parallel_loop3A_427 {strides = array<i32>} : memref<64x384xf32, #tpu.memory_space<vmem>>, vector<16xf32>,
      } {sc.loop_unroll_factor = 8 : i64, sc.parallel_access}
      %get3A_177 = arith.constant 304 : index
      %get3A_178 = tpu.vector_load %arg10[%get3A_177] {strides = array<i32>} : memref<384xi32, #tpu.memory_space<vmem>>, vector<16xi32>,
      %get3A_179 = arith.constant 304 : index
      %get3A_180 = tpu.vector_load %arg11[%get3A_179] {strides = array<i32>} : memref<384xf32, #tpu.memory_space<vmem>>, vector<16xf32>,
      %parallel_loop3A_181 = arith.constant 0 : i32
      %parallel_loop3A_182 = arith.constant 64 : i32
      %parallel_loop3A_183 = arith.constant 1 : i32
      scf.for %parallel_loop3A_423 = %parallel_loop3A_181 to %parallel_loop3A_182 step %parallel_loop3A_183  : i32 {
        %parallel_loop3A_424 = arith.index_cast %parallel_loop3A_423 : i32 to index
        %parallel_loop3A_425 = arith.constant 304 : index
        %parallel_loop3A_426 = tpu.vector_load %arg6[%parallel_loop3A_424, %parallel_loop3A_425] {strides = array<i32>} : memref<64x384xf32, #tpu.memory_space<vmem>>, vector<16xf32>,
        %parallel_loop3A_427 = arith.mulf %parallel_loop3A_426, %get3A_180 : vector<16xf32>
        %parallel_loop3A_428 = arith.index_cast %parallel_loop3A_423 : i32 to index
        %parallel_loop3A_429 = arith.constant 304 : index
        %parallel_loop3A_430 = tpu.vector_load %arg8[%parallel_loop3A_428, %parallel_loop3A_429] {strides = array<i32>} : memref<64x384xf32, #tpu.memory_space<vmem>>, vector<16xf32>,
        tpu.vector_store %arg8[%parallel_loop3A_428, %parallel_loop3A_429], %parallel_loop3A_427 {strides = array<i32>} : memref<64x384xf32, #tpu.memory_space<vmem>>, vector<16xf32>,
      } {sc.loop_unroll_factor = 8 : i64, sc.parallel_access}
      %get3A_184 = arith.constant 320 : index
      %get3A_185 = tpu.vector_load %arg10[%get3A_184] {strides = array<i32>} : memref<384xi32, #tpu.memory_space<vmem>>, vector<16xi32>,
      %get3A_186 = arith.constant 320 : index
      %get3A_187 = tpu.vector_load %arg11[%get3A_186] {strides = array<i32>} : memref<384xf32, #tpu.memory_space<vmem>>, vector<16xf32>,
      %parallel_loop3A_188 = arith.constant 0 : i32
      %parallel_loop3A_189 = arith.constant 64 : i32
      %parallel_loop3A_190 = arith.constant 1 : i32
      scf.for %parallel_loop3A_423 = %parallel_loop3A_188 to %parallel_loop3A_189 step %parallel_loop3A_190  : i32 {
        %parallel_loop3A_424 = arith.index_cast %parallel_loop3A_423 : i32 to index
        %parallel_loop3A_425 = arith.constant 320 : index
        %parallel_loop3A_426 = tpu.vector_load %arg6[%parallel_loop3A_424, %parallel_loop3A_425] {strides = array<i32>} : memref<64x384xf32, #tpu.memory_space<vmem>>, vector<16xf32>,
        %parallel_loop3A_427 = arith.mulf %parallel_loop3A_426, %get3A_187 : vector<16xf32>
        %parallel_loop3A_428 = arith.index_cast %parallel_loop3A_423 : i32 to index
        %parallel_loop3A_429 = arith.constant 320 : index
        %parallel_loop3A_430 = tpu.vector_load %arg8[%parallel_loop3A_428, %parallel_loop3A_429] {strides = array<i32>} : memref<64x384xf32, #tpu.memory_space<vmem>>, vector<16xf32>,
        tpu.vector_store %arg8[%parallel_loop3A_428, %parallel_loop3A_429], %parallel_loop3A_427 {strides = array<i32>} : memref<64x384xf32, #tpu.memory_space<vmem>>, vector<16xf32>,
      } {sc.loop_unroll_factor = 8 : i64, sc.parallel_access}
      %get3A_191 = arith.constant 336 : index
      %get3A_192 = tpu.vector_load %arg10[%get3A_191] {strides = array<i32>} : memref<384xi32, #tpu.memory_space<vmem>>, vector<16xi32>,
      %get3A_193 = arith.constant 336 : index
      %get3A_194 = tpu.vector_load %arg11[%get3A_193] {strides = array<i32>} : memref<384xf32, #tpu.memory_space<vmem>>, vector<16xf32>,
      %parallel_loop3A_195 = arith.constant 0 : i32
      %parallel_loop3A_196 = arith.constant 64 : i32
      %parallel_loop3A_197 = arith.constant 1 : i32
      scf.for %parallel_loop3A_423 = %parallel_loop3A_195 to %parallel_loop3A_196 step %parallel_loop3A_197  : i32 {
        %parallel_loop3A_424 = arith.index_cast %parallel_loop3A_423 : i32 to index
        %parallel_loop3A_425 = arith.constant 336 : index
        %parallel_loop3A_426 = tpu.vector_load %arg6[%parallel_loop3A_424, %parallel_loop3A_425] {strides = array<i32>} : memref<64x384xf32, #tpu.memory_space<vmem>>, vector<16xf32>,
        %parallel_loop3A_427 = arith.mulf %parallel_loop3A_426, %get3A_194 : vector<16xf32>
        %parallel_loop3A_428 = arith.index_cast %parallel_loop3A_423 : i32 to index
        %parallel_loop3A_429 = arith.constant 336 : index
        %parallel_loop3A_430 = tpu.vector_load %arg8[%parallel_loop3A_428, %parallel_loop3A_429] {strides = array<i32>} : memref<64x384xf32, #tpu.memory_space<vmem>>, vector<16xf32>,
        tpu.vector_store %arg8[%parallel_loop3A_428, %parallel_loop3A_429], %parallel_loop3A_427 {strides = array<i32>} : memref<64x384xf32, #tpu.memory_space<vmem>>, vector<16xf32>,
      } {sc.loop_unroll_factor = 8 : i64, sc.parallel_access}
      %get3A_198 = arith.constant 352 : index
      %get3A_199 = tpu.vector_load %arg10[%get3A_198] {strides = array<i32>} : memref<384xi32, #tpu.memory_space<vmem>>, vector<16xi32>,
      %get3A_200 = arith.constant 352 : index
      %get3A_201 = tpu.vector_load %arg11[%get3A_200] {strides = array<i32>} : memref<384xf32, #tpu.memory_space<vmem>>, vector<16xf32>,
      %parallel_loop3A_202 = arith.constant 0 : i32
      %parallel_loop3A_203 = arith.constant 64 : i32
      %parallel_loop3A_204 = arith.constant 1 : i32
      scf.for %parallel_loop3A_423 = %parallel_loop3A_202 to %parallel_loop3A_203 step %parallel_loop3A_204  : i32 {
        %parallel_loop3A_424 = arith.index_cast %parallel_loop3A_423 : i32 to index
        %parallel_loop3A_425 = arith.constant 352 : index
        %parallel_loop3A_426 = tpu.vector_load %arg6[%parallel_loop3A_424, %parallel_loop3A_425] {strides = array<i32>} : memref<64x384xf32, #tpu.memory_space<vmem>>, vector<16xf32>,
        %parallel_loop3A_427 = arith.mulf %parallel_loop3A_426, %get3A_201 : vector<16xf32>
        %parallel_loop3A_428 = arith.index_cast %parallel_loop3A_423 : i32 to index
        %parallel_loop3A_429 = arith.constant 352 : index
        %parallel_loop3A_430 = tpu.vector_load %arg8[%parallel_loop3A_428, %parallel_loop3A_429] {strides = array<i32>} : memref<64x384xf32, #tpu.memory_space<vmem>>, vector<16xf32>,
        tpu.vector_store %arg8[%parallel_loop3A_428, %parallel_loop3A_429], %parallel_loop3A_427 {strides = array<i32>} : memref<64x384xf32, #tpu.memory_space<vmem>>, vector<16xf32>,
      } {sc.loop_unroll_factor = 8 : i64, sc.parallel_access}
      %get3A_205 = arith.constant 368 : index
      %get3A_206 = tpu.vector_load %arg10[%get3A_205] {strides = array<i32>} : memref<384xi32, #tpu.memory_space<vmem>>, vector<16xi32>,
      %get3A_207 = arith.constant 368 : index
      %get3A_208 = tpu.vector_load %arg11[%get3A_207] {strides = array<i32>} : memref<384xf32, #tpu.memory_space<vmem>>, vector<16xf32>,
      %parallel_loop3A_209 = arith.constant 0 : i32
      %parallel_loop3A_210 = arith.constant 64 : i32
      %parallel_loop3A_211 = arith.constant 1 : i32
      scf.for %parallel_loop3A_423 = %parallel_loop3A_209 to %parallel_loop3A_210 step %parallel_loop3A_211  : i32 {
        %parallel_loop3A_424 = arith.index_cast %parallel_loop3A_423 : i32 to index
        %parallel_loop3A_425 = arith.constant 368 : index
        %parallel_loop3A_426 = tpu.vector_load %arg6[%parallel_loop3A_424, %parallel_loop3A_425] {strides = array<i32>} : memref<64x384xf32, #tpu.memory_space<vmem>>, vector<16xf32>,
        %parallel_loop3A_427 = arith.mulf %parallel_loop3A_426, %get3A_208 : vector<16xf32>
        %parallel_loop3A_428 = arith.index_cast %parallel_loop3A_423 : i32 to index
        %parallel_loop3A_429 = arith.constant 368 : index
        %parallel_loop3A_430 = tpu.vector_load %arg8[%parallel_loop3A_428, %parallel_loop3A_429] {strides = array<i32>} : memref<64x384xf32, #tpu.memory_space<vmem>>, vector<16xf32>,
        tpu.vector_store %arg8[%parallel_loop3A_428, %parallel_loop3A_429], %parallel_loop3A_427 {strides = array<i32>} : memref<64x384xf32, #tpu.memory_space<vmem>>, vector<16xf32>,
      } {sc.loop_unroll_factor = 8 : i64, sc.parallel_access}
      %mul3A_212 = arith.constant 64 : i32
      %mul3A_213 = arith.muli %add3A_35, %mul3A_212 : i32
      %add3A_214 = arith.addi %mul3A_2, %mul3A_213 : i32
      %dma_start3A_215 = arith.constant 0 : i32
      %dma_start3A_216 = tpu.memref_slice %arg5[%add3A_214, %dma_start3A_215] : memref<802816x384xf32, #tpu.memory_space<hbm>> -> memref<64x384xf32, #tpu.memory_space<hbm>>
      %dma_start3A_217 = arith.constant 0 : i32
      %dma_start3A_218 = tpu.memref_slice %arg5[%add3A_214, %dma_start3A_217] : memref<802816x384xf32, #tpu.memory_space<hbm>> -> memref<64x384xf32, #tpu.memory_space<hbm>>
      tpu.enqueue_dma source(%arg8 : memref<64x384xf32, #tpu.memory_space<vmem>>) target(%dma_start3A_218 : memref<64x384xf32, #tpu.memory_space<hbm>>) target_semaphore(%arg14 : memref<!tpu.dma_semaphore, #tpu.memory_space<semaphore_mem>>)
      %add3A_219 = arith.constant 2 : i32
      %add3A_220 = arith.addi %add3A_35, %add3A_219 : i32
      %lt3A = arith.constant 392 : i32
      %lt3A_221 = arith.cmpi slt, %add3A_220, %lt3A : i32
      %convert_element_type3A_222 = arith.extui %lt3A_221 : i1 to i32
      %cond3A_223 = arith.constant 0 : i32
      %cond3A_224 = arith.cmpi ne, %convert_element_type3A_222, %cond3A_223 : i32
      scf.if %cond3A_224 {
        %add3A_423 = arith.constant 2 : i32
        %add3A_424 = arith.addi %add3A_35, %add3A_423 : i32
        %mul3A_425 = arith.constant 64 : i32
        %mul3A_426 = arith.muli %add3A_424, %mul3A_425 : i32
        %add3A_427 = arith.addi %mul3A_2, %mul3A_426 : i32
        %dma_start3A_428 = arith.constant 0 : i32
        %dma_start3A_429 = tpu.memref_slice %arg2[%add3A_427, %dma_start3A_428] : memref<802816x384xf32, #tpu.memory_space<hbm>> -> memref<64x384xf32, #tpu.memory_space<hbm>>
        %dma_start3A_430 = arith.constant 0 : i32
        %dma_start3A_431 = tpu.memref_slice %arg2[%add3A_427, %dma_start3A_430] : memref<802816x384xf32, #tpu.memory_space<hbm>> -> memref<64x384xf32, #tpu.memory_space<hbm>>
        tpu.enqueue_dma source(%dma_start3A_431 : memref<64x384xf32, #tpu.memory_space<hbm>>) target(%arg6 : memref<64x384xf32, #tpu.memory_space<vmem>>) target_semaphore(%arg12 : memref<!tpu.dma_semaphore, #tpu.memory_space<semaphore_mem>>)
      } else {
      }
      %add3A_225 = arith.constant 1 : i32
      %add3A_226 = arith.addi %add3A_33, %add3A_225 : i32
      %mul3A_227 = arith.constant 64 : i32
      %mul3A_228 = arith.muli %add3A_226, %mul3A_227 : i32
      %add3A_229 = arith.addi %mul3A_2, %mul3A_228 : i32
      %dma_wait3A_230 = arith.constant 0 : i32
      %dma_wait3A_231 = tpu.memref_slice %arg2[%add3A_229, %dma_wait3A_230] : memref<802816x384xf32, #tpu.memory_space<hbm>> -> memref<64x384xf32, #tpu.memory_space<hbm>>
      %dma_wait3A_232 = arith.constant 0 : i32
      %dma_wait3A_233 = tpu.memref_slice %arg2[%add3A_229, %dma_wait3A_232] : memref<802816x384xf32, #tpu.memory_space<hbm>> -> memref<64x384xf32, #tpu.memory_space<hbm>>
      tpu.wait_dma2 semaphore(%arg13 : memref<!tpu.dma_semaphore, #tpu.memory_space<semaphore_mem>>) src(%dma_wait3A_233 : memref<64x384xf32, #tpu.memory_space<hbm>>) dst(%arg7 : memref<64x384xf32, #tpu.memory_space<vmem>>)
      %ge3A_234 = arith.constant 2 : i32
      %ge3A_235 = arith.cmpi sge, %add3A_226, %ge3A_234 : i32
      %convert_element_type3A_236 = arith.extui %ge3A_235 : i1 to i32
      %cond3A_237 = arith.constant 0 : i32
      %cond3A_238 = arith.cmpi ne, %convert_element_type3A_236, %cond3A_237 : i32
      scf.if %cond3A_238 {
        %mul3A_423 = arith.constant 64 : i32
        %mul3A_424 = arith.muli %add3A_226, %mul3A_423 : i32
        %add3A_425 = arith.addi %mul3A_2, %mul3A_424 : i32
        %dma_wait3A_426 = arith.constant 0 : i32
        %dma_wait3A_427 = tpu.memref_slice %arg5[%add3A_425, %dma_wait3A_426] : memref<802816x384xf32, #tpu.memory_space<hbm>> -> memref<64x384xf32, #tpu.memory_space<hbm>>
        %dma_wait3A_428 = arith.constant 0 : i32
        %dma_wait3A_429 = tpu.memref_slice %arg5[%add3A_425, %dma_wait3A_428] : memref<802816x384xf32, #tpu.memory_space<hbm>> -> memref<64x384xf32, #tpu.memory_space<hbm>>
        tpu.wait_dma2 semaphore(%arg15 : memref<!tpu.dma_semaphore, #tpu.memory_space<semaphore_mem>>) src(%arg9 : memref<64x384xf32, #tpu.memory_space<vmem>>) dst(%dma_wait3A_429 : memref<64x384xf32, #tpu.memory_space<hbm>>)
      } else {
      }
      %broadcast_in_dim3A_239 = arith.constant 0 : i32
      %broadcast_in_dim3A_240 = vector.broadcast %broadcast_in_dim3A_239 : i32 to vector<16xi32>
      %get3A_241 = arith.constant 0 : index
      %get3A_242 = tpu.vector_load %arg10[%get3A_241] {strides = array<i32>} : memref<384xi32, #tpu.memory_space<vmem>>, vector<16xi32>,
      %get3A_243 = arith.constant 0 : index
      %get3A_244 = tpu.vector_load %arg11[%get3A_243] {strides = array<i32>} : memref<384xf32, #tpu.memory_space<vmem>>, vector<16xf32>,
      %parallel_loop3A_245 = arith.constant 0 : i32
      %parallel_loop3A_246 = arith.constant 64 : i32
      %parallel_loop3A_247 = arith.constant 1 : i32
      scf.for %parallel_loop3A_423 = %parallel_loop3A_245 to %parallel_loop3A_246 step %parallel_loop3A_247  : i32 {
        %parallel_loop3A_424 = arith.index_cast %parallel_loop3A_423 : i32 to index
        %parallel_loop3A_425 = arith.constant 0 : index
        %parallel_loop3A_426 = tpu.vector_load %arg7[%parallel_loop3A_424, %parallel_loop3A_425] {strides = array<i32>} : memref<64x384xf32, #tpu.memory_space<vmem>>, vector<16xf32>,
        %parallel_loop3A_427 = arith.mulf %parallel_loop3A_426, %get3A_244 : vector<16xf32>
        %parallel_loop3A_428 = arith.index_cast %parallel_loop3A_423 : i32 to index
        %parallel_loop3A_429 = arith.constant 0 : index
        %parallel_loop3A_430 = tpu.vector_load %arg9[%parallel_loop3A_428, %parallel_loop3A_429] {strides = array<i32>} : memref<64x384xf32, #tpu.memory_space<vmem>>, vector<16xf32>,
        tpu.vector_store %arg9[%parallel_loop3A_428, %parallel_loop3A_429], %parallel_loop3A_427 {strides = array<i32>} : memref<64x384xf32, #tpu.memory_space<vmem>>, vector<16xf32>,
      } {sc.loop_unroll_factor = 8 : i64, sc.parallel_access}
      %get3A_248 = arith.constant 16 : index
      %get3A_249 = tpu.vector_load %arg10[%get3A_248] {strides = array<i32>} : memref<384xi32, #tpu.memory_space<vmem>>, vector<16xi32>,
      %get3A_250 = arith.constant 16 : index
      %get3A_251 = tpu.vector_load %arg11[%get3A_250] {strides = array<i32>} : memref<384xf32, #tpu.memory_space<vmem>>, vector<16xf32>,
      %parallel_loop3A_252 = arith.constant 0 : i32
      %parallel_loop3A_253 = arith.constant 64 : i32
      %parallel_loop3A_254 = arith.constant 1 : i32
      scf.for %parallel_loop3A_423 = %parallel_loop3A_252 to %parallel_loop3A_253 step %parallel_loop3A_254  : i32 {
        %parallel_loop3A_424 = arith.index_cast %parallel_loop3A_423 : i32 to index
        %parallel_loop3A_425 = arith.constant 16 : index
        %parallel_loop3A_426 = tpu.vector_load %arg7[%parallel_loop3A_424, %parallel_loop3A_425] {strides = array<i32>} : memref<64x384xf32, #tpu.memory_space<vmem>>, vector<16xf32>,
        %parallel_loop3A_427 = arith.mulf %parallel_loop3A_426, %get3A_251 : vector<16xf32>
        %parallel_loop3A_428 = arith.index_cast %parallel_loop3A_423 : i32 to index
        %parallel_loop3A_429 = arith.constant 16 : index
        %parallel_loop3A_430 = tpu.vector_load %arg9[%parallel_loop3A_428, %parallel_loop3A_429] {strides = array<i32>} : memref<64x384xf32, #tpu.memory_space<vmem>>, vector<16xf32>,
        tpu.vector_store %arg9[%parallel_loop3A_428, %parallel_loop3A_429], %parallel_loop3A_427 {strides = array<i32>} : memref<64x384xf32, #tpu.memory_space<vmem>>, vector<16xf32>,
      } {sc.loop_unroll_factor = 8 : i64, sc.parallel_access}
      %get3A_255 = arith.constant 32 : index
      %get3A_256 = tpu.vector_load %arg10[%get3A_255] {strides = array<i32>} : memref<384xi32, #tpu.memory_space<vmem>>, vector<16xi32>,
      %get3A_257 = arith.constant 32 : index
      %get3A_258 = tpu.vector_load %arg11[%get3A_257] {strides = array<i32>} : memref<384xf32, #tpu.memory_space<vmem>>, vector<16xf32>,
      %parallel_loop3A_259 = arith.constant 0 : i32
      %parallel_loop3A_260 = arith.constant 64 : i32
      %parallel_loop3A_261 = arith.constant 1 : i32
      scf.for %parallel_loop3A_423 = %parallel_loop3A_259 to %parallel_loop3A_260 step %parallel_loop3A_261  : i32 {
        %parallel_loop3A_424 = arith.index_cast %parallel_loop3A_423 : i32 to index
        %parallel_loop3A_425 = arith.constant 32 : index
        %parallel_loop3A_426 = tpu.vector_load %arg7[%parallel_loop3A_424, %parallel_loop3A_425] {strides = array<i32>} : memref<64x384xf32, #tpu.memory_space<vmem>>, vector<16xf32>,
        %parallel_loop3A_427 = arith.mulf %parallel_loop3A_426, %get3A_258 : vector<16xf32>
        %parallel_loop3A_428 = arith.index_cast %parallel_loop3A_423 : i32 to index
        %parallel_loop3A_429 = arith.constant 32 : index
        %parallel_loop3A_430 = tpu.vector_load %arg9[%parallel_loop3A_428, %parallel_loop3A_429] {strides = array<i32>} : memref<64x384xf32, #tpu.memory_space<vmem>>, vector<16xf32>,
        tpu.vector_store %arg9[%parallel_loop3A_428, %parallel_loop3A_429], %parallel_loop3A_427 {strides = array<i32>} : memref<64x384xf32, #tpu.memory_space<vmem>>, vector<16xf32>,
      } {sc.loop_unroll_factor = 8 : i64, sc.parallel_access}
      %get3A_262 = arith.constant 48 : index
      %get3A_263 = tpu.vector_load %arg10[%get3A_262] {strides = array<i32>} : memref<384xi32, #tpu.memory_space<vmem>>, vector<16xi32>,
      %get3A_264 = arith.constant 48 : index
      %get3A_265 = tpu.vector_load %arg11[%get3A_264] {strides = array<i32>} : memref<384xf32, #tpu.memory_space<vmem>>, vector<16xf32>,
      %parallel_loop3A_266 = arith.constant 0 : i32
      %parallel_loop3A_267 = arith.constant 64 : i32
      %parallel_loop3A_268 = arith.constant 1 : i32
      scf.for %parallel_loop3A_423 = %parallel_loop3A_266 to %parallel_loop3A_267 step %parallel_loop3A_268  : i32 {
        %parallel_loop3A_424 = arith.index_cast %parallel_loop3A_423 : i32 to index
        %parallel_loop3A_425 = arith.constant 48 : index
        %parallel_loop3A_426 = tpu.vector_load %arg7[%parallel_loop3A_424, %parallel_loop3A_425] {strides = array<i32>} : memref<64x384xf32, #tpu.memory_space<vmem>>, vector<16xf32>,
        %parallel_loop3A_427 = arith.mulf %parallel_loop3A_426, %get3A_265 : vector<16xf32>
        %parallel_loop3A_428 = arith.index_cast %parallel_loop3A_423 : i32 to index
        %parallel_loop3A_429 = arith.constant 48 : index
        %parallel_loop3A_430 = tpu.vector_load %arg9[%parallel_loop3A_428, %parallel_loop3A_429] {strides = array<i32>} : memref<64x384xf32, #tpu.memory_space<vmem>>, vector<16xf32>,
        tpu.vector_store %arg9[%parallel_loop3A_428, %parallel_loop3A_429], %parallel_loop3A_427 {strides = array<i32>} : memref<64x384xf32, #tpu.memory_space<vmem>>, vector<16xf32>,
      } {sc.loop_unroll_factor = 8 : i64, sc.parallel_access}
      %get3A_269 = arith.constant 64 : index
      %get3A_270 = tpu.vector_load %arg10[%get3A_269] {strides = array<i32>} : memref<384xi32, #tpu.memory_space<vmem>>, vector<16xi32>,
      %get3A_271 = arith.constant 64 : index
      %get3A_272 = tpu.vector_load %arg11[%get3A_271] {strides = array<i32>} : memref<384xf32, #tpu.memory_space<vmem>>, vector<16xf32>,
      %parallel_loop3A_273 = arith.constant 0 : i32
      %parallel_loop3A_274 = arith.constant 64 : i32
      %parallel_loop3A_275 = arith.constant 1 : i32
      scf.for %parallel_loop3A_423 = %parallel_loop3A_273 to %parallel_loop3A_274 step %parallel_loop3A_275  : i32 {
        %parallel_loop3A_424 = arith.index_cast %parallel_loop3A_423 : i32 to index
        %parallel_loop3A_425 = arith.constant 64 : index
        %parallel_loop3A_426 = tpu.vector_load %arg7[%parallel_loop3A_424, %parallel_loop3A_425] {strides = array<i32>} : memref<64x384xf32, #tpu.memory_space<vmem>>, vector<16xf32>,
        %parallel_loop3A_427 = arith.mulf %parallel_loop3A_426, %get3A_272 : vector<16xf32>
        %parallel_loop3A_428 = arith.index_cast %parallel_loop3A_423 : i32 to index
        %parallel_loop3A_429 = arith.constant 64 : index
        %parallel_loop3A_430 = tpu.vector_load %arg9[%parallel_loop3A_428, %parallel_loop3A_429] {strides = array<i32>} : memref<64x384xf32, #tpu.memory_space<vmem>>, vector<16xf32>,
        tpu.vector_store %arg9[%parallel_loop3A_428, %parallel_loop3A_429], %parallel_loop3A_427 {strides = array<i32>} : memref<64x384xf32, #tpu.memory_space<vmem>>, vector<16xf32>,
      } {sc.loop_unroll_factor = 8 : i64, sc.parallel_access}
      %get3A_276 = arith.constant 80 : index
      %get3A_277 = tpu.vector_load %arg10[%get3A_276] {strides = array<i32>} : memref<384xi32, #tpu.memory_space<vmem>>, vector<16xi32>,
      %get3A_278 = arith.constant 80 : index
      %get3A_279 = tpu.vector_load %arg11[%get3A_278] {strides = array<i32>} : memref<384xf32, #tpu.memory_space<vmem>>, vector<16xf32>,
      %parallel_loop3A_280 = arith.constant 0 : i32
      %parallel_loop3A_281 = arith.constant 64 : i32
      %parallel_loop3A_282 = arith.constant 1 : i32
      scf.for %parallel_loop3A_423 = %parallel_loop3A_280 to %parallel_loop3A_281 step %parallel_loop3A_282  : i32 {
        %parallel_loop3A_424 = arith.index_cast %parallel_loop3A_423 : i32 to index
        %parallel_loop3A_425 = arith.constant 80 : index
        %parallel_loop3A_426 = tpu.vector_load %arg7[%parallel_loop3A_424, %parallel_loop3A_425] {strides = array<i32>} : memref<64x384xf32, #tpu.memory_space<vmem>>, vector<16xf32>,
        %parallel_loop3A_427 = arith.mulf %parallel_loop3A_426, %get3A_279 : vector<16xf32>
        %parallel_loop3A_428 = arith.index_cast %parallel_loop3A_423 : i32 to index
        %parallel_loop3A_429 = arith.constant 80 : index
        %parallel_loop3A_430 = tpu.vector_load %arg9[%parallel_loop3A_428, %parallel_loop3A_429] {strides = array<i32>} : memref<64x384xf32, #tpu.memory_space<vmem>>, vector<16xf32>,
        tpu.vector_store %arg9[%parallel_loop3A_428, %parallel_loop3A_429], %parallel_loop3A_427 {strides = array<i32>} : memref<64x384xf32, #tpu.memory_space<vmem>>, vector<16xf32>,
      } {sc.loop_unroll_factor = 8 : i64, sc.parallel_access}
      %get3A_283 = arith.constant 96 : index
      %get3A_284 = tpu.vector_load %arg10[%get3A_283] {strides = array<i32>} : memref<384xi32, #tpu.memory_space<vmem>>, vector<16xi32>,
      %get3A_285 = arith.constant 96 : index
      %get3A_286 = tpu.vector_load %arg11[%get3A_285] {strides = array<i32>} : memref<384xf32, #tpu.memory_space<vmem>>, vector<16xf32>,
      %parallel_loop3A_287 = arith.constant 0 : i32
      %parallel_loop3A_288 = arith.constant 64 : i32
      %parallel_loop3A_289 = arith.constant 1 : i32
      scf.for %parallel_loop3A_423 = %parallel_loop3A_287 to %parallel_loop3A_288 step %parallel_loop3A_289  : i32 {
        %parallel_loop3A_424 = arith.index_cast %parallel_loop3A_423 : i32 to index
        %parallel_loop3A_425 = arith.constant 96 : index
        %parallel_loop3A_426 = tpu.vector_load %arg7[%parallel_loop3A_424, %parallel_loop3A_425] {strides = array<i32>} : memref<64x384xf32, #tpu.memory_space<vmem>>, vector<16xf32>,
        %parallel_loop3A_427 = arith.mulf %parallel_loop3A_426, %get3A_286 : vector<16xf32>
        %parallel_loop3A_428 = arith.index_cast %parallel_loop3A_423 : i32 to index
        %parallel_loop3A_429 = arith.constant 96 : index
        %parallel_loop3A_430 = tpu.vector_load %arg9[%parallel_loop3A_428, %parallel_loop3A_429] {strides = array<i32>} : memref<64x384xf32, #tpu.memory_space<vmem>>, vector<16xf32>,
        tpu.vector_store %arg9[%parallel_loop3A_428, %parallel_loop3A_429], %parallel_loop3A_427 {strides = array<i32>} : memref<64x384xf32, #tpu.memory_space<vmem>>, vector<16xf32>,
      } {sc.loop_unroll_factor = 8 : i64, sc.parallel_access}
      %get3A_290 = arith.constant 112 : index
      %get3A_291 = tpu.vector_load %arg10[%get3A_290] {strides = array<i32>} : memref<384xi32, #tpu.memory_space<vmem>>, vector<16xi32>,
      %get3A_292 = arith.constant 112 : index
      %get3A_293 = tpu.vector_load %arg11[%get3A_292] {strides = array<i32>} : memref<384xf32, #tpu.memory_space<vmem>>, vector<16xf32>,
      %parallel_loop3A_294 = arith.constant 0 : i32
      %parallel_loop3A_295 = arith.constant 64 : i32
      %parallel_loop3A_296 = arith.constant 1 : i32
      scf.for %parallel_loop3A_423 = %parallel_loop3A_294 to %parallel_loop3A_295 step %parallel_loop3A_296  : i32 {
        %parallel_loop3A_424 = arith.index_cast %parallel_loop3A_423 : i32 to index
        %parallel_loop3A_425 = arith.constant 112 : index
        %parallel_loop3A_426 = tpu.vector_load %arg7[%parallel_loop3A_424, %parallel_loop3A_425] {strides = array<i32>} : memref<64x384xf32, #tpu.memory_space<vmem>>, vector<16xf32>,
        %parallel_loop3A_427 = arith.mulf %parallel_loop3A_426, %get3A_293 : vector<16xf32>
        %parallel_loop3A_428 = arith.index_cast %parallel_loop3A_423 : i32 to index
        %parallel_loop3A_429 = arith.constant 112 : index
        %parallel_loop3A_430 = tpu.vector_load %arg9[%parallel_loop3A_428, %parallel_loop3A_429] {strides = array<i32>} : memref<64x384xf32, #tpu.memory_space<vmem>>, vector<16xf32>,
        tpu.vector_store %arg9[%parallel_loop3A_428, %parallel_loop3A_429], %parallel_loop3A_427 {strides = array<i32>} : memref<64x384xf32, #tpu.memory_space<vmem>>, vector<16xf32>,
      } {sc.loop_unroll_factor = 8 : i64, sc.parallel_access}
      %get3A_297 = arith.constant 128 : index
      %get3A_298 = tpu.vector_load %arg10[%get3A_297] {strides = array<i32>} : memref<384xi32, #tpu.memory_space<vmem>>, vector<16xi32>,
      %get3A_299 = arith.constant 128 : index
      %get3A_300 = tpu.vector_load %arg11[%get3A_299] {strides = array<i32>} : memref<384xf32, #tpu.memory_space<vmem>>, vector<16xf32>,
      %parallel_loop3A_301 = arith.constant 0 : i32
      %parallel_loop3A_302 = arith.constant 64 : i32
      %parallel_loop3A_303 = arith.constant 1 : i32
      scf.for %parallel_loop3A_423 = %parallel_loop3A_301 to %parallel_loop3A_302 step %parallel_loop3A_303  : i32 {
        %parallel_loop3A_424 = arith.index_cast %parallel_loop3A_423 : i32 to index
        %parallel_loop3A_425 = arith.constant 128 : index
        %parallel_loop3A_426 = tpu.vector_load %arg7[%parallel_loop3A_424, %parallel_loop3A_425] {strides = array<i32>} : memref<64x384xf32, #tpu.memory_space<vmem>>, vector<16xf32>,
        %parallel_loop3A_427 = arith.mulf %parallel_loop3A_426, %get3A_300 : vector<16xf32>
        %parallel_loop3A_428 = arith.index_cast %parallel_loop3A_423 : i32 to index
        %parallel_loop3A_429 = arith.constant 128 : index
        %parallel_loop3A_430 = tpu.vector_load %arg9[%parallel_loop3A_428, %parallel_loop3A_429] {strides = array<i32>} : memref<64x384xf32, #tpu.memory_space<vmem>>, vector<16xf32>,
        tpu.vector_store %arg9[%parallel_loop3A_428, %parallel_loop3A_429], %parallel_loop3A_427 {strides = array<i32>} : memref<64x384xf32, #tpu.memory_space<vmem>>, vector<16xf32>,
      } {sc.loop_unroll_factor = 8 : i64, sc.parallel_access}
      %get3A_304 = arith.constant 144 : index
      %get3A_305 = tpu.vector_load %arg10[%get3A_304] {strides = array<i32>} : memref<384xi32, #tpu.memory_space<vmem>>, vector<16xi32>,
      %get3A_306 = arith.constant 144 : index
      %get3A_307 = tpu.vector_load %arg11[%get3A_306] {strides = array<i32>} : memref<384xf32, #tpu.memory_space<vmem>>, vector<16xf32>,
      %parallel_loop3A_308 = arith.constant 0 : i32
      %parallel_loop3A_309 = arith.constant 64 : i32
      %parallel_loop3A_310 = arith.constant 1 : i32
      scf.for %parallel_loop3A_423 = %parallel_loop3A_308 to %parallel_loop3A_309 step %parallel_loop3A_310  : i32 {
        %parallel_loop3A_424 = arith.index_cast %parallel_loop3A_423 : i32 to index
        %parallel_loop3A_425 = arith.constant 144 : index
        %parallel_loop3A_426 = tpu.vector_load %arg7[%parallel_loop3A_424, %parallel_loop3A_425] {strides = array<i32>} : memref<64x384xf32, #tpu.memory_space<vmem>>, vector<16xf32>,
        %parallel_loop3A_427 = arith.mulf %parallel_loop3A_426, %get3A_307 : vector<16xf32>
        %parallel_loop3A_428 = arith.index_cast %parallel_loop3A_423 : i32 to index
        %parallel_loop3A_429 = arith.constant 144 : index
        %parallel_loop3A_430 = tpu.vector_load %arg9[%parallel_loop3A_428, %parallel_loop3A_429] {strides = array<i32>} : memref<64x384xf32, #tpu.memory_space<vmem>>, vector<16xf32>,
        tpu.vector_store %arg9[%parallel_loop3A_428, %parallel_loop3A_429], %parallel_loop3A_427 {strides = array<i32>} : memref<64x384xf32, #tpu.memory_space<vmem>>, vector<16xf32>,
      } {sc.loop_unroll_factor = 8 : i64, sc.parallel_access}
      %get3A_311 = arith.constant 160 : index
      %get3A_312 = tpu.vector_load %arg10[%get3A_311] {strides = array<i32>} : memref<384xi32, #tpu.memory_space<vmem>>, vector<16xi32>,
      %get3A_313 = arith.constant 160 : index
      %get3A_314 = tpu.vector_load %arg11[%get3A_313] {strides = array<i32>} : memref<384xf32, #tpu.memory_space<vmem>>, vector<16xf32>,
      %parallel_loop3A_315 = arith.constant 0 : i32
      %parallel_loop3A_316 = arith.constant 64 : i32
      %parallel_loop3A_317 = arith.constant 1 : i32
      scf.for %parallel_loop3A_423 = %parallel_loop3A_315 to %parallel_loop3A_316 step %parallel_loop3A_317  : i32 {
        %parallel_loop3A_424 = arith.index_cast %parallel_loop3A_423 : i32 to index
        %parallel_loop3A_425 = arith.constant 160 : index
        %parallel_loop3A_426 = tpu.vector_load %arg7[%parallel_loop3A_424, %parallel_loop3A_425] {strides = array<i32>} : memref<64x384xf32, #tpu.memory_space<vmem>>, vector<16xf32>,
        %parallel_loop3A_427 = arith.mulf %parallel_loop3A_426, %get3A_314 : vector<16xf32>
        %parallel_loop3A_428 = arith.index_cast %parallel_loop3A_423 : i32 to index
        %parallel_loop3A_429 = arith.constant 160 : index
        %parallel_loop3A_430 = tpu.vector_load %arg9[%parallel_loop3A_428, %parallel_loop3A_429] {strides = array<i32>} : memref<64x384xf32, #tpu.memory_space<vmem>>, vector<16xf32>,
        tpu.vector_store %arg9[%parallel_loop3A_428, %parallel_loop3A_429], %parallel_loop3A_427 {strides = array<i32>} : memref<64x384xf32, #tpu.memory_space<vmem>>, vector<16xf32>,
      } {sc.loop_unroll_factor = 8 : i64, sc.parallel_access}
      %get3A_318 = arith.constant 176 : index
      %get3A_319 = tpu.vector_load %arg10[%get3A_318] {strides = array<i32>} : memref<384xi32, #tpu.memory_space<vmem>>, vector<16xi32>,
      %get3A_320 = arith.constant 176 : index
      %get3A_321 = tpu.vector_load %arg11[%get3A_320] {strides = array<i32>} : memref<384xf32, #tpu.memory_space<vmem>>, vector<16xf32>,
      %parallel_loop3A_322 = arith.constant 0 : i32
      %parallel_loop3A_323 = arith.constant 64 : i32
      %parallel_loop3A_324 = arith.constant 1 : i32
      scf.for %parallel_loop3A_423 = %parallel_loop3A_322 to %parallel_loop3A_323 step %parallel_loop3A_324  : i32 {
        %parallel_loop3A_424 = arith.index_cast %parallel_loop3A_423 : i32 to index
        %parallel_loop3A_425 = arith.constant 176 : index
        %parallel_loop3A_426 = tpu.vector_load %arg7[%parallel_loop3A_424, %parallel_loop3A_425] {strides = array<i32>} : memref<64x384xf32, #tpu.memory_space<vmem>>, vector<16xf32>,
        %parallel_loop3A_427 = arith.mulf %parallel_loop3A_426, %get3A_321 : vector<16xf32>
        %parallel_loop3A_428 = arith.index_cast %parallel_loop3A_423 : i32 to index
        %parallel_loop3A_429 = arith.constant 176 : index
        %parallel_loop3A_430 = tpu.vector_load %arg9[%parallel_loop3A_428, %parallel_loop3A_429] {strides = array<i32>} : memref<64x384xf32, #tpu.memory_space<vmem>>, vector<16xf32>,
        tpu.vector_store %arg9[%parallel_loop3A_428, %parallel_loop3A_429], %parallel_loop3A_427 {strides = array<i32>} : memref<64x384xf32, #tpu.memory_space<vmem>>, vector<16xf32>,
      } {sc.loop_unroll_factor = 8 : i64, sc.parallel_access}
      %get3A_325 = arith.constant 192 : index
      %get3A_326 = tpu.vector_load %arg10[%get3A_325] {strides = array<i32>} : memref<384xi32, #tpu.memory_space<vmem>>, vector<16xi32>,
      %get3A_327 = arith.constant 192 : index
      %get3A_328 = tpu.vector_load %arg11[%get3A_327] {strides = array<i32>} : memref<384xf32, #tpu.memory_space<vmem>>, vector<16xf32>,
      %parallel_loop3A_329 = arith.constant 0 : i32
      %parallel_loop3A_330 = arith.constant 64 : i32
      %parallel_loop3A_331 = arith.constant 1 : i32
      scf.for %parallel_loop3A_423 = %parallel_loop3A_329 to %parallel_loop3A_330 step %parallel_loop3A_331  : i32 {
        %parallel_loop3A_424 = arith.index_cast %parallel_loop3A_423 : i32 to index
        %parallel_loop3A_425 = arith.constant 192 : index
        %parallel_loop3A_426 = tpu.vector_load %arg7[%parallel_loop3A_424, %parallel_loop3A_425] {strides = array<i32>} : memref<64x384xf32, #tpu.memory_space<vmem>>, vector<16xf32>,
        %parallel_loop3A_427 = arith.mulf %parallel_loop3A_426, %get3A_328 : vector<16xf32>
        %parallel_loop3A_428 = arith.index_cast %parallel_loop3A_423 : i32 to index
        %parallel_loop3A_429 = arith.constant 192 : index
        %parallel_loop3A_430 = tpu.vector_load %arg9[%parallel_loop3A_428, %parallel_loop3A_429] {strides = array<i32>} : memref<64x384xf32, #tpu.memory_space<vmem>>, vector<16xf32>,
        tpu.vector_store %arg9[%parallel_loop3A_428, %parallel_loop3A_429], %parallel_loop3A_427 {strides = array<i32>} : memref<64x384xf32, #tpu.memory_space<vmem>>, vector<16xf32>,
      } {sc.loop_unroll_factor = 8 : i64, sc.parallel_access}
      %get3A_332 = arith.constant 208 : index
      %get3A_333 = tpu.vector_load %arg10[%get3A_332] {strides = array<i32>} : memref<384xi32, #tpu.memory_space<vmem>>, vector<16xi32>,
      %get3A_334 = arith.constant 208 : index
      %get3A_335 = tpu.vector_load %arg11[%get3A_334] {strides = array<i32>} : memref<384xf32, #tpu.memory_space<vmem>>, vector<16xf32>,
      %parallel_loop3A_336 = arith.constant 0 : i32
      %parallel_loop3A_337 = arith.constant 64 : i32
      %parallel_loop3A_338 = arith.constant 1 : i32
      scf.for %parallel_loop3A_423 = %parallel_loop3A_336 to %parallel_loop3A_337 step %parallel_loop3A_338  : i32 {
        %parallel_loop3A_424 = arith.index_cast %parallel_loop3A_423 : i32 to index
        %parallel_loop3A_425 = arith.constant 208 : index
        %parallel_loop3A_426 = tpu.vector_load %arg7[%parallel_loop3A_424, %parallel_loop3A_425] {strides = array<i32>} : memref<64x384xf32, #tpu.memory_space<vmem>>, vector<16xf32>,
        %parallel_loop3A_427 = arith.mulf %parallel_loop3A_426, %get3A_335 : vector<16xf32>
        %parallel_loop3A_428 = arith.index_cast %parallel_loop3A_423 : i32 to index
        %parallel_loop3A_429 = arith.constant 208 : index
        %parallel_loop3A_430 = tpu.vector_load %arg9[%parallel_loop3A_428, %parallel_loop3A_429] {strides = array<i32>} : memref<64x384xf32, #tpu.memory_space<vmem>>, vector<16xf32>,
        tpu.vector_store %arg9[%parallel_loop3A_428, %parallel_loop3A_429], %parallel_loop3A_427 {strides = array<i32>} : memref<64x384xf32, #tpu.memory_space<vmem>>, vector<16xf32>,
      } {sc.loop_unroll_factor = 8 : i64, sc.parallel_access}
      %get3A_339 = arith.constant 224 : index
      %get3A_340 = tpu.vector_load %arg10[%get3A_339] {strides = array<i32>} : memref<384xi32, #tpu.memory_space<vmem>>, vector<16xi32>,
      %get3A_341 = arith.constant 224 : index
      %get3A_342 = tpu.vector_load %arg11[%get3A_341] {strides = array<i32>} : memref<384xf32, #tpu.memory_space<vmem>>, vector<16xf32>,
      %parallel_loop3A_343 = arith.constant 0 : i32
      %parallel_loop3A_344 = arith.constant 64 : i32
      %parallel_loop3A_345 = arith.constant 1 : i32
      scf.for %parallel_loop3A_423 = %parallel_loop3A_343 to %parallel_loop3A_344 step %parallel_loop3A_345  : i32 {
        %parallel_loop3A_424 = arith.index_cast %parallel_loop3A_423 : i32 to index
        %parallel_loop3A_425 = arith.constant 224 : index
        %parallel_loop3A_426 = tpu.vector_load %arg7[%parallel_loop3A_424, %parallel_loop3A_425] {strides = array<i32>} : memref<64x384xf32, #tpu.memory_space<vmem>>, vector<16xf32>,
        %parallel_loop3A_427 = arith.mulf %parallel_loop3A_426, %get3A_342 : vector<16xf32>
        %parallel_loop3A_428 = arith.index_cast %parallel_loop3A_423 : i32 to index
        %parallel_loop3A_429 = arith.constant 224 : index
        %parallel_loop3A_430 = tpu.vector_load %arg9[%parallel_loop3A_428, %parallel_loop3A_429] {strides = array<i32>} : memref<64x384xf32, #tpu.memory_space<vmem>>, vector<16xf32>,
        tpu.vector_store %arg9[%parallel_loop3A_428, %parallel_loop3A_429], %parallel_loop3A_427 {strides = array<i32>} : memref<64x384xf32, #tpu.memory_space<vmem>>, vector<16xf32>,
      } {sc.loop_unroll_factor = 8 : i64, sc.parallel_access}
      %get3A_346 = arith.constant 240 : index
      %get3A_347 = tpu.vector_load %arg10[%get3A_346] {strides = array<i32>} : memref<384xi32, #tpu.memory_space<vmem>>, vector<16xi32>,
      %get3A_348 = arith.constant 240 : index
      %get3A_349 = tpu.vector_load %arg11[%get3A_348] {strides = array<i32>} : memref<384xf32, #tpu.memory_space<vmem>>, vector<16xf32>,
      %parallel_loop3A_350 = arith.constant 0 : i32
      %parallel_loop3A_351 = arith.constant 64 : i32
      %parallel_loop3A_352 = arith.constant 1 : i32
      scf.for %parallel_loop3A_423 = %parallel_loop3A_350 to %parallel_loop3A_351 step %parallel_loop3A_352  : i32 {
        %parallel_loop3A_424 = arith.index_cast %parallel_loop3A_423 : i32 to index
        %parallel_loop3A_425 = arith.constant 240 : index
        %parallel_loop3A_426 = tpu.vector_load %arg7[%parallel_loop3A_424, %parallel_loop3A_425] {strides = array<i32>} : memref<64x384xf32, #tpu.memory_space<vmem>>, vector<16xf32>,
        %parallel_loop3A_427 = arith.mulf %parallel_loop3A_426, %get3A_349 : vector<16xf32>
        %parallel_loop3A_428 = arith.index_cast %parallel_loop3A_423 : i32 to index
        %parallel_loop3A_429 = arith.constant 240 : index
        %parallel_loop3A_430 = tpu.vector_load %arg9[%parallel_loop3A_428, %parallel_loop3A_429] {strides = array<i32>} : memref<64x384xf32, #tpu.memory_space<vmem>>, vector<16xf32>,
        tpu.vector_store %arg9[%parallel_loop3A_428, %parallel_loop3A_429], %parallel_loop3A_427 {strides = array<i32>} : memref<64x384xf32, #tpu.memory_space<vmem>>, vector<16xf32>,
      } {sc.loop_unroll_factor = 8 : i64, sc.parallel_access}
      %get3A_353 = arith.constant 256 : index
      %get3A_354 = tpu.vector_load %arg10[%get3A_353] {strides = array<i32>} : memref<384xi32, #tpu.memory_space<vmem>>, vector<16xi32>,
      %get3A_355 = arith.constant 256 : index
      %get3A_356 = tpu.vector_load %arg11[%get3A_355] {strides = array<i32>} : memref<384xf32, #tpu.memory_space<vmem>>, vector<16xf32>,
      %parallel_loop3A_357 = arith.constant 0 : i32
      %parallel_loop3A_358 = arith.constant 64 : i32
      %parallel_loop3A_359 = arith.constant 1 : i32
      scf.for %parallel_loop3A_423 = %parallel_loop3A_357 to %parallel_loop3A_358 step %parallel_loop3A_359  : i32 {
        %parallel_loop3A_424 = arith.index_cast %parallel_loop3A_423 : i32 to index
        %parallel_loop3A_425 = arith.constant 256 : index
        %parallel_loop3A_426 = tpu.vector_load %arg7[%parallel_loop3A_424, %parallel_loop3A_425] {strides = array<i32>} : memref<64x384xf32, #tpu.memory_space<vmem>>, vector<16xf32>,
        %parallel_loop3A_427 = arith.mulf %parallel_loop3A_426, %get3A_356 : vector<16xf32>
        %parallel_loop3A_428 = arith.index_cast %parallel_loop3A_423 : i32 to index
        %parallel_loop3A_429 = arith.constant 256 : index
        %parallel_loop3A_430 = tpu.vector_load %arg9[%parallel_loop3A_428, %parallel_loop3A_429] {strides = array<i32>} : memref<64x384xf32, #tpu.memory_space<vmem>>, vector<16xf32>,
        tpu.vector_store %arg9[%parallel_loop3A_428, %parallel_loop3A_429], %parallel_loop3A_427 {strides = array<i32>} : memref<64x384xf32, #tpu.memory_space<vmem>>, vector<16xf32>,
      } {sc.loop_unroll_factor = 8 : i64, sc.parallel_access}
      %get3A_360 = arith.constant 272 : index
      %get3A_361 = tpu.vector_load %arg10[%get3A_360] {strides = array<i32>} : memref<384xi32, #tpu.memory_space<vmem>>, vector<16xi32>,
      %get3A_362 = arith.constant 272 : index
      %get3A_363 = tpu.vector_load %arg11[%get3A_362] {strides = array<i32>} : memref<384xf32, #tpu.memory_space<vmem>>, vector<16xf32>,
      %parallel_loop3A_364 = arith.constant 0 : i32
      %parallel_loop3A_365 = arith.constant 64 : i32
      %parallel_loop3A_366 = arith.constant 1 : i32
      scf.for %parallel_loop3A_423 = %parallel_loop3A_364 to %parallel_loop3A_365 step %parallel_loop3A_366  : i32 {
        %parallel_loop3A_424 = arith.index_cast %parallel_loop3A_423 : i32 to index
        %parallel_loop3A_425 = arith.constant 272 : index
        %parallel_loop3A_426 = tpu.vector_load %arg7[%parallel_loop3A_424, %parallel_loop3A_425] {strides = array<i32>} : memref<64x384xf32, #tpu.memory_space<vmem>>, vector<16xf32>,
        %parallel_loop3A_427 = arith.mulf %parallel_loop3A_426, %get3A_363 : vector<16xf32>
        %parallel_loop3A_428 = arith.index_cast %parallel_loop3A_423 : i32 to index
        %parallel_loop3A_429 = arith.constant 272 : index
        %parallel_loop3A_430 = tpu.vector_load %arg9[%parallel_loop3A_428, %parallel_loop3A_429] {strides = array<i32>} : memref<64x384xf32, #tpu.memory_space<vmem>>, vector<16xf32>,
        tpu.vector_store %arg9[%parallel_loop3A_428, %parallel_loop3A_429], %parallel_loop3A_427 {strides = array<i32>} : memref<64x384xf32, #tpu.memory_space<vmem>>, vector<16xf32>,
      } {sc.loop_unroll_factor = 8 : i64, sc.parallel_access}
      %get3A_367 = arith.constant 288 : index
      %get3A_368 = tpu.vector_load %arg10[%get3A_367] {strides = array<i32>} : memref<384xi32, #tpu.memory_space<vmem>>, vector<16xi32>,
      %get3A_369 = arith.constant 288 : index
      %get3A_370 = tpu.vector_load %arg11[%get3A_369] {strides = array<i32>} : memref<384xf32, #tpu.memory_space<vmem>>, vector<16xf32>,
      %parallel_loop3A_371 = arith.constant 0 : i32
      %parallel_loop3A_372 = arith.constant 64 : i32
      %parallel_loop3A_373 = arith.constant 1 : i32
      scf.for %parallel_loop3A_423 = %parallel_loop3A_371 to %parallel_loop3A_372 step %parallel_loop3A_373  : i32 {
        %parallel_loop3A_424 = arith.index_cast %parallel_loop3A_423 : i32 to index
        %parallel_loop3A_425 = arith.constant 288 : index
        %parallel_loop3A_426 = tpu.vector_load %arg7[%parallel_loop3A_424, %parallel_loop3A_425] {strides = array<i32>} : memref<64x384xf32, #tpu.memory_space<vmem>>, vector<16xf32>,
        %parallel_loop3A_427 = arith.mulf %parallel_loop3A_426, %get3A_370 : vector<16xf32>
        %parallel_loop3A_428 = arith.index_cast %parallel_loop3A_423 : i32 to index
        %parallel_loop3A_429 = arith.constant 288 : index
        %parallel_loop3A_430 = tpu.vector_load %arg9[%parallel_loop3A_428, %parallel_loop3A_429] {strides = array<i32>} : memref<64x384xf32, #tpu.memory_space<vmem>>, vector<16xf32>,
        tpu.vector_store %arg9[%parallel_loop3A_428, %parallel_loop3A_429], %parallel_loop3A_427 {strides = array<i32>} : memref<64x384xf32, #tpu.memory_space<vmem>>, vector<16xf32>,
      } {sc.loop_unroll_factor = 8 : i64, sc.parallel_access}
      %get3A_374 = arith.constant 304 : index
      %get3A_375 = tpu.vector_load %arg10[%get3A_374] {strides = array<i32>} : memref<384xi32, #tpu.memory_space<vmem>>, vector<16xi32>,
      %get3A_376 = arith.constant 304 : index
      %get3A_377 = tpu.vector_load %arg11[%get3A_376] {strides = array<i32>} : memref<384xf32, #tpu.memory_space<vmem>>, vector<16xf32>,
      %parallel_loop3A_378 = arith.constant 0 : i32
      %parallel_loop3A_379 = arith.constant 64 : i32
      %parallel_loop3A_380 = arith.constant 1 : i32
      scf.for %parallel_loop3A_423 = %parallel_loop3A_378 to %parallel_loop3A_379 step %parallel_loop3A_380  : i32 {
        %parallel_loop3A_424 = arith.index_cast %parallel_loop3A_423 : i32 to index
        %parallel_loop3A_425 = arith.constant 304 : index
        %parallel_loop3A_426 = tpu.vector_load %arg7[%parallel_loop3A_424, %parallel_loop3A_425] {strides = array<i32>} : memref<64x384xf32, #tpu.memory_space<vmem>>, vector<16xf32>,
        %parallel_loop3A_427 = arith.mulf %parallel_loop3A_426, %get3A_377 : vector<16xf32>
        %parallel_loop3A_428 = arith.index_cast %parallel_loop3A_423 : i32 to index
        %parallel_loop3A_429 = arith.constant 304 : index
        %parallel_loop3A_430 = tpu.vector_load %arg9[%parallel_loop3A_428, %parallel_loop3A_429] {strides = array<i32>} : memref<64x384xf32, #tpu.memory_space<vmem>>, vector<16xf32>,
        tpu.vector_store %arg9[%parallel_loop3A_428, %parallel_loop3A_429], %parallel_loop3A_427 {strides = array<i32>} : memref<64x384xf32, #tpu.memory_space<vmem>>, vector<16xf32>,
      } {sc.loop_unroll_factor = 8 : i64, sc.parallel_access}
      %get3A_381 = arith.constant 320 : index
      %get3A_382 = tpu.vector_load %arg10[%get3A_381] {strides = array<i32>} : memref<384xi32, #tpu.memory_space<vmem>>, vector<16xi32>,
      %get3A_383 = arith.constant 320 : index
      %get3A_384 = tpu.vector_load %arg11[%get3A_383] {strides = array<i32>} : memref<384xf32, #tpu.memory_space<vmem>>, vector<16xf32>,
      %parallel_loop3A_385 = arith.constant 0 : i32
      %parallel_loop3A_386 = arith.constant 64 : i32
      %parallel_loop3A_387 = arith.constant 1 : i32
      scf.for %parallel_loop3A_423 = %parallel_loop3A_385 to %parallel_loop3A_386 step %parallel_loop3A_387  : i32 {
        %parallel_loop3A_424 = arith.index_cast %parallel_loop3A_423 : i32 to index
        %parallel_loop3A_425 = arith.constant 320 : index
        %parallel_loop3A_426 = tpu.vector_load %arg7[%parallel_loop3A_424, %parallel_loop3A_425] {strides = array<i32>} : memref<64x384xf32, #tpu.memory_space<vmem>>, vector<16xf32>,
        %parallel_loop3A_427 = arith.mulf %parallel_loop3A_426, %get3A_384 : vector<16xf32>
        %parallel_loop3A_428 = arith.index_cast %parallel_loop3A_423 : i32 to index
        %parallel_loop3A_429 = arith.constant 320 : index
        %parallel_loop3A_430 = tpu.vector_load %arg9[%parallel_loop3A_428, %parallel_loop3A_429] {strides = array<i32>} : memref<64x384xf32, #tpu.memory_space<vmem>>, vector<16xf32>,
        tpu.vector_store %arg9[%parallel_loop3A_428, %parallel_loop3A_429], %parallel_loop3A_427 {strides = array<i32>} : memref<64x384xf32, #tpu.memory_space<vmem>>, vector<16xf32>,
      } {sc.loop_unroll_factor = 8 : i64, sc.parallel_access}
      %get3A_388 = arith.constant 336 : index
      %get3A_389 = tpu.vector_load %arg10[%get3A_388] {strides = array<i32>} : memref<384xi32, #tpu.memory_space<vmem>>, vector<16xi32>,
      %get3A_390 = arith.constant 336 : index
      %get3A_391 = tpu.vector_load %arg11[%get3A_390] {strides = array<i32>} : memref<384xf32, #tpu.memory_space<vmem>>, vector<16xf32>,
      %parallel_loop3A_392 = arith.constant 0 : i32
      %parallel_loop3A_393 = arith.constant 64 : i32
      %parallel_loop3A_394 = arith.constant 1 : i32
      scf.for %parallel_loop3A_423 = %parallel_loop3A_392 to %parallel_loop3A_393 step %parallel_loop3A_394  : i32 {
        %parallel_loop3A_424 = arith.index_cast %parallel_loop3A_423 : i32 to index
        %parallel_loop3A_425 = arith.constant 336 : index
        %parallel_loop3A_426 = tpu.vector_load %arg7[%parallel_loop3A_424, %parallel_loop3A_425] {strides = array<i32>} : memref<64x384xf32, #tpu.memory_space<vmem>>, vector<16xf32>,
        %parallel_loop3A_427 = arith.mulf %parallel_loop3A_426, %get3A_391 : vector<16xf32>
        %parallel_loop3A_428 = arith.index_cast %parallel_loop3A_423 : i32 to index
        %parallel_loop3A_429 = arith.constant 336 : index
        %parallel_loop3A_430 = tpu.vector_load %arg9[%parallel_loop3A_428, %parallel_loop3A_429] {strides = array<i32>} : memref<64x384xf32, #tpu.memory_space<vmem>>, vector<16xf32>,
        tpu.vector_store %arg9[%parallel_loop3A_428, %parallel_loop3A_429], %parallel_loop3A_427 {strides = array<i32>} : memref<64x384xf32, #tpu.memory_space<vmem>>, vector<16xf32>,
      } {sc.loop_unroll_factor = 8 : i64, sc.parallel_access}
      %get3A_395 = arith.constant 352 : index
      %get3A_396 = tpu.vector_load %arg10[%get3A_395] {strides = array<i32>} : memref<384xi32, #tpu.memory_space<vmem>>, vector<16xi32>,
      %get3A_397 = arith.constant 352 : index
      %get3A_398 = tpu.vector_load %arg11[%get3A_397] {strides = array<i32>} : memref<384xf32, #tpu.memory_space<vmem>>, vector<16xf32>,
      %parallel_loop3A_399 = arith.constant 0 : i32
      %parallel_loop3A_400 = arith.constant 64 : i32
      %parallel_loop3A_401 = arith.constant 1 : i32
      scf.for %parallel_loop3A_423 = %parallel_loop3A_399 to %parallel_loop3A_400 step %parallel_loop3A_401  : i32 {
        %parallel_loop3A_424 = arith.index_cast %parallel_loop3A_423 : i32 to index
        %parallel_loop3A_425 = arith.constant 352 : index
        %parallel_loop3A_426 = tpu.vector_load %arg7[%parallel_loop3A_424, %parallel_loop3A_425] {strides = array<i32>} : memref<64x384xf32, #tpu.memory_space<vmem>>, vector<16xf32>,
        %parallel_loop3A_427 = arith.mulf %parallel_loop3A_426, %get3A_398 : vector<16xf32>
        %parallel_loop3A_428 = arith.index_cast %parallel_loop3A_423 : i32 to index
        %parallel_loop3A_429 = arith.constant 352 : index
        %parallel_loop3A_430 = tpu.vector_load %arg9[%parallel_loop3A_428, %parallel_loop3A_429] {strides = array<i32>} : memref<64x384xf32, #tpu.memory_space<vmem>>, vector<16xf32>,
        tpu.vector_store %arg9[%parallel_loop3A_428, %parallel_loop3A_429], %parallel_loop3A_427 {strides = array<i32>} : memref<64x384xf32, #tpu.memory_space<vmem>>, vector<16xf32>,
      } {sc.loop_unroll_factor = 8 : i64, sc.parallel_access}
      %get3A_402 = arith.constant 368 : index
      %get3A_403 = tpu.vector_load %arg10[%get3A_402] {strides = array<i32>} : memref<384xi32, #tpu.memory_space<vmem>>, vector<16xi32>,
      %get3A_404 = arith.constant 368 : index
      %get3A_405 = tpu.vector_load %arg11[%get3A_404] {strides = array<i32>} : memref<384xf32, #tpu.memory_space<vmem>>, vector<16xf32>,
      %parallel_loop3A_406 = arith.constant 0 : i32
      %parallel_loop3A_407 = arith.constant 64 : i32
      %parallel_loop3A_408 = arith.constant 1 : i32
      scf.for %parallel_loop3A_423 = %parallel_loop3A_406 to %parallel_loop3A_407 step %parallel_loop3A_408  : i32 {
        %parallel_loop3A_424 = arith.index_cast %parallel_loop3A_423 : i32 to index
        %parallel_loop3A_425 = arith.constant 368 : index
        %parallel_loop3A_426 = tpu.vector_load %arg7[%parallel_loop3A_424, %parallel_loop3A_425] {strides = array<i32>} : memref<64x384xf32, #tpu.memory_space<vmem>>, vector<16xf32>,
        %parallel_loop3A_427 = arith.mulf %parallel_loop3A_426, %get3A_405 : vector<16xf32>
        %parallel_loop3A_428 = arith.index_cast %parallel_loop3A_423 : i32 to index
        %parallel_loop3A_429 = arith.constant 368 : index
        %parallel_loop3A_430 = tpu.vector_load %arg9[%parallel_loop3A_428, %parallel_loop3A_429] {strides = array<i32>} : memref<64x384xf32, #tpu.memory_space<vmem>>, vector<16xf32>,
        tpu.vector_store %arg9[%parallel_loop3A_428, %parallel_loop3A_429], %parallel_loop3A_427 {strides = array<i32>} : memref<64x384xf32, #tpu.memory_space<vmem>>, vector<16xf32>,
      } {sc.loop_unroll_factor = 8 : i64, sc.parallel_access}
      %mul3A_409 = arith.constant 64 : i32
      %mul3A_410 = arith.muli %add3A_226, %mul3A_409 : i32
      %add3A_411 = arith.addi %mul3A_2, %mul3A_410 : i32
      %dma_start3A_412 = arith.constant 0 : i32
      %dma_start3A_413 = tpu.memref_slice %arg5[%add3A_411, %dma_start3A_412] : memref<802816x384xf32, #tpu.memory_space<hbm>> -> memref<64x384xf32, #tpu.memory_space<hbm>>
      %dma_start3A_414 = arith.constant 0 : i32
      %dma_start3A_415 = tpu.memref_slice %arg5[%add3A_411, %dma_start3A_414] : memref<802816x384xf32, #tpu.memory_space<hbm>> -> memref<64x384xf32, #tpu.memory_space<hbm>>
      tpu.enqueue_dma source(%arg9 : memref<64x384xf32, #tpu.memory_space<vmem>>) target(%dma_start3A_415 : memref<64x384xf32, #tpu.memory_space<hbm>>) target_semaphore(%arg15 : memref<!tpu.dma_semaphore, #tpu.memory_space<semaphore_mem>>)
      %add3A_416 = arith.constant 2 : i32
      %add3A_417 = arith.addi %add3A_226, %add3A_416 : i32
      %lt3A_418 = arith.constant 392 : i32
      %lt3A_419 = arith.cmpi slt, %add3A_417, %lt3A_418 : i32
      %convert_element_type3A_420 = arith.extui %lt3A_419 : i1 to i32
      %cond3A_421 = arith.constant 0 : i32
      %cond3A_422 = arith.cmpi ne, %convert_element_type3A_420, %cond3A_421 : i32
      scf.if %cond3A_422 {
        %add3A_423 = arith.constant 2 : i32
        %add3A_424 = arith.addi %add3A_226, %add3A_423 : i32
        %mul3A_425 = arith.constant 64 : i32
        %mul3A_426 = arith.muli %add3A_424, %mul3A_425 : i32
        %add3A_427 = arith.addi %mul3A_2, %mul3A_426 : i32
        %dma_start3A_428 = arith.constant 0 : i32
        %dma_start3A_429 = tpu.memref_slice %arg2[%add3A_427, %dma_start3A_428] : memref<802816x384xf32, #tpu.memory_space<hbm>> -> memref<64x384xf32, #tpu.memory_space<hbm>>
        %dma_start3A_430 = arith.constant 0 : i32
        %dma_start3A_431 = tpu.memref_slice %arg2[%add3A_427, %dma_start3A_430] : memref<802816x384xf32, #tpu.memory_space<hbm>> -> memref<64x384xf32, #tpu.memory_space<hbm>>
        tpu.enqueue_dma source(%dma_start3A_431 : memref<64x384xf32, #tpu.memory_space<hbm>>) target(%arg7 : memref<64x384xf32, #tpu.memory_space<vmem>>) target_semaphore(%arg13 : memref<!tpu.dma_semaphore, #tpu.memory_space<semaphore_mem>>)
      } else {
      }
    }
    %scan3A_17 = arith.constant 196 : i32
    %add3A_18 = arith.constant 0 : i32
    %add3A_19 = arith.addi %mul3A_2, %add3A_18 : i32
    %dma_wait3A = arith.constant 0 : i32
    %dma_wait3A_20 = tpu.memref_slice %arg5[%add3A_19, %dma_wait3A] : memref<802816x384xf32, #tpu.memory_space<hbm>> -> memref<64x384xf32, #tpu.memory_space<hbm>>
    %dma_wait3A_21 = arith.constant 0 : i32
    %dma_wait3A_22 = tpu.memref_slice %arg5[%add3A_19, %dma_wait3A_21] : memref<802816x384xf32, #tpu.memory_space<hbm>> -> memref<64x384xf32, #tpu.memory_space<hbm>>
    tpu.wait_dma2 semaphore(%arg14 : memref<!tpu.dma_semaphore, #tpu.memory_space<semaphore_mem>>) src(%arg8 : memref<64x384xf32, #tpu.memory_space<vmem>>) dst(%dma_wait3A_22 : memref<64x384xf32, #tpu.memory_space<hbm>>)
    %add3A_23 = arith.constant 64 : i32
    %add3A_24 = arith.addi %mul3A_2, %add3A_23 : i32
    %dma_wait3A_25 = arith.constant 0 : i32
    %dma_wait3A_26 = tpu.memref_slice %arg5[%add3A_24, %dma_wait3A_25] : memref<802816x384xf32, #tpu.memory_space<hbm>> -> memref<64x384xf32, #tpu.memory_space<hbm>>
    %dma_wait3A_27 = arith.constant 0 : i32
    %dma_wait3A_28 = tpu.memref_slice %arg5[%add3A_24, %dma_wait3A_27] : memref<802816x384xf32, #tpu.memory_space<hbm>> -> memref<64x384xf32, #tpu.memory_space<hbm>>
    tpu.wait_dma2 semaphore(%arg15 : memref<!tpu.dma_semaphore, #tpu.memory_space<semaphore_mem>>) src(%arg9 : memref<64x384xf32, #tpu.memory_space<vmem>>) dst(%dma_wait3A_28 : memref<64x384xf32, #tpu.memory_space<hbm>>)
    return
  }
}

</mosaic_0001>

<sc_bundles>
// kernel: kernel.3.cloned.1.call-start
scs
__scs_entry_jumppad:
0x0: {  	(pc) =	sbr.rel $0x88, $3  }
0x1: {  	(tag) =	ssettag $0x0;
	lr =	simm.s32 $0x1  }
0x2: {  	[smem:$0x3F9E] =	sst lr;
	_ =	strace $0xD0000000  }
0x3: {  	_ = 	snop  }
0x4: {  	_ = 	snop  }
0x5: {  	_ = 	snop  }
0x6: {  	_ = 	snop  }
0x7: {  	_ = 	snop  }
__scs_overlays_trampoline_lowered:
0x8: {  	[smem:$0x3FAD] =	sst s0  }
0x9: {  	[smem:$0x3FAE] =	sst s1  }
0xa: {  	[smem:$0x3FAF] =	sst s2  }
0xb: {  	[smem:$0x3FB0] =	sst s3  }
0xc: {  	[smem:$0x3FB1] =	sst s4  }
0xd: {  	[smem:$0x3FB2] =	sst s5  }
0xe: {  	[smem:$0x3FB3] =	sst s6  }
0xf: {  	[smem:$0x3FB4] =	sst s7  }
0x10: {  	[smem:$0x3FB5] =	sst s8  }
0x11: {  	[smem:$0x3FB6] =	sst s9;
	s0 =	simm.s32 @!p0 $0x0  }
0x12: {  	s1 =	sld [smem:$0x3F9C];
	s0 =	simm.s32 @p0 $0x1  }
0x13: {  	[smem:$0x3FB7] =	sst s0;
	s0 =	simm.s32 @!p1 $0x0  }
0x14: {  	s2 =	sld [smem:$0x3F9B];
	s0 =	simm.s32 @p1 $0x1  }
0x15: {  	[smem:$0x3FB8] =	sst s0;
	s0 =	simm.s32 @!p2 $0x0  }
0x16: {  	s3 =	sld [smem:$0x3FDB];
	s0 =	simm.s32 @p2 $0x1  }
0x17: {  	s4 =	simm.s32 $0x1BF5;
	[smem:$0x3FBA] =	sst s0  }
0x18: {  	s0 =	sld [smem:$0x3F9D];
	_ =	swait.ge [sflag:s4], $0x0  }
0x19: {  	s7 =	sld [smem:$0x3F9E]  }
0x1a: {  	s8 =	sadd.s32 $0xFFFFE003, lr  }
0x1b: {  	s9 =	sadd.s32 $0xFFFFFEF7, lr;
	s5 =	simm.s32 $0xFFFFFFFF;
	p2 =	slt.u32 s8, $0xFFFFF086  }
0x1c: {  	p1 =	slt.u32 s9, $0xF7A;
	s5 =	simm.s32 @!p2 $0x0  }
0x1d: {  	s5 =	simm.s32 @p1 $0x1;
	p0 =	seq.s32 s7, s2  }
0x1e: {  	s7 =	smul.u32 @!p0 $0xF7A, s2;
	p2 =	seq.s32 @!p0 s5, $0x0  }
0x1f: {  	s9 =	smul.u32 $0xF7A, s1;
	s8 =	simm.s32 @!p0 $0x1BF5;
	p2 =	por !p2, p0  }
0x20: {  	[sflag:s8] =	ssyncset.s32 @!p0 $0xFFFFF086;
	s6 =	sadd.s32 @!p0 s3, s7;
	s7 =	simm.s32 @!p0 $0x108  }
0x21: {  	s3 =	sadd.s32 s3, s9;
	s6 =	sadd.s32 @!p0 $0x88, s6;
	s7 =	simm.s32 @p2 $0x1082  }
0x22: {  	[simem:s7], [sflag:s8] =	dma.local @!p0 [hbm:s6], $0xF7A  }
0x23: {  	s9 =	sor.u32 $0xD0000000, s2;
	s6 =	simm.s32 $0x108;
	_ =	swait.ge @!p0 [sflag:s8], $0x0  }
0x24: {  	s3 =	sadd.s32 $0x88, s3;
	s6 =	simm.s32 @!p1 $0x1082;
	[sflag:s4] =	ssyncset.s32 $0xFFFFF086  }
0x25: {  	[simem:s6], [sflag:s4] =	dma.local [hbm:s3], $0xF7A  }
0x26: {  	[smem:$0x3F9E] =	sst s1;
	(tag) =	ssettag s2;
	_ =	strace s9  }
0x27: {  	s1 =	sld [smem:$0x3FAE]  }
0x28: {  	s2 =	sld [smem:$0x3FAF]  }
0x29: {  	s4 =	sld [smem:$0x3FB1]  }
0x2a: {  	p0 =	seq.s32 s5, $0x0;
	s5 =	sld [smem:$0x3FB2]  }
0x2b: {  	s6 =	sld [smem:$0x3FB3]  }
0x2c: {  	s7 =	sld [smem:$0x3FB4]  }
0x2d: {  	s3 =	simm.s32 $0x108;
	s8 =	sld [smem:$0x3FB5]  }
0x2e: {  	s3 =	simm.s32 @!p0 $0x1082;
	s9 =	sld [smem:$0x3FB6]  }
0x2f: {  	lr =	sadd.s32 s0, s3;
	s0 =	sld [smem:$0x3FAD]  }
0x30: {  	s3 =	sld [smem:$0x3FB0]  }
0x31: {  	[smem:$0x3FB9] =	sst s10  }
0x32: {  	s10 =	sld [smem:$0x3FB7];
	_ =	sdelay $0x3  }
0x33: {  	p0 =	seq.s32 s10, $0x1;
	s10 =	sld [smem:$0x3FB9];
	_ =	sdelay $0x3  }
0x34: {  	[smem:$0x3FB9] =	sst s10  }
0x35: {  	s10 =	sld [smem:$0x3FB8];
	_ =	sdelay $0x3  }
0x36: {  	p1 =	seq.s32 s10, $0x1;
	s10 =	sld [smem:$0x3FB9];
	_ =	sdelay $0x3  }
0x37: {  	[smem:$0x3FB9] =	sst s10  }
0x38: {  	s10 =	sld [smem:$0x3FBA]  }
0x39: {  	_ = 	snop;
	(pc) =	sbr.ind lr, $3  }
0x3a: {  	_ = 	snop  }
0x3b: {  	_ = 	snop  }
0x3c: {  	p2 =	seq.s32 s10, $0x1;
	s10 =	sld [smem:$0x3FB9]  }
0x3d: {  	_ =	shalt  }
0x3e: {  	_ =	shalt  }
0x3f: {  	_ =	shalt  }
0x40: {  	_ =	shalt  }
0x41: {  	_ =	shalt  }
0x42: {  	_ =	shalt  }
0x43: {  	_ =	shalt  }
0x44: {  	_ =	shalt  }
0x45: {  	_ =	shalt  }
0x46: {  	_ =	shalt  }
0x47: {  	_ =	shalt  }
0x48: {  	_ =	shalt  }
0x49: {  	_ =	shalt  }
0x4a: {  	_ =	shalt  }
0x4b: {  	_ =	shalt  }
0x4c: {  	_ =	shalt  }
0x4d: {  	_ =	shalt  }
0x4e: {  	_ =	shalt  }
0x4f: {  	_ =	shalt  }
0x50: {  	_ =	shalt  }
0x51: {  	_ =	shalt  }
0x52: {  	_ =	shalt  }
0x53: {  	_ =	shalt  }
0x54: {  	_ =	shalt  }
0x55: {  	_ =	shalt  }
0x56: {  	_ =	shalt  }
0x57: {  	_ =	shalt  }
0x58: {  	_ =	shalt  }
0x59: {  	_ =	shalt  }
0x5a: {  	_ =	shalt  }
0x5b: {  	_ =	shalt  }
0x5c: {  	_ =	shalt  }
0x5d: {  	_ =	shalt  }
0x5e: {  	_ =	shalt  }
0x5f: {  	_ =	shalt  }
0x60: {  	_ =	shalt  }
0x61: {  	_ =	shalt  }
0x62: {  	_ =	shalt  }
0x63: {  	_ =	shalt  }
0x64: {  	_ =	shalt  }
0x65: {  	_ =	shalt  }
0x66: {  	_ =	shalt  }
0x67: {  	_ =	shalt  }
0x68: {  	_ =	shalt  }
0x69: {  	_ =	shalt  }
0x6a: {  	_ =	shalt  }
0x6b: {  	_ =	shalt  }
0x6c: {  	_ =	shalt  }
0x6d: {  	_ =	shalt  }
0x6e: {  	_ =	shalt  }
0x6f: {  	_ =	shalt  }
0x70: {  	_ =	shalt  }
0x71: {  	_ =	shalt  }
0x72: {  	_ =	shalt  }
0x73: {  	_ =	shalt  }
0x74: {  	_ =	shalt  }
0x75: {  	_ =	shalt  }
0x76: {  	_ =	shalt  }
0x77: {  	_ =	shalt  }
0x78: {  	_ =	shalt  }
0x79: {  	_ =	shalt  }
0x7a: {  	_ =	shalt  }
0x7b: {  	_ =	shalt  }
0x7c: {  	_ =	shalt  }
0x7d: {  	_ =	shalt  }
0x7e: {  	_ =	shalt  }
0x7f: {  	_ =	shalt  }
0x80: {  	_ =	shalt  }
0x81: {  	_ =	shalt  }
0x82: {  	_ =	shalt  }
0x83: {  	_ =	shalt  }
0x84: {  	_ =	shalt  }
0x85: {  	_ =	shalt  }
0x86: {  	_ =	shalt  }
0x87: {  	_ =	shalt  }
.Lfunc_end0:
.L_simem_size_0:
called_computation_lowered:
.L_overlay_start_0:
0x88: {  	s2 =	sld [smem:$0x3FD9]  }
0x89: {  	s3 =	sld [smem:$0x3FFE];
	_ =	sdelay $0x1  }
0x8a: {  	s1 =	srdreg.scid  }
0x8b: {  	s0 =	sand.u32 $0x1, s1  }
0x8c: {  	s18 =	sshll.u32 s0, $0xA;
	s2 =	sadd.s32 s3, s2  }
0x8d: {  	s2 =	sadd.s32 s2, s18  }
0x8e: {  	[smem:$0x3FC5] =	sst s2  }
0x8f: {  	_ = 	snop  }
0x90: {  	s2 =	sld [smem:$0x3FC9]  }
0x91: {  	s19 =	sld [smem:$0x3FC8]  }
0x92: {  	s4 =	sld [smem:$0x3FC7]  }
0x93: {  	s5 =	sld [smem:$0x3FD0];
	(tm) =	ssettm $0x1  }
0x94: {  	s6 =	sld [smem:$0x3FFB];
	_ =	sdelay $0x3  }
0x95: {  	_ =	strace s6  }
0x96: {  	s6 =	sld [smem:$0x3FFC];
	_ =	sdelay $0x3  }
0x97: {  	_ =	strace s6  }
0x98: {  	s6 =	sld [smem:$0x3FFD];
	_ =	sdelay $0x3  }
0x99: {  	_ =	strace s6  }
0x9a: {  	_ =	strace $0x8FFFFFFF  }
0x9b: {  	s20 =	sld [smem:$0x3FDB];
	_ =	sdelay $0x1  }
0x9c: {  	s7 =	simm.s32 $_scs_section_size  }
0x9d: {  	s8 =	simm.s32 $_size__tile_overlayer_lowered;
	s9 =	simm.s32 $_tile_overlayer_lowered  }
0x9e: {  	s23 =	simm.s32 $0x1BFF;
	s22 =	sshll.u32 s9, $0x1;
	s6 =	sadd.s32 s7, s20  }
0x9f: {  	s10 =	simm.s32 $0x0;
	s21 =	sshll.u32 s8, $0x1;
	s8 =	sadd.s32 s22, s6  }
0xa0: {  	[timem:s10], [sflag:s23] =	dma.local [hbm:s8], s21  }
0xa1: {  	_ =	swait.ge [sflag:s23], s21  }
0xa2: {  	s7 =	ssub.s32 $0x0, s21;
	[sflag:s23] =	ssyncset.done $0x0  }
0xa3: {  	[sflag:s23] =	ssyncadd.s32 s7;
	_ =	sdelay $0x1  }
0xa4: {  	s24 =	simm.s32 $0x1B8B  }
0xa5: {  	_ =	swait.ge [sflag:s24], $0x1  }
0xa6: {  	[sflag:s24] =	ssyncset.done $0x0  }
0xa7: {  	s25 =	simm.s32 $0x1B8E;
	[sflag:s24] =	ssyncadd.s32 $0xFFFFFFFF  }
0xa8: {  	s26 =	simm.s32 $execute0_lowered;
	[smem:$0x3FD2] =	sst s25  }
0xa9: {  	s7 =	sshll.u32 s26, $0x1;
	_ =	strace $0x80000046;
	[dreg:$0x1] =	wrdreg $0xFFFFFFFF  }
0xaa: {  	s28 =	simm.s32 $_size_execute0_lowered;
	s6 =	sadd.s32 s6, s7;
	[dreg:$0x0] =	wrdreg $0x0  }
0xab: {  	s7 =	sshll.u32 s28, $0x1;
	[dreg:$0x2] =	wrdreg s6  }
0xac: {  	[dreg:$0x3] =	wrdreg s7  }
0xad: {  	[dreg:$0x4] =	wrdreg $0xC0  }
0xae: {  	_ =	task [dreg:s10], $0x5FFFF  }
0xaf: {  	[dreg:$0x1] =	wrdreg $0xFFFFFFFF  }
0xb0: {  	[dreg:$0x0] =	wrdreg $0x60  }
0xb1: {  	[dreg:$0x2] =	wrdreg s2  }
0xb2: {  	[dreg:$0x3] =	wrdreg s19  }
0xb3: {  	[dreg:$0x4] =	wrdreg s4  }
0xb4: {  	[dreg:$0x5] =	wrdreg s5  }
0xb5: {  	[dreg:$0x6] =	wrdreg $0x9  }
0xb6: {  	_ =	task.clear_ibuf [dreg:s10], $0x7FFFF;
	_ =	strace $0x90000046  }
0xb7: {  	s29 =	simm.s32 $0x9;
	_ =	strace $0x80000048  }
0xb8: {  	_ =	swait.ge [sflag:s29], $0x1  }
0xb9: {  	[sflag:s29] =	ssyncadd.s32 $0xFFFFFFFF  }
0xba: {  	_ =	strace $0x90000048  }
0xbb: {  	_ =	sfence  }
0xbc: {  	s30 =	sld [smem:$0x0];
	_ =	sdelay $0x2  }
0xbd: {  	s31 =	sshll.u32 s1, $0xD;
	s1 =	sshrl.u32 s1, $0x2  }
0xbe: {  	s3 =	sand.u32 $0x4000, s31;
	s1 =	sadd.s32 s1, s30  }
0xbf: {  	s0 =	sor.u32 s3, s0;
	s1 =	sshll.u32 s1, $0x11  }
0xc0: {  	s0 =	sor.u32 s1, s0  }
0xc1: {  	s0 =	sadd.s32 $0x8F2B, s0  }
0xc2: {  	[sflag:s0] =	ssyncadd.remote.s32 $0x1  }
0xc3: {  	_ =	sfence.sel $0xFFFF  }
0xc4: {  	[dreg:$0x0] =	wrdreg $0xFFFFFFFF;
	(pc) =	sbr.abs _section_cstart, $3  }
0xc5: {  	[dreg:$0x1] =	wrdreg $0xFFFFFFFF  }
0xc6: {  	_ =	task.clear_ibuf [dreg:s10], $0x2FFFF;
	_ =	strace $0x9FFFFFFF  }
0xc7: {  	(tm) =	ssettm $0x7FFFFFFF  }
tec
execute0_lowered:
.L_overlay_start_1:
0x0: {  	(tag) =	ssettag $0x1  }
0x1: {  	s1 =	srdreg.scid;
	s4 =	rddreg [dreg:$0x1]  }
0x2: {  	s0 =	stileid.u32;
	s5 =	rddreg [dreg:$0x2]  }
0x3: {  	s6 =	rddreg [dreg:$0x3];
	s7 =	simm.s32 $0x0;
	s14 =	simm.s32 $0x18000  }
0x4: {  	s15 =	simm.s32 $0x5;
	s16 =	simm.s32 $0x18180;
	s17 =	simm.s32 $0x6000  }
0x5: {  	s18 =	simm.s32 $0x1;
	s8 =	sand.u32 $0x1, s1;
	s31 =	sshll.u32 s0, $0x1  }
0x6: {  	s19 =	simm.s32 $0xC000;
	s20 =	simm.s32 $0x2;
	s2 =	sor.u32 s8, s31  }
0x7: {  	s21 =	simm.s32 $0x12000;
	s22 =	simm.s32 $0x3;
	s3 =	smul.u32 $0x6200, s2  }
0x8: {  	s23 =	simm.s32 $0x4;
	s24 =	simm.s32 $0x0;
	s1 =	rddreg [dreg:$0x0]  }
.Ltmp0:
0x9: {  	s10 =	ssub.s32 $0x2, s8;
	s2 =	sshrl.u32 s3, $0x3;
	(pc) =	sbr.rel .LBB2_1-.Ltmp0, $4  }
0xa: {  	[smem:$0x7FF] =	sst s7;
	s11 =	sshrl.u32 s10, $0x1;
	s9 =	smul.u32 $0x180, s2  }
0xb: {  	s13 =	ssub.s32 s10, s11;
	s10 =	sor.u32 $0x80, s3;
	s11 =	sor.u32 $0x40, s3  }
0xc: {  	s12 =	sor.u32 $0xC0, s3;
	s13 =	smax.u32 s13, $0x1;
	s8 =	sadd.s32 s1, s9  }
0xd: {  	s2 =	rddreg [dreg:$0x4];
	_ =	strace $0x80000047;
	s9 =	sadd.s32 $0xC00, s8  }
.LBB2_100:
0xe: {  	s24 =	sadd.s32 $0x1, s24  }
0xf: {  	_ =	swait.ge [sflag:s22], $0x6000;
	p0 =	sne.s32 s24, s13  }
.Ltmp1:
0x10: {  	[sflag:s22] =	ssyncset.done $0x0;
	(pc) =	sbr.rel @!p0 .LBB2_101-.Ltmp1, $4  }
0x11: {  	[sflag:s22] =	ssyncadd.s32 $0xFFFFA000  }
0x12: {  	_ =	swait.ge [sflag:s23], $0x6000  }
0x13: {  	[sflag:s23] =	ssyncset.done $0x0  }
0x14: {  	[sflag:s23] =	ssyncadd.s32 $0xFFFFA000  }
.LBB2_1:
0x15: {  	[tilespmem:s14], [sflag:$0x5] =	stream.linear.gather [hbm4b:s4+s7], $0x180, $0x38;
	[tilespmem:$0x18300] =	vst v63  }
0x16: {  	_ =	swait.ge [sflag:s15], $0x180  }
0x17: {  	[sflag:s15] =	ssyncset.done $0x0  }
0x18: {  	[sflag:s15] =	ssyncadd.s32 $0xFFFFFE80  }
0x19: {  	[tilespmem:s16], [sflag:$0x5] =	stream.linear.gather [hbm4b:s5+s7], $0x180, $0x38;
	[tilespmem:$0x18300] =	vst v63  }
0x1a: {  	_ =	swait.ge [sflag:s15], $0x180  }
0x1b: {  	[sflag:s15] =	ssyncset.done $0x0  }
0x1c: {  	[sflag:s15] =	ssyncadd.s32 $0xFFFFFE80  }
0x1d: {  	[tilespmem:s7], [sflag:$0x1] =	stream.linear.gather [hbm4b:s8+s7], $0x6000, $0x38;
	[tilespmem:$0x18300] =	vst v63  }
0x1e: {  	s25 =	simm.s32 $0x0  }
0x1f: {  	[tilespmem:s17], [sflag:$0x2] =	stream.linear.gather [hbm4b:s9+s7], $0x6000, $0x38;
	[tilespmem:$0x18300] =	vst v63  }
.LBB2_2:
0x20: {  	_ =	swait.ge [sflag:s18], $0x6000  }
0x21: {  	p1 =	seq.s32 s25, $0x0;
	[sflag:s18] =	ssyncset.done $0x0  }
0x22: {  	s26 =	simm.s32 @!p1 $0x3;
	[sflag:s18] =	ssyncadd.s32 $0xFFFFA000  }
0x23: {  	_ =	swait.ge @!p1 [sflag:s26], $0x6000  }
0x24: {  	[sflag:s26] =	ssyncset.done @!p1 $0x0  }
0x25: {  	[sflag:s26] =	ssyncadd.s32 @!p1 $0xFFFFA000  }
0x26: {  	s31 =	simm.s32 $0x200;
	v0 =	vld [tilespmem:$0x18180]  }
0x27: {  	v4 =	vld [tilespmem:s31+$0x180]  }
0x28: {  	v5 =	vld [tilespmem:s31+$0xFFFFFE80]  }
0x29: {  	v7 =	vld [tilespmem:s31+$0xFFFFFF00]  }
0x2a: {  	v3 =	vld [tilespmem:s31+$0xFFFFFF80]  }
0x2b: {  	v2 =	vld [tilespmem:s31+$0x0]  }
0x2c: {  	v1 =	vld [tilespmem:s31+$0x80];
	v8 =	vmul.f32 v4, v0  }
0x2d: {  	s29 =	simm.s32 $0xC200;
	s26 =	sshll.u32 s25, $0x7;
	v4 =	vld [tilespmem:s31+$0x100];
	v6 =	vmul.f32 v5, v0  }
0x2e: {  	s30 =	simm.s32 $0x0;
	s28 =	sadd.s32 s3, s26;
	v5 =	vld [tilespmem:s31+$0xFFFFFE00];
	v7 =	vmul.f32 v7, v0;
	s31 =	simm.s32 $0xE00;
	[tilespmem:s29+$0x180] =	vst v8  }
.LBB2_3:
0x2f: {  	v8 =	vld [tilespmem:s31+$0x180];
	s30 =	sadd.s32 $0x8, s30;
	[tilespmem:s29+$0xFFFFFE80] =	vst v6;
	v3 =	vmul.f32 v3, v0  }
0x30: {  	v6 =	vld [tilespmem:s31+$0xFFFFFE80];
	p0 =	slt.u32 s30, $0x38;
	[tilespmem:s29+$0xFFFFFF00] =	vst v7;
	v2 =	vmul.f32 v2, v0  }
0x31: {  	v7 =	vld [tilespmem:s31+$0xFFFFFF00];
	[tilespmem:s29+$0xFFFFFF80] =	vst v3;
	v1 =	vmul.f32 v1, v0  }
.Ltmp2:
0x32: {  	v3 =	vld [tilespmem:s31+$0xFFFFFF80];
	[tilespmem:s29+$0x0] =	vst v2;
	v4 =	vmul.f32 v4, v0;
	(pc) =	sbr.rel @p0 .LBB2_3-.Ltmp2, $4  }
0x33: {  	v2 =	vld [tilespmem:s31+$0x0];
	v5 =	vmul.f32 v5, v0;
	[tilespmem:s29+$0x80] =	vst v1  }
0x34: {  	v1 =	vld [tilespmem:s31+$0x80];
	v8 =	vmul.f32 v8, v0;
	[tilespmem:s29+$0x100] =	vst v4  }
0x35: {  	v6 =	vmul.f32 v6, v0;
	v4 =	vld [tilespmem:s31+$0x100];
	[tilespmem:s29+$0xFFFFFE00] =	vst v5;
	s29 =	sadd.s32 $0xC00, s29  }
0x36: {  	v5 =	vld [tilespmem:s31+$0xFFFFFE00];
	v7 =	vmul.f32 v7, v0;
	[tilespmem:s29+$0x180] =	vst v8;
	s31 =	sadd.s32 $0xC00, s31  }
0x37: {  	[tilespmem:s29+$0xFFFFFE80] =	vst v6;
	v3 =	vmul.f32 v3, v0  }
0x38: {  	[tilespmem:s29+$0xFFFFFF00] =	vst v7;
	v2 =	vmul.f32 v2, v0  }
0x39: {  	[tilespmem:s29+$0xFFFFFF80] =	vst v3;
	v1 =	vmul.f32 v1, v0  }
0x3a: {  	[tilespmem:s29+$0x0] =	vst v2;
	v2 =	vmul.f32 v4, v0  }
0x3b: {  	v0 =	vmul.f32 v5, v0;
	[tilespmem:s29+$0x80] =	vst v1  }
0x3c: {  	[tilespmem:s29+$0x100] =	vst v2  }
0x3d: {  	[tilespmem:s29+$0xFFFFFE00] =	vst v0  }
0x3e: {  	s31 =	simm.s32 $0x210;
	v0 =	vld [tilespmem:$0x18190]  }
0x3f: {  	v3 =	vld [tilespmem:s31+$0x180]  }
0x40: {  	v5 =	vld [tilespmem:s31+$0xFFFFFE80]  }
0x41: {  	v7 =	vld [tilespmem:s31+$0xFFFFFF00]  }
0x42: {  	v4 =	vld [tilespmem:s31+$0xFFFFFF80]  }
0x43: {  	v2 =	vld [tilespmem:s31+$0x0]  }
0x44: {  	v1 =	vld [tilespmem:s31+$0x80];
	v8 =	vmul.f32 v3, v0  }
0x45: {  	s29 =	simm.s32 $0xC210;
	v3 =	vld [tilespmem:s31+$0x100];
	v6 =	vmul.f32 v5, v0  }
0x46: {  	s30 =	simm.s32 $0x0;
	v5 =	vld [tilespmem:s31+$0xFFFFFE00];
	v7 =	vmul.f32 v7, v0;
	s31 =	simm.s32 $0xE10;
	[tilespmem:s29+$0x180] =	vst v8  }
.LBB2_5:
0x47: {  	v8 =	vld [tilespmem:s31+$0x180];
	s30 =	sadd.s32 $0x8, s30;
	[tilespmem:s29+$0xFFFFFE80] =	vst v6;
	v4 =	vmul.f32 v4, v0  }
0x48: {  	v6 =	vld [tilespmem:s31+$0xFFFFFE80];
	p0 =	slt.u32 s30, $0x38;
	[tilespmem:s29+$0xFFFFFF00] =	vst v7;
	v2 =	vmul.f32 v2, v0  }
0x49: {  	v7 =	vld [tilespmem:s31+$0xFFFFFF00];
	[tilespmem:s29+$0xFFFFFF80] =	vst v4;
	v1 =	vmul.f32 v1, v0  }
.Ltmp3:
0x4a: {  	v4 =	vld [tilespmem:s31+$0xFFFFFF80];
	[tilespmem:s29+$0x0] =	vst v2;
	v3 =	vmul.f32 v3, v0;
	(pc) =	sbr.rel @p0 .LBB2_5-.Ltmp3, $4  }
0x4b: {  	v2 =	vld [tilespmem:s31+$0x0];
	v5 =	vmul.f32 v5, v0;
	[tilespmem:s29+$0x80] =	vst v1  }
0x4c: {  	v1 =	vld [tilespmem:s31+$0x80];
	v8 =	vmul.f32 v8, v0;
	[tilespmem:s29+$0x100] =	vst v3  }
0x4d: {  	v6 =	vmul.f32 v6, v0;
	v3 =	vld [tilespmem:s31+$0x100];
	[tilespmem:s29+$0xFFFFFE00] =	vst v5;
	s29 =	sadd.s32 $0xC00, s29  }
0x4e: {  	v5 =	vld [tilespmem:s31+$0xFFFFFE00];
	v7 =	vmul.f32 v7, v0;
	[tilespmem:s29+$0x180] =	vst v8;
	s31 =	sadd.s32 $0xC00, s31  }
0x4f: {  	[tilespmem:s29+$0xFFFFFE80] =	vst v6;
	v4 =	vmul.f32 v4, v0  }
0x50: {  	[tilespmem:s29+$0xFFFFFF00] =	vst v7;
	v2 =	vmul.f32 v2, v0  }
0x51: {  	[tilespmem:s29+$0xFFFFFF80] =	vst v4;
	v1 =	vmul.f32 v1, v0  }
0x52: {  	[tilespmem:s29+$0x0] =	vst v2;
	v2 =	vmul.f32 v3, v0  }
0x53: {  	v0 =	vmul.f32 v5, v0;
	[tilespmem:s29+$0x80] =	vst v1  }
0x54: {  	[tilespmem:s29+$0x100] =	vst v2  }
0x55: {  	[tilespmem:s29+$0xFFFFFE00] =	vst v0  }
0x56: {  	s31 =	simm.s32 $0x220;
	v0 =	vld [tilespmem:$0x181A0]  }
0x57: {  	v3 =	vld [tilespmem:s31+$0x180]  }
0x58: {  	v5 =	vld [tilespmem:s31+$0xFFFFFE80]  }
0x59: {  	v7 =	vld [tilespmem:s31+$0xFFFFFF00]  }
0x5a: {  	v4 =	vld [tilespmem:s31+$0xFFFFFF80]  }
0x5b: {  	v2 =	vld [tilespmem:s31+$0x0]  }
0x5c: {  	v1 =	vld [tilespmem:s31+$0x80];
	v8 =	vmul.f32 v3, v0  }
0x5d: {  	s29 =	simm.s32 $0xC220;
	v3 =	vld [tilespmem:s31+$0x100];
	v6 =	vmul.f32 v5, v0  }
0x5e: {  	s30 =	simm.s32 $0x0;
	v5 =	vld [tilespmem:s31+$0xFFFFFE00];
	v7 =	vmul.f32 v7, v0;
	s31 =	simm.s32 $0xE20;
	[tilespmem:s29+$0x180] =	vst v8  }
.LBB2_7:
0x5f: {  	v8 =	vld [tilespmem:s31+$0x180];
	s30 =	sadd.s32 $0x8, s30;
	[tilespmem:s29+$0xFFFFFE80] =	vst v6;
	v4 =	vmul.f32 v4, v0  }
0x60: {  	v6 =	vld [tilespmem:s31+$0xFFFFFE80];
	p0 =	slt.u32 s30, $0x38;
	[tilespmem:s29+$0xFFFFFF00] =	vst v7;
	v2 =	vmul.f32 v2, v0  }
0x61: {  	v7 =	vld [tilespmem:s31+$0xFFFFFF00];
	[tilespmem:s29+$0xFFFFFF80] =	vst v4;
	v1 =	vmul.f32 v1, v0  }
.Ltmp4:
0x62: {  	v4 =	vld [tilespmem:s31+$0xFFFFFF80];
	[tilespmem:s29+$0x0] =	vst v2;
	v3 =	vmul.f32 v3, v0;
	(pc) =	sbr.rel @p0 .LBB2_7-.Ltmp4, $4  }
0x63: {  	v2 =	vld [tilespmem:s31+$0x0];
	v5 =	vmul.f32 v5, v0;
	[tilespmem:s29+$0x80] =	vst v1  }
0x64: {  	v1 =	vld [tilespmem:s31+$0x80];
	v8 =	vmul.f32 v8, v0;
	[tilespmem:s29+$0x100] =	vst v3  }
0x65: {  	v6 =	vmul.f32 v6, v0;
	v3 =	vld [tilespmem:s31+$0x100];
	[tilespmem:s29+$0xFFFFFE00] =	vst v5;
	s29 =	sadd.s32 $0xC00, s29  }
0x66: {  	v5 =	vld [tilespmem:s31+$0xFFFFFE00];
	v7 =	vmul.f32 v7, v0;
	[tilespmem:s29+$0x180] =	vst v8;
	s31 =	sadd.s32 $0xC00, s31  }
0x67: {  	[tilespmem:s29+$0xFFFFFE80] =	vst v6;
	v4 =	vmul.f32 v4, v0  }
0x68: {  	[tilespmem:s29+$0xFFFFFF00] =	vst v7;
	v2 =	vmul.f32 v2, v0  }
0x69: {  	[tilespmem:s29+$0xFFFFFF80] =	vst v4;
	v1 =	vmul.f32 v1, v0  }
0x6a: {  	[tilespmem:s29+$0x0] =	vst v2;
	v2 =	vmul.f32 v3, v0  }
0x6b: {  	v0 =	vmul.f32 v5, v0;
	[tilespmem:s29+$0x80] =	vst v1  }
0x6c: {  	[tilespmem:s29+$0x100] =	vst v2  }
0x6d: {  	[tilespmem:s29+$0xFFFFFE00] =	vst v0  }
0x6e: {  	s31 =	simm.s32 $0x230;
	v0 =	vld [tilespmem:$0x181B0]  }
0x6f: {  	v3 =	vld [tilespmem:s31+$0x180]  }
0x70: {  	v5 =	vld [tilespmem:s31+$0xFFFFFE80]  }
0x71: {  	v7 =	vld [tilespmem:s31+$0xFFFFFF00]  }
0x72: {  	v4 =	vld [tilespmem:s31+$0xFFFFFF80]  }
0x73: {  	v2 =	vld [tilespmem:s31+$0x0]  }
0x74: {  	v1 =	vld [tilespmem:s31+$0x80];
	v8 =	vmul.f32 v3, v0  }
0x75: {  	s29 =	simm.s32 $0xC230;
	v3 =	vld [tilespmem:s31+$0x100];
	v6 =	vmul.f32 v5, v0  }
0x76: {  	s30 =	simm.s32 $0x0;
	v5 =	vld [tilespmem:s31+$0xFFFFFE00];
	v7 =	vmul.f32 v7, v0;
	s31 =	simm.s32 $0xE30;
	[tilespmem:s29+$0x180] =	vst v8  }
.LBB2_9:
0x77: {  	v8 =	vld [tilespmem:s31+$0x180];
	s30 =	sadd.s32 $0x8, s30;
	[tilespmem:s29+$0xFFFFFE80] =	vst v6;
	v4 =	vmul.f32 v4, v0  }
0x78: {  	v6 =	vld [tilespmem:s31+$0xFFFFFE80];
	p0 =	slt.u32 s30, $0x38;
	[tilespmem:s29+$0xFFFFFF00] =	vst v7;
	v2 =	vmul.f32 v2, v0  }
0x79: {  	v7 =	vld [tilespmem:s31+$0xFFFFFF00];
	[tilespmem:s29+$0xFFFFFF80] =	vst v4;
	v1 =	vmul.f32 v1, v0  }
.Ltmp5:
0x7a: {  	v4 =	vld [tilespmem:s31+$0xFFFFFF80];
	[tilespmem:s29+$0x0] =	vst v2;
	v3 =	vmul.f32 v3, v0;
	(pc) =	sbr.rel @p0 .LBB2_9-.Ltmp5, $4  }
0x7b: {  	v2 =	vld [tilespmem:s31+$0x0];
	v5 =	vmul.f32 v5, v0;
	[tilespmem:s29+$0x80] =	vst v1  }
0x7c: {  	v1 =	vld [tilespmem:s31+$0x80];
	v8 =	vmul.f32 v8, v0;
	[tilespmem:s29+$0x100] =	vst v3  }
0x7d: {  	v6 =	vmul.f32 v6, v0;
	v3 =	vld [tilespmem:s31+$0x100];
	[tilespmem:s29+$0xFFFFFE00] =	vst v5;
	s29 =	sadd.s32 $0xC00, s29  }
0x7e: {  	v5 =	vld [tilespmem:s31+$0xFFFFFE00];
	v7 =	vmul.f32 v7, v0;
	[tilespmem:s29+$0x180] =	vst v8;
	s31 =	sadd.s32 $0xC00, s31  }
0x7f: {  	[tilespmem:s29+$0xFFFFFE80] =	vst v6;
	v4 =	vmul.f32 v4, v0  }
0x80: {  	[tilespmem:s29+$0xFFFFFF00] =	vst v7;
	v2 =	vmul.f32 v2, v0  }
0x81: {  	[tilespmem:s29+$0xFFFFFF80] =	vst v4;
	v1 =	vmul.f32 v1, v0  }
0x82: {  	[tilespmem:s29+$0x0] =	vst v2;
	v2 =	vmul.f32 v3, v0  }
0x83: {  	v0 =	vmul.f32 v5, v0;
	[tilespmem:s29+$0x80] =	vst v1  }
0x84: {  	[tilespmem:s29+$0x100] =	vst v2  }
0x85: {  	[tilespmem:s29+$0xFFFFFE00] =	vst v0  }
0x86: {  	s31 =	simm.s32 $0x240;
	v0 =	vld [tilespmem:$0x181C0]  }
0x87: {  	v3 =	vld [tilespmem:s31+$0x180]  }
0x88: {  	v5 =	vld [tilespmem:s31+$0xFFFFFE80]  }
0x89: {  	v7 =	vld [tilespmem:s31+$0xFFFFFF00]  }
0x8a: {  	v4 =	vld [tilespmem:s31+$0xFFFFFF80]  }
0x8b: {  	v2 =	vld [tilespmem:s31+$0x0]  }
0x8c: {  	v1 =	vld [tilespmem:s31+$0x80];
	v8 =	vmul.f32 v3, v0  }
0x8d: {  	s29 =	simm.s32 $0xC240;
	v3 =	vld [tilespmem:s31+$0x100];
	v6 =	vmul.f32 v5, v0  }
0x8e: {  	s30 =	simm.s32 $0x0;
	v5 =	vld [tilespmem:s31+$0xFFFFFE00];
	v7 =	vmul.f32 v7, v0;
	s31 =	simm.s32 $0xE40;
	[tilespmem:s29+$0x180] =	vst v8  }
.LBB2_11:
0x8f: {  	v8 =	vld [tilespmem:s31+$0x180];
	s30 =	sadd.s32 $0x8, s30;
	[tilespmem:s29+$0xFFFFFE80] =	vst v6;
	v4 =	vmul.f32 v4, v0  }
0x90: {  	v6 =	vld [tilespmem:s31+$0xFFFFFE80];
	p0 =	slt.u32 s30, $0x38;
	[tilespmem:s29+$0xFFFFFF00] =	vst v7;
	v2 =	vmul.f32 v2, v0  }
0x91: {  	v7 =	vld [tilespmem:s31+$0xFFFFFF00];
	[tilespmem:s29+$0xFFFFFF80] =	vst v4;
	v1 =	vmul.f32 v1, v0  }
.Ltmp6:
0x92: {  	v4 =	vld [tilespmem:s31+$0xFFFFFF80];
	[tilespmem:s29+$0x0] =	vst v2;
	v3 =	vmul.f32 v3, v0;
	(pc) =	sbr.rel @p0 .LBB2_11-.Ltmp6, $4  }
0x93: {  	v2 =	vld [tilespmem:s31+$0x0];
	v5 =	vmul.f32 v5, v0;
	[tilespmem:s29+$0x80] =	vst v1  }
0x94: {  	v1 =	vld [tilespmem:s31+$0x80];
	v8 =	vmul.f32 v8, v0;
	[tilespmem:s29+$0x100] =	vst v3  }
0x95: {  	v6 =	vmul.f32 v6, v0;
	v3 =	vld [tilespmem:s31+$0x100];
	[tilespmem:s29+$0xFFFFFE00] =	vst v5;
	s29 =	sadd.s32 $0xC00, s29  }
0x96: {  	v5 =	vld [tilespmem:s31+$0xFFFFFE00];
	v7 =	vmul.f32 v7, v0;
	[tilespmem:s29+$0x180] =	vst v8;
	s31 =	sadd.s32 $0xC00, s31  }
0x97: {  	[tilespmem:s29+$0xFFFFFE80] =	vst v6;
	v4 =	vmul.f32 v4, v0  }
0x98: {  	[tilespmem:s29+$0xFFFFFF00] =	vst v7;
	v2 =	vmul.f32 v2, v0  }
0x99: {  	[tilespmem:s29+$0xFFFFFF80] =	vst v4;
	v1 =	vmul.f32 v1, v0  }
0x9a: {  	[tilespmem:s29+$0x0] =	vst v2;
	v2 =	vmul.f32 v3, v0  }
0x9b: {  	v0 =	vmul.f32 v5, v0;
	[tilespmem:s29+$0x80] =	vst v1  }
0x9c: {  	[tilespmem:s29+$0x100] =	vst v2  }
0x9d: {  	[tilespmem:s29+$0xFFFFFE00] =	vst v0  }
0x9e: {  	s31 =	simm.s32 $0x250;
	v0 =	vld [tilespmem:$0x181D0]  }
0x9f: {  	v3 =	vld [tilespmem:s31+$0x180]  }
0xa0: {  	v5 =	vld [tilespmem:s31+$0xFFFFFE80]  }
0xa1: {  	v7 =	vld [tilespmem:s31+$0xFFFFFF00]  }
0xa2: {  	v4 =	vld [tilespmem:s31+$0xFFFFFF80]  }
0xa3: {  	v2 =	vld [tilespmem:s31+$0x0]  }
0xa4: {  	v1 =	vld [tilespmem:s31+$0x80];
	v8 =	vmul.f32 v3, v0  }
0xa5: {  	s29 =	simm.s32 $0xC250;
	v3 =	vld [tilespmem:s31+$0x100];
	v6 =	vmul.f32 v5, v0  }
0xa6: {  	s30 =	simm.s32 $0x0;
	v5 =	vld [tilespmem:s31+$0xFFFFFE00];
	v7 =	vmul.f32 v7, v0;
	s31 =	simm.s32 $0xE50;
	[tilespmem:s29+$0x180] =	vst v8  }
.LBB2_13:
0xa7: {  	v8 =	vld [tilespmem:s31+$0x180];
	s30 =	sadd.s32 $0x8, s30;
	[tilespmem:s29+$0xFFFFFE80] =	vst v6;
	v4 =	vmul.f32 v4, v0  }
0xa8: {  	v6 =	vld [tilespmem:s31+$0xFFFFFE80];
	p0 =	slt.u32 s30, $0x38;
	[tilespmem:s29+$0xFFFFFF00] =	vst v7;
	v2 =	vmul.f32 v2, v0  }
0xa9: {  	v7 =	vld [tilespmem:s31+$0xFFFFFF00];
	[tilespmem:s29+$0xFFFFFF80] =	vst v4;
	v1 =	vmul.f32 v1, v0  }
.Ltmp7:
0xaa: {  	v4 =	vld [tilespmem:s31+$0xFFFFFF80];
	[tilespmem:s29+$0x0] =	vst v2;
	v3 =	vmul.f32 v3, v0;
	(pc) =	sbr.rel @p0 .LBB2_13-.Ltmp7, $4  }
0xab: {  	v2 =	vld [tilespmem:s31+$0x0];
	v5 =	vmul.f32 v5, v0;
	[tilespmem:s29+$0x80] =	vst v1  }
0xac: {  	v1 =	vld [tilespmem:s31+$0x80];
	v8 =	vmul.f32 v8, v0;
	[tilespmem:s29+$0x100] =	vst v3  }
0xad: {  	v6 =	vmul.f32 v6, v0;
	v3 =	vld [tilespmem:s31+$0x100];
	[tilespmem:s29+$0xFFFFFE00] =	vst v5;
	s29 =	sadd.s32 $0xC00, s29  }
0xae: {  	v5 =	vld [tilespmem:s31+$0xFFFFFE00];
	v7 =	vmul.f32 v7, v0;
	[tilespmem:s29+$0x180] =	vst v8;
	s31 =	sadd.s32 $0xC00, s31  }
0xaf: {  	[tilespmem:s29+$0xFFFFFE80] =	vst v6;
	v4 =	vmul.f32 v4, v0  }
0xb0: {  	[tilespmem:s29+$0xFFFFFF00] =	vst v7;
	v2 =	vmul.f32 v2, v0  }
0xb1: {  	[tilespmem:s29+$0xFFFFFF80] =	vst v4;
	v1 =	vmul.f32 v1, v0  }
0xb2: {  	[tilespmem:s29+$0x0] =	vst v2;
	v2 =	vmul.f32 v3, v0  }
0xb3: {  	v0 =	vmul.f32 v5, v0;
	[tilespmem:s29+$0x80] =	vst v1  }
0xb4: {  	[tilespmem:s29+$0x100] =	vst v2  }
0xb5: {  	[tilespmem:s29+$0xFFFFFE00] =	vst v0  }
0xb6: {  	s31 =	simm.s32 $0x260;
	v0 =	vld [tilespmem:$0x181E0]  }
0xb7: {  	v3 =	vld [tilespmem:s31+$0x180]  }
0xb8: {  	v5 =	vld [tilespmem:s31+$0xFFFFFE80]  }
0xb9: {  	v7 =	vld [tilespmem:s31+$0xFFFFFF00]  }
0xba: {  	v4 =	vld [tilespmem:s31+$0xFFFFFF80]  }
0xbb: {  	v2 =	vld [tilespmem:s31+$0x0]  }
0xbc: {  	v1 =	vld [tilespmem:s31+$0x80];
	v8 =	vmul.f32 v3, v0  }
0xbd: {  	s29 =	simm.s32 $0xC260;
	v3 =	vld [tilespmem:s31+$0x100];
	v6 =	vmul.f32 v5, v0  }
0xbe: {  	s30 =	simm.s32 $0x0;
	v5 =	vld [tilespmem:s31+$0xFFFFFE00];
	v7 =	vmul.f32 v7, v0;
	s31 =	simm.s32 $0xE60;
	[tilespmem:s29+$0x180] =	vst v8  }
.LBB2_15:
0xbf: {  	v8 =	vld [tilespmem:s31+$0x180];
	s30 =	sadd.s32 $0x8, s30;
	[tilespmem:s29+$0xFFFFFE80] =	vst v6;
	v4 =	vmul.f32 v4, v0  }
0xc0: {  	v6 =	vld [tilespmem:s31+$0xFFFFFE80];
	p0 =	slt.u32 s30, $0x38;
	[tilespmem:s29+$0xFFFFFF00] =	vst v7;
	v2 =	vmul.f32 v2, v0  }
0xc1: {  	v7 =	vld [tilespmem:s31+$0xFFFFFF00];
	[tilespmem:s29+$0xFFFFFF80] =	vst v4;
	v1 =	vmul.f32 v1, v0  }
.Ltmp8:
0xc2: {  	v4 =	vld [tilespmem:s31+$0xFFFFFF80];
	[tilespmem:s29+$0x0] =	vst v2;
	v3 =	vmul.f32 v3, v0;
	(pc) =	sbr.rel @p0 .LBB2_15-.Ltmp8, $4  }
0xc3: {  	v2 =	vld [tilespmem:s31+$0x0];
	v5 =	vmul.f32 v5, v0;
	[tilespmem:s29+$0x80] =	vst v1  }
0xc4: {  	v1 =	vld [tilespmem:s31+$0x80];
	v8 =	vmul.f32 v8, v0;
	[tilespmem:s29+$0x100] =	vst v3  }
0xc5: {  	v6 =	vmul.f32 v6, v0;
	v3 =	vld [tilespmem:s31+$0x100];
	[tilespmem:s29+$0xFFFFFE00] =	vst v5;
	s29 =	sadd.s32 $0xC00, s29  }
0xc6: {  	v5 =	vld [tilespmem:s31+$0xFFFFFE00];
	v7 =	vmul.f32 v7, v0;
	[tilespmem:s29+$0x180] =	vst v8;
	s31 =	sadd.s32 $0xC00, s31  }
0xc7: {  	[tilespmem:s29+$0xFFFFFE80] =	vst v6;
	v4 =	vmul.f32 v4, v0  }
0xc8: {  	[tilespmem:s29+$0xFFFFFF00] =	vst v7;
	v2 =	vmul.f32 v2, v0  }
0xc9: {  	[tilespmem:s29+$0xFFFFFF80] =	vst v4;
	v1 =	vmul.f32 v1, v0  }
0xca: {  	[tilespmem:s29+$0x0] =	vst v2;
	v2 =	vmul.f32 v3, v0  }
0xcb: {  	v0 =	vmul.f32 v5, v0;
	[tilespmem:s29+$0x80] =	vst v1  }
0xcc: {  	[tilespmem:s29+$0x100] =	vst v2  }
0xcd: {  	[tilespmem:s29+$0xFFFFFE00] =	vst v0  }
0xce: {  	s31 =	simm.s32 $0x270;
	v0 =	vld [tilespmem:$0x181F0]  }
0xcf: {  	v3 =	vld [tilespmem:s31+$0x180]  }
0xd0: {  	v5 =	vld [tilespmem:s31+$0xFFFFFE80]  }
0xd1: {  	v7 =	vld [tilespmem:s31+$0xFFFFFF00]  }
0xd2: {  	v4 =	vld [tilespmem:s31+$0xFFFFFF80]  }
0xd3: {  	v2 =	vld [tilespmem:s31+$0x0]  }
0xd4: {  	v1 =	vld [tilespmem:s31+$0x80];
	v8 =	vmul.f32 v3, v0  }
0xd5: {  	s29 =	simm.s32 $0xC270;
	v3 =	vld [tilespmem:s31+$0x100];
	v6 =	vmul.f32 v5, v0  }
0xd6: {  	s30 =	simm.s32 $0x0;
	v5 =	vld [tilespmem:s31+$0xFFFFFE00];
	v7 =	vmul.f32 v7, v0;
	s31 =	simm.s32 $0xE70;
	[tilespmem:s29+$0x180] =	vst v8  }
.LBB2_17:
0xd7: {  	v8 =	vld [tilespmem:s31+$0x180];
	s30 =	sadd.s32 $0x8, s30;
	[tilespmem:s29+$0xFFFFFE80] =	vst v6;
	v4 =	vmul.f32 v4, v0  }
0xd8: {  	v6 =	vld [tilespmem:s31+$0xFFFFFE80];
	p0 =	slt.u32 s30, $0x38;
	[tilespmem:s29+$0xFFFFFF00] =	vst v7;
	v2 =	vmul.f32 v2, v0  }
0xd9: {  	v7 =	vld [tilespmem:s31+$0xFFFFFF00];
	[tilespmem:s29+$0xFFFFFF80] =	vst v4;
	v1 =	vmul.f32 v1, v0  }
.Ltmp9:
0xda: {  	v4 =	vld [tilespmem:s31+$0xFFFFFF80];
	[tilespmem:s29+$0x0] =	vst v2;
	v3 =	vmul.f32 v3, v0;
	(pc) =	sbr.rel @p0 .LBB2_17-.Ltmp9, $4  }
0xdb: {  	v2 =	vld [tilespmem:s31+$0x0];
	v5 =	vmul.f32 v5, v0;
	[tilespmem:s29+$0x80] =	vst v1  }
0xdc: {  	v1 =	vld [tilespmem:s31+$0x80];
	v8 =	vmul.f32 v8, v0;
	[tilespmem:s29+$0x100] =	vst v3  }
0xdd: {  	v6 =	vmul.f32 v6, v0;
	v3 =	vld [tilespmem:s31+$0x100];
	[tilespmem:s29+$0xFFFFFE00] =	vst v5;
	s29 =	sadd.s32 $0xC00, s29  }
0xde: {  	v5 =	vld [tilespmem:s31+$0xFFFFFE00];
	v7 =	vmul.f32 v7, v0;
	[tilespmem:s29+$0x180] =	vst v8;
	s31 =	sadd.s32 $0xC00, s31  }
0xdf: {  	[tilespmem:s29+$0xFFFFFE80] =	vst v6;
	v4 =	vmul.f32 v4, v0  }
0xe0: {  	[tilespmem:s29+$0xFFFFFF00] =	vst v7;
	v2 =	vmul.f32 v2, v0  }
0xe1: {  	[tilespmem:s29+$0xFFFFFF80] =	vst v4;
	v1 =	vmul.f32 v1, v0  }
0xe2: {  	[tilespmem:s29+$0x0] =	vst v2;
	v2 =	vmul.f32 v3, v0  }
0xe3: {  	v0 =	vmul.f32 v5, v0;
	[tilespmem:s29+$0x80] =	vst v1  }
0xe4: {  	[tilespmem:s29+$0x100] =	vst v2  }
0xe5: {  	[tilespmem:s29+$0xFFFFFE00] =	vst v0  }
0xe6: {  	s31 =	simm.s32 $0x780;
	v0 =	vld [tilespmem:$0x18200]  }
0xe7: {  	v3 =	vld [tilespmem:s31+$0x0]  }
0xe8: {  	v5 =	vld [tilespmem:s31+$0xFFFFFD00]  }
0xe9: {  	v7 =	vld [tilespmem:s31+$0xFFFFFD80]  }
0xea: {  	v4 =	vld [tilespmem:s31+$0xFFFFFE00]  }
0xeb: {  	v2 =	vld [tilespmem:s31+$0xFFFFFE80]  }
0xec: {  	v1 =	vld [tilespmem:s31+$0xFFFFFF00];
	v8 =	vmul.f32 v3, v0  }
0xed: {  	s29 =	simm.s32 $0xC780;
	v3 =	vld [tilespmem:s31+$0xFFFFFF80];
	v6 =	vmul.f32 v5, v0  }
0xee: {  	s30 =	simm.s32 $0x0;
	v5 =	vld [tilespmem:s31+$0xFFFFFC80];
	v7 =	vmul.f32 v7, v0;
	s31 =	simm.s32 $0x1380;
	[tilespmem:s29+$0x0] =	vst v8  }
.LBB2_19:
0xef: {  	v8 =	vld [tilespmem:s31+$0x0];
	s30 =	sadd.s32 $0x8, s30;
	[tilespmem:s29+$0xFFFFFD00] =	vst v6;
	v4 =	vmul.f32 v4, v0  }
0xf0: {  	v6 =	vld [tilespmem:s31+$0xFFFFFD00];
	p0 =	slt.u32 s30, $0x38;
	[tilespmem:s29+$0xFFFFFD80] =	vst v7;
	v2 =	vmul.f32 v2, v0  }
0xf1: {  	v7 =	vld [tilespmem:s31+$0xFFFFFD80];
	[tilespmem:s29+$0xFFFFFE00] =	vst v4;
	v1 =	vmul.f32 v1, v0  }
.Ltmp10:
0xf2: {  	v4 =	vld [tilespmem:s31+$0xFFFFFE00];
	[tilespmem:s29+$0xFFFFFE80] =	vst v2;
	v3 =	vmul.f32 v3, v0;
	(pc) =	sbr.rel @p0 .LBB2_19-.Ltmp10, $4  }
0xf3: {  	v2 =	vld [tilespmem:s31+$0xFFFFFE80];
	v5 =	vmul.f32 v5, v0;
	[tilespmem:s29+$0xFFFFFF00] =	vst v1  }
0xf4: {  	v1 =	vld [tilespmem:s31+$0xFFFFFF00];
	v8 =	vmul.f32 v8, v0;
	[tilespmem:s29+$0xFFFFFF80] =	vst v3  }
0xf5: {  	v6 =	vmul.f32 v6, v0;
	v3 =	vld [tilespmem:s31+$0xFFFFFF80];
	[tilespmem:s29+$0xFFFFFC80] =	vst v5;
	s29 =	sadd.s32 $0xC00, s29  }
0xf6: {  	v5 =	vld [tilespmem:s31+$0xFFFFFC80];
	v7 =	vmul.f32 v7, v0;
	[tilespmem:s29+$0x0] =	vst v8;
	s31 =	sadd.s32 $0xC00, s31  }
0xf7: {  	[tilespmem:s29+$0xFFFFFD00] =	vst v6;
	v4 =	vmul.f32 v4, v0  }
0xf8: {  	[tilespmem:s29+$0xFFFFFD80] =	vst v7;
	v2 =	vmul.f32 v2, v0  }
0xf9: {  	[tilespmem:s29+$0xFFFFFE00] =	vst v4;
	v1 =	vmul.f32 v1, v0  }
0xfa: {  	[tilespmem:s29+$0xFFFFFE80] =	vst v2;
	v2 =	vmul.f32 v3, v0  }
0xfb: {  	v0 =	vmul.f32 v5, v0;
	[tilespmem:s29+$0xFFFFFF00] =	vst v1  }
0xfc: {  	[tilespmem:s29+$0xFFFFFF80] =	vst v2  }
0xfd: {  	[tilespmem:s29+$0xFFFFFC80] =	vst v0  }
0xfe: {  	s31 =	simm.s32 $0x790;
	v0 =	vld [tilespmem:$0x18210]  }
0xff: {  	v3 =	vld [tilespmem:s31+$0x0]  }
0x100: {  	v5 =	vld [tilespmem:s31+$0xFFFFFD00]  }
0x101: {  	v7 =	vld [tilespmem:s31+$0xFFFFFD80]  }
0x102: {  	v4 =	vld [tilespmem:s31+$0xFFFFFE00]  }
0x103: {  	v2 =	vld [tilespmem:s31+$0xFFFFFE80]  }
0x104: {  	v1 =	vld [tilespmem:s31+$0xFFFFFF00];
	v8 =	vmul.f32 v3, v0  }
0x105: {  	s29 =	simm.s32 $0xC790;
	v3 =	vld [tilespmem:s31+$0xFFFFFF80];
	v6 =	vmul.f32 v5, v0  }
0x106: {  	s30 =	simm.s32 $0x0;
	v5 =	vld [tilespmem:s31+$0xFFFFFC80];
	v7 =	vmul.f32 v7, v0;
	s31 =	simm.s32 $0x1390;
	[tilespmem:s29+$0x0] =	vst v8  }
.LBB2_21:
0x107: {  	v8 =	vld [tilespmem:s31+$0x0];
	s30 =	sadd.s32 $0x8, s30;
	[tilespmem:s29+$0xFFFFFD00] =	vst v6;
	v4 =	vmul.f32 v4, v0  }
0x108: {  	v6 =	vld [tilespmem:s31+$0xFFFFFD00];
	p0 =	slt.u32 s30, $0x38;
	[tilespmem:s29+$0xFFFFFD80] =	vst v7;
	v2 =	vmul.f32 v2, v0  }
0x109: {  	v7 =	vld [tilespmem:s31+$0xFFFFFD80];
	[tilespmem:s29+$0xFFFFFE00] =	vst v4;
	v1 =	vmul.f32 v1, v0  }
.Ltmp11:
0x10a: {  	v4 =	vld [tilespmem:s31+$0xFFFFFE00];
	[tilespmem:s29+$0xFFFFFE80] =	vst v2;
	v3 =	vmul.f32 v3, v0;
	(pc) =	sbr.rel @p0 .LBB2_21-.Ltmp11, $4  }
0x10b: {  	v2 =	vld [tilespmem:s31+$0xFFFFFE80];
	v5 =	vmul.f32 v5, v0;
	[tilespmem:s29+$0xFFFFFF00] =	vst v1  }
0x10c: {  	v1 =	vld [tilespmem:s31+$0xFFFFFF00];
	v8 =	vmul.f32 v8, v0;
	[tilespmem:s29+$0xFFFFFF80] =	vst v3  }
0x10d: {  	v6 =	vmul.f32 v6, v0;
	v3 =	vld [tilespmem:s31+$0xFFFFFF80];
	[tilespmem:s29+$0xFFFFFC80] =	vst v5;
	s29 =	sadd.s32 $0xC00, s29  }
0x10e: {  	v5 =	vld [tilespmem:s31+$0xFFFFFC80];
	v7 =	vmul.f32 v7, v0;
	[tilespmem:s29+$0x0] =	vst v8;
	s31 =	sadd.s32 $0xC00, s31  }
0x10f: {  	[tilespmem:s29+$0xFFFFFD00] =	vst v6;
	v4 =	vmul.f32 v4, v0  }
0x110: {  	[tilespmem:s29+$0xFFFFFD80] =	vst v7;
	v2 =	vmul.f32 v2, v0  }
0x111: {  	[tilespmem:s29+$0xFFFFFE00] =	vst v4;
	v1 =	vmul.f32 v1, v0  }
0x112: {  	[tilespmem:s29+$0xFFFFFE80] =	vst v2;
	v2 =	vmul.f32 v3, v0  }
0x113: {  	v0 =	vmul.f32 v5, v0;
	[tilespmem:s29+$0xFFFFFF00] =	vst v1  }
0x114: {  	[tilespmem:s29+$0xFFFFFF80] =	vst v2  }
0x115: {  	[tilespmem:s29+$0xFFFFFC80] =	vst v0  }
0x116: {  	s31 =	simm.s32 $0x7A0;
	v0 =	vld [tilespmem:$0x18220]  }
0x117: {  	v3 =	vld [tilespmem:s31+$0x0]  }
0x118: {  	v5 =	vld [tilespmem:s31+$0xFFFFFD00]  }
0x119: {  	v7 =	vld [tilespmem:s31+$0xFFFFFD80]  }
0x11a: {  	v4 =	vld [tilespmem:s31+$0xFFFFFE00]  }
0x11b: {  	v2 =	vld [tilespmem:s31+$0xFFFFFE80]  }
0x11c: {  	v1 =	vld [tilespmem:s31+$0xFFFFFF00];
	v8 =	vmul.f32 v3, v0  }
0x11d: {  	s29 =	simm.s32 $0xC7A0;
	v3 =	vld [tilespmem:s31+$0xFFFFFF80];
	v6 =	vmul.f32 v5, v0  }
0x11e: {  	s30 =	simm.s32 $0x0;
	v5 =	vld [tilespmem:s31+$0xFFFFFC80];
	v7 =	vmul.f32 v7, v0;
	s31 =	simm.s32 $0x13A0;
	[tilespmem:s29+$0x0] =	vst v8  }
.LBB2_23:
0x11f: {  	v8 =	vld [tilespmem:s31+$0x0];
	s30 =	sadd.s32 $0x8, s30;
	[tilespmem:s29+$0xFFFFFD00] =	vst v6;
	v4 =	vmul.f32 v4, v0  }
0x120: {  	v6 =	vld [tilespmem:s31+$0xFFFFFD00];
	p0 =	slt.u32 s30, $0x38;
	[tilespmem:s29+$0xFFFFFD80] =	vst v7;
	v2 =	vmul.f32 v2, v0  }
0x121: {  	v7 =	vld [tilespmem:s31+$0xFFFFFD80];
	[tilespmem:s29+$0xFFFFFE00] =	vst v4;
	v1 =	vmul.f32 v1, v0  }
.Ltmp12:
0x122: {  	v4 =	vld [tilespmem:s31+$0xFFFFFE00];
	[tilespmem:s29+$0xFFFFFE80] =	vst v2;
	v3 =	vmul.f32 v3, v0;
	(pc) =	sbr.rel @p0 .LBB2_23-.Ltmp12, $4  }
0x123: {  	v2 =	vld [tilespmem:s31+$0xFFFFFE80];
	v5 =	vmul.f32 v5, v0;
	[tilespmem:s29+$0xFFFFFF00] =	vst v1  }
0x124: {  	v1 =	vld [tilespmem:s31+$0xFFFFFF00];
	v8 =	vmul.f32 v8, v0;
	[tilespmem:s29+$0xFFFFFF80] =	vst v3  }
0x125: {  	v6 =	vmul.f32 v6, v0;
	v3 =	vld [tilespmem:s31+$0xFFFFFF80];
	[tilespmem:s29+$0xFFFFFC80] =	vst v5;
	s29 =	sadd.s32 $0xC00, s29  }
0x126: {  	v5 =	vld [tilespmem:s31+$0xFFFFFC80];
	v7 =	vmul.f32 v7, v0;
	[tilespmem:s29+$0x0] =	vst v8;
	s31 =	sadd.s32 $0xC00, s31  }
0x127: {  	[tilespmem:s29+$0xFFFFFD00] =	vst v6;
	v4 =	vmul.f32 v4, v0  }
0x128: {  	[tilespmem:s29+$0xFFFFFD80] =	vst v7;
	v2 =	vmul.f32 v2, v0  }
0x129: {  	[tilespmem:s29+$0xFFFFFE00] =	vst v4;
	v1 =	vmul.f32 v1, v0  }
0x12a: {  	[tilespmem:s29+$0xFFFFFE80] =	vst v2;
	v2 =	vmul.f32 v3, v0  }
0x12b: {  	v0 =	vmul.f32 v5, v0;
	[tilespmem:s29+$0xFFFFFF00] =	vst v1  }
0x12c: {  	[tilespmem:s29+$0xFFFFFF80] =	vst v2  }
0x12d: {  	[tilespmem:s29+$0xFFFFFC80] =	vst v0  }
0x12e: {  	s31 =	simm.s32 $0x7B0;
	v0 =	vld [tilespmem:$0x18230]  }
0x12f: {  	v3 =	vld [tilespmem:s31+$0x0]  }
0x130: {  	v5 =	vld [tilespmem:s31+$0xFFFFFD00]  }
0x131: {  	v7 =	vld [tilespmem:s31+$0xFFFFFD80]  }
0x132: {  	v4 =	vld [tilespmem:s31+$0xFFFFFE00]  }
0x133: {  	v2 =	vld [tilespmem:s31+$0xFFFFFE80]  }
0x134: {  	v1 =	vld [tilespmem:s31+$0xFFFFFF00];
	v8 =	vmul.f32 v3, v0  }
0x135: {  	s29 =	simm.s32 $0xC7B0;
	v3 =	vld [tilespmem:s31+$0xFFFFFF80];
	v6 =	vmul.f32 v5, v0  }
0x136: {  	s30 =	simm.s32 $0x0;
	v5 =	vld [tilespmem:s31+$0xFFFFFC80];
	v7 =	vmul.f32 v7, v0;
	s31 =	simm.s32 $0x13B0;
	[tilespmem:s29+$0x0] =	vst v8  }
.LBB2_25:
0x137: {  	v8 =	vld [tilespmem:s31+$0x0];
	s30 =	sadd.s32 $0x8, s30;
	[tilespmem:s29+$0xFFFFFD00] =	vst v6;
	v4 =	vmul.f32 v4, v0  }
0x138: {  	v6 =	vld [tilespmem:s31+$0xFFFFFD00];
	p0 =	slt.u32 s30, $0x38;
	[tilespmem:s29+$0xFFFFFD80] =	vst v7;
	v2 =	vmul.f32 v2, v0  }
0x139: {  	v7 =	vld [tilespmem:s31+$0xFFFFFD80];
	[tilespmem:s29+$0xFFFFFE00] =	vst v4;
	v1 =	vmul.f32 v1, v0  }
.Ltmp13:
0x13a: {  	v4 =	vld [tilespmem:s31+$0xFFFFFE00];
	[tilespmem:s29+$0xFFFFFE80] =	vst v2;
	v3 =	vmul.f32 v3, v0;
	(pc) =	sbr.rel @p0 .LBB2_25-.Ltmp13, $4  }
0x13b: {  	v2 =	vld [tilespmem:s31+$0xFFFFFE80];
	v5 =	vmul.f32 v5, v0;
	[tilespmem:s29+$0xFFFFFF00] =	vst v1  }
0x13c: {  	v1 =	vld [tilespmem:s31+$0xFFFFFF00];
	v8 =	vmul.f32 v8, v0;
	[tilespmem:s29+$0xFFFFFF80] =	vst v3  }
0x13d: {  	v6 =	vmul.f32 v6, v0;
	v3 =	vld [tilespmem:s31+$0xFFFFFF80];
	[tilespmem:s29+$0xFFFFFC80] =	vst v5;
	s29 =	sadd.s32 $0xC00, s29  }
0x13e: {  	v5 =	vld [tilespmem:s31+$0xFFFFFC80];
	v7 =	vmul.f32 v7, v0;
	[tilespmem:s29+$0x0] =	vst v8;
	s31 =	sadd.s32 $0xC00, s31  }
0x13f: {  	[tilespmem:s29+$0xFFFFFD00] =	vst v6;
	v4 =	vmul.f32 v4, v0  }
0x140: {  	[tilespmem:s29+$0xFFFFFD80] =	vst v7;
	v2 =	vmul.f32 v2, v0  }
0x141: {  	[tilespmem:s29+$0xFFFFFE00] =	vst v4;
	v1 =	vmul.f32 v1, v0  }
0x142: {  	[tilespmem:s29+$0xFFFFFE80] =	vst v2;
	v2 =	vmul.f32 v3, v0  }
0x143: {  	v0 =	vmul.f32 v5, v0;
	[tilespmem:s29+$0xFFFFFF00] =	vst v1  }
0x144: {  	[tilespmem:s29+$0xFFFFFF80] =	vst v2  }
0x145: {  	[tilespmem:s29+$0xFFFFFC80] =	vst v0  }
0x146: {  	s31 =	simm.s32 $0x7C0;
	v0 =	vld [tilespmem:$0x18240]  }
0x147: {  	v3 =	vld [tilespmem:s31+$0x0]  }
0x148: {  	v5 =	vld [tilespmem:s31+$0xFFFFFD00]  }
0x149: {  	v7 =	vld [tilespmem:s31+$0xFFFFFD80]  }
0x14a: {  	v4 =	vld [tilespmem:s31+$0xFFFFFE00]  }
0x14b: {  	v2 =	vld [tilespmem:s31+$0xFFFFFE80]  }
0x14c: {  	v1 =	vld [tilespmem:s31+$0xFFFFFF00];
	v8 =	vmul.f32 v3, v0  }
0x14d: {  	s29 =	simm.s32 $0xC7C0;
	v3 =	vld [tilespmem:s31+$0xFFFFFF80];
	v6 =	vmul.f32 v5, v0  }
0x14e: {  	s30 =	simm.s32 $0x0;
	v5 =	vld [tilespmem:s31+$0xFFFFFC80];
	v7 =	vmul.f32 v7, v0;
	s31 =	simm.s32 $0x13C0;
	[tilespmem:s29+$0x0] =	vst v8  }
.LBB2_27:
0x14f: {  	v8 =	vld [tilespmem:s31+$0x0];
	s30 =	sadd.s32 $0x8, s30;
	[tilespmem:s29+$0xFFFFFD00] =	vst v6;
	v4 =	vmul.f32 v4, v0  }
0x150: {  	v6 =	vld [tilespmem:s31+$0xFFFFFD00];
	p0 =	slt.u32 s30, $0x38;
	[tilespmem:s29+$0xFFFFFD80] =	vst v7;
	v2 =	vmul.f32 v2, v0  }
0x151: {  	v7 =	vld [tilespmem:s31+$0xFFFFFD80];
	[tilespmem:s29+$0xFFFFFE00] =	vst v4;
	v1 =	vmul.f32 v1, v0  }
.Ltmp14:
0x152: {  	v4 =	vld [tilespmem:s31+$0xFFFFFE00];
	[tilespmem:s29+$0xFFFFFE80] =	vst v2;
	v3 =	vmul.f32 v3, v0;
	(pc) =	sbr.rel @p0 .LBB2_27-.Ltmp14, $4  }
0x153: {  	v2 =	vld [tilespmem:s31+$0xFFFFFE80];
	v5 =	vmul.f32 v5, v0;
	[tilespmem:s29+$0xFFFFFF00] =	vst v1  }
0x154: {  	v1 =	vld [tilespmem:s31+$0xFFFFFF00];
	v8 =	vmul.f32 v8, v0;
	[tilespmem:s29+$0xFFFFFF80] =	vst v3  }
0x155: {  	v6 =	vmul.f32 v6, v0;
	v3 =	vld [tilespmem:s31+$0xFFFFFF80];
	[tilespmem:s29+$0xFFFFFC80] =	vst v5;
	s29 =	sadd.s32 $0xC00, s29  }
0x156: {  	v5 =	vld [tilespmem:s31+$0xFFFFFC80];
	v7 =	vmul.f32 v7, v0;
	[tilespmem:s29+$0x0] =	vst v8;
	s31 =	sadd.s32 $0xC00, s31  }
0x157: {  	[tilespmem:s29+$0xFFFFFD00] =	vst v6;
	v4 =	vmul.f32 v4, v0  }
0x158: {  	[tilespmem:s29+$0xFFFFFD80] =	vst v7;
	v2 =	vmul.f32 v2, v0  }
0x159: {  	[tilespmem:s29+$0xFFFFFE00] =	vst v4;
	v1 =	vmul.f32 v1, v0  }
0x15a: {  	[tilespmem:s29+$0xFFFFFE80] =	vst v2;
	v2 =	vmul.f32 v3, v0  }
0x15b: {  	v0 =	vmul.f32 v5, v0;
	[tilespmem:s29+$0xFFFFFF00] =	vst v1  }
0x15c: {  	[tilespmem:s29+$0xFFFFFF80] =	vst v2  }
0x15d: {  	[tilespmem:s29+$0xFFFFFC80] =	vst v0  }
0x15e: {  	s31 =	simm.s32 $0x7D0;
	v0 =	vld [tilespmem:$0x18250]  }
0x15f: {  	v3 =	vld [tilespmem:s31+$0x0]  }
0x160: {  	v5 =	vld [tilespmem:s31+$0xFFFFFD00]  }
0x161: {  	v7 =	vld [tilespmem:s31+$0xFFFFFD80]  }
0x162: {  	v4 =	vld [tilespmem:s31+$0xFFFFFE00]  }
0x163: {  	v2 =	vld [tilespmem:s31+$0xFFFFFE80]  }
0x164: {  	v1 =	vld [tilespmem:s31+$0xFFFFFF00];
	v8 =	vmul.f32 v3, v0  }
0x165: {  	s29 =	simm.s32 $0xC7D0;
	v3 =	vld [tilespmem:s31+$0xFFFFFF80];
	v6 =	vmul.f32 v5, v0  }
0x166: {  	s30 =	simm.s32 $0x0;
	v5 =	vld [tilespmem:s31+$0xFFFFFC80];
	v7 =	vmul.f32 v7, v0;
	s31 =	simm.s32 $0x13D0;
	[tilespmem:s29+$0x0] =	vst v8  }
.LBB2_29:
0x167: {  	v8 =	vld [tilespmem:s31+$0x0];
	s30 =	sadd.s32 $0x8, s30;
	[tilespmem:s29+$0xFFFFFD00] =	vst v6;
	v4 =	vmul.f32 v4, v0  }
0x168: {  	v6 =	vld [tilespmem:s31+$0xFFFFFD00];
	p0 =	slt.u32 s30, $0x38;
	[tilespmem:s29+$0xFFFFFD80] =	vst v7;
	v2 =	vmul.f32 v2, v0  }
0x169: {  	v7 =	vld [tilespmem:s31+$0xFFFFFD80];
	[tilespmem:s29+$0xFFFFFE00] =	vst v4;
	v1 =	vmul.f32 v1, v0  }
.Ltmp15:
0x16a: {  	v4 =	vld [tilespmem:s31+$0xFFFFFE00];
	[tilespmem:s29+$0xFFFFFE80] =	vst v2;
	v3 =	vmul.f32 v3, v0;
	(pc) =	sbr.rel @p0 .LBB2_29-.Ltmp15, $4  }
0x16b: {  	v2 =	vld [tilespmem:s31+$0xFFFFFE80];
	v5 =	vmul.f32 v5, v0;
	[tilespmem:s29+$0xFFFFFF00] =	vst v1  }
0x16c: {  	v1 =	vld [tilespmem:s31+$0xFFFFFF00];
	v8 =	vmul.f32 v8, v0;
	[tilespmem:s29+$0xFFFFFF80] =	vst v3  }
0x16d: {  	v6 =	vmul.f32 v6, v0;
	v3 =	vld [tilespmem:s31+$0xFFFFFF80];
	[tilespmem:s29+$0xFFFFFC80] =	vst v5;
	s29 =	sadd.s32 $0xC00, s29  }
0x16e: {  	v5 =	vld [tilespmem:s31+$0xFFFFFC80];
	v7 =	vmul.f32 v7, v0;
	[tilespmem:s29+$0x0] =	vst v8;
	s31 =	sadd.s32 $0xC00, s31  }
0x16f: {  	[tilespmem:s29+$0xFFFFFD00] =	vst v6;
	v4 =	vmul.f32 v4, v0  }
0x170: {  	[tilespmem:s29+$0xFFFFFD80] =	vst v7;
	v2 =	vmul.f32 v2, v0  }
0x171: {  	[tilespmem:s29+$0xFFFFFE00] =	vst v4;
	v1 =	vmul.f32 v1, v0  }
0x172: {  	[tilespmem:s29+$0xFFFFFE80] =	vst v2;
	v2 =	vmul.f32 v3, v0  }
0x173: {  	v0 =	vmul.f32 v5, v0;
	[tilespmem:s29+$0xFFFFFF00] =	vst v1  }
0x174: {  	[tilespmem:s29+$0xFFFFFF80] =	vst v2  }
0x175: {  	[tilespmem:s29+$0xFFFFFC80] =	vst v0  }
0x176: {  	s31 =	simm.s32 $0x7E0;
	v0 =	vld [tilespmem:$0x18260]  }
0x177: {  	v3 =	vld [tilespmem:s31+$0x0]  }
0x178: {  	v5 =	vld [tilespmem:s31+$0xFFFFFD00]  }
0x179: {  	v7 =	vld [tilespmem:s31+$0xFFFFFD80]  }
0x17a: {  	v4 =	vld [tilespmem:s31+$0xFFFFFE00]  }
0x17b: {  	v2 =	vld [tilespmem:s31+$0xFFFFFE80]  }
0x17c: {  	v1 =	vld [tilespmem:s31+$0xFFFFFF00];
	v8 =	vmul.f32 v3, v0  }
0x17d: {  	s29 =	simm.s32 $0xC7E0;
	v3 =	vld [tilespmem:s31+$0xFFFFFF80];
	v6 =	vmul.f32 v5, v0  }
0x17e: {  	s30 =	simm.s32 $0x0;
	v5 =	vld [tilespmem:s31+$0xFFFFFC80];
	v7 =	vmul.f32 v7, v0;
	s31 =	simm.s32 $0x13E0;
	[tilespmem:s29+$0x0] =	vst v8  }
.LBB2_31:
0x17f: {  	v8 =	vld [tilespmem:s31+$0x0];
	s30 =	sadd.s32 $0x8, s30;
	[tilespmem:s29+$0xFFFFFD00] =	vst v6;
	v4 =	vmul.f32 v4, v0  }
0x180: {  	v6 =	vld [tilespmem:s31+$0xFFFFFD00];
	p0 =	slt.u32 s30, $0x38;
	[tilespmem:s29+$0xFFFFFD80] =	vst v7;
	v2 =	vmul.f32 v2, v0  }
0x181: {  	v7 =	vld [tilespmem:s31+$0xFFFFFD80];
	[tilespmem:s29+$0xFFFFFE00] =	vst v4;
	v1 =	vmul.f32 v1, v0  }
.Ltmp16:
0x182: {  	v4 =	vld [tilespmem:s31+$0xFFFFFE00];
	[tilespmem:s29+$0xFFFFFE80] =	vst v2;
	v3 =	vmul.f32 v3, v0;
	(pc) =	sbr.rel @p0 .LBB2_31-.Ltmp16, $4  }
0x183: {  	v2 =	vld [tilespmem:s31+$0xFFFFFE80];
	v5 =	vmul.f32 v5, v0;
	[tilespmem:s29+$0xFFFFFF00] =	vst v1  }
0x184: {  	v1 =	vld [tilespmem:s31+$0xFFFFFF00];
	v8 =	vmul.f32 v8, v0;
	[tilespmem:s29+$0xFFFFFF80] =	vst v3  }
0x185: {  	v6 =	vmul.f32 v6, v0;
	v3 =	vld [tilespmem:s31+$0xFFFFFF80];
	[tilespmem:s29+$0xFFFFFC80] =	vst v5;
	s29 =	sadd.s32 $0xC00, s29  }
0x186: {  	v5 =	vld [tilespmem:s31+$0xFFFFFC80];
	v7 =	vmul.f32 v7, v0;
	[tilespmem:s29+$0x0] =	vst v8;
	s31 =	sadd.s32 $0xC00, s31  }
0x187: {  	[tilespmem:s29+$0xFFFFFD00] =	vst v6;
	v4 =	vmul.f32 v4, v0  }
0x188: {  	[tilespmem:s29+$0xFFFFFD80] =	vst v7;
	v2 =	vmul.f32 v2, v0  }
0x189: {  	[tilespmem:s29+$0xFFFFFE00] =	vst v4;
	v1 =	vmul.f32 v1, v0  }
0x18a: {  	[tilespmem:s29+$0xFFFFFE80] =	vst v2;
	v2 =	vmul.f32 v3, v0  }
0x18b: {  	v0 =	vmul.f32 v5, v0;
	[tilespmem:s29+$0xFFFFFF00] =	vst v1  }
0x18c: {  	[tilespmem:s29+$0xFFFFFF80] =	vst v2  }
0x18d: {  	[tilespmem:s29+$0xFFFFFC80] =	vst v0  }
0x18e: {  	s31 =	simm.s32 $0x7F0;
	v0 =	vld [tilespmem:$0x18270]  }
0x18f: {  	v3 =	vld [tilespmem:s31+$0x0]  }
0x190: {  	v5 =	vld [tilespmem:s31+$0xFFFFFD00]  }
0x191: {  	v7 =	vld [tilespmem:s31+$0xFFFFFD80]  }
0x192: {  	v4 =	vld [tilespmem:s31+$0xFFFFFE00]  }
0x193: {  	v2 =	vld [tilespmem:s31+$0xFFFFFE80]  }
0x194: {  	v1 =	vld [tilespmem:s31+$0xFFFFFF00];
	v8 =	vmul.f32 v3, v0  }
0x195: {  	s29 =	simm.s32 $0xC7F0;
	v3 =	vld [tilespmem:s31+$0xFFFFFF80];
	v6 =	vmul.f32 v5, v0  }
0x196: {  	s30 =	simm.s32 $0x0;
	v5 =	vld [tilespmem:s31+$0xFFFFFC80];
	v7 =	vmul.f32 v7, v0;
	s31 =	simm.s32 $0x13F0;
	[tilespmem:s29+$0x0] =	vst v8  }
.LBB2_33:
0x197: {  	v8 =	vld [tilespmem:s31+$0x0];
	s30 =	sadd.s32 $0x8, s30;
	[tilespmem:s29+$0xFFFFFD00] =	vst v6;
	v4 =	vmul.f32 v4, v0  }
0x198: {  	v6 =	vld [tilespmem:s31+$0xFFFFFD00];
	p0 =	slt.u32 s30, $0x38;
	[tilespmem:s29+$0xFFFFFD80] =	vst v7;
	v2 =	vmul.f32 v2, v0  }
0x199: {  	v7 =	vld [tilespmem:s31+$0xFFFFFD80];
	[tilespmem:s29+$0xFFFFFE00] =	vst v4;
	v1 =	vmul.f32 v1, v0  }
.Ltmp17:
0x19a: {  	v4 =	vld [tilespmem:s31+$0xFFFFFE00];
	[tilespmem:s29+$0xFFFFFE80] =	vst v2;
	v3 =	vmul.f32 v3, v0;
	(pc) =	sbr.rel @p0 .LBB2_33-.Ltmp17, $4  }
0x19b: {  	v2 =	vld [tilespmem:s31+$0xFFFFFE80];
	v5 =	vmul.f32 v5, v0;
	[tilespmem:s29+$0xFFFFFF00] =	vst v1  }
0x19c: {  	v1 =	vld [tilespmem:s31+$0xFFFFFF00];
	v8 =	vmul.f32 v8, v0;
	[tilespmem:s29+$0xFFFFFF80] =	vst v3  }
0x19d: {  	v6 =	vmul.f32 v6, v0;
	v3 =	vld [tilespmem:s31+$0xFFFFFF80];
	[tilespmem:s29+$0xFFFFFC80] =	vst v5;
	s29 =	sadd.s32 $0xC00, s29  }
0x19e: {  	v5 =	vld [tilespmem:s31+$0xFFFFFC80];
	v7 =	vmul.f32 v7, v0;
	[tilespmem:s29+$0x0] =	vst v8;
	s31 =	sadd.s32 $0xC00, s31  }
0x19f: {  	[tilespmem:s29+$0xFFFFFD00] =	vst v6;
	v4 =	vmul.f32 v4, v0  }
0x1a0: {  	[tilespmem:s29+$0xFFFFFD80] =	vst v7;
	v2 =	vmul.f32 v2, v0  }
0x1a1: {  	[tilespmem:s29+$0xFFFFFE00] =	vst v4;
	v1 =	vmul.f32 v1, v0  }
0x1a2: {  	[tilespmem:s29+$0xFFFFFE80] =	vst v2;
	v2 =	vmul.f32 v3, v0  }
0x1a3: {  	v0 =	vmul.f32 v5, v0;
	[tilespmem:s29+$0xFFFFFF00] =	vst v1  }
0x1a4: {  	[tilespmem:s29+$0xFFFFFF80] =	vst v2  }
0x1a5: {  	[tilespmem:s29+$0xFFFFFC80] =	vst v0  }
0x1a6: {  	s31 =	simm.s32 $0xB80;
	v0 =	vld [tilespmem:$0x18280]  }
0x1a7: {  	v3 =	vld [tilespmem:s31+$0x0]  }
0x1a8: {  	v5 =	vld [tilespmem:s31+$0xFFFFFD00]  }
0x1a9: {  	v7 =	vld [tilespmem:s31+$0xFFFFFD80]  }
0x1aa: {  	v4 =	vld [tilespmem:s31+$0xFFFFFE00]  }
0x1ab: {  	v2 =	vld [tilespmem:s31+$0xFFFFFE80]  }
0x1ac: {  	v1 =	vld [tilespmem:s31+$0xFFFFFF00];
	v8 =	vmul.f32 v3, v0  }
0x1ad: {  	s29 =	simm.s32 $0xCB80;
	v3 =	vld [tilespmem:s31+$0xFFFFFF80];
	v6 =	vmul.f32 v5, v0  }
0x1ae: {  	s30 =	simm.s32 $0x0;
	v5 =	vld [tilespmem:s31+$0xFFFFFC80];
	v7 =	vmul.f32 v7, v0;
	s31 =	simm.s32 $0x1780;
	[tilespmem:s29+$0x0] =	vst v8  }
.LBB2_35:
0x1af: {  	v8 =	vld [tilespmem:s31+$0x0];
	s30 =	sadd.s32 $0x8, s30;
	[tilespmem:s29+$0xFFFFFD00] =	vst v6;
	v4 =	vmul.f32 v4, v0  }
0x1b0: {  	v6 =	vld [tilespmem:s31+$0xFFFFFD00];
	p0 =	slt.u32 s30, $0x38;
	[tilespmem:s29+$0xFFFFFD80] =	vst v7;
	v2 =	vmul.f32 v2, v0  }
0x1b1: {  	v7 =	vld [tilespmem:s31+$0xFFFFFD80];
	[tilespmem:s29+$0xFFFFFE00] =	vst v4;
	v1 =	vmul.f32 v1, v0  }
.Ltmp18:
0x1b2: {  	v4 =	vld [tilespmem:s31+$0xFFFFFE00];
	[tilespmem:s29+$0xFFFFFE80] =	vst v2;
	v3 =	vmul.f32 v3, v0;
	(pc) =	sbr.rel @p0 .LBB2_35-.Ltmp18, $4  }
0x1b3: {  	v2 =	vld [tilespmem:s31+$0xFFFFFE80];
	v5 =	vmul.f32 v5, v0;
	[tilespmem:s29+$0xFFFFFF00] =	vst v1  }
0x1b4: {  	v1 =	vld [tilespmem:s31+$0xFFFFFF00];
	v8 =	vmul.f32 v8, v0;
	[tilespmem:s29+$0xFFFFFF80] =	vst v3  }
0x1b5: {  	v6 =	vmul.f32 v6, v0;
	v3 =	vld [tilespmem:s31+$0xFFFFFF80];
	[tilespmem:s29+$0xFFFFFC80] =	vst v5;
	s29 =	sadd.s32 $0xC00, s29  }
0x1b6: {  	v5 =	vld [tilespmem:s31+$0xFFFFFC80];
	v7 =	vmul.f32 v7, v0;
	[tilespmem:s29+$0x0] =	vst v8;
	s31 =	sadd.s32 $0xC00, s31  }
0x1b7: {  	[tilespmem:s29+$0xFFFFFD00] =	vst v6;
	v4 =	vmul.f32 v4, v0  }
0x1b8: {  	[tilespmem:s29+$0xFFFFFD80] =	vst v7;
	v2 =	vmul.f32 v2, v0  }
0x1b9: {  	[tilespmem:s29+$0xFFFFFE00] =	vst v4;
	v1 =	vmul.f32 v1, v0  }
0x1ba: {  	[tilespmem:s29+$0xFFFFFE80] =	vst v2;
	v2 =	vmul.f32 v3, v0  }
0x1bb: {  	v0 =	vmul.f32 v5, v0;
	[tilespmem:s29+$0xFFFFFF00] =	vst v1  }
0x1bc: {  	[tilespmem:s29+$0xFFFFFF80] =	vst v2  }
0x1bd: {  	[tilespmem:s29+$0xFFFFFC80] =	vst v0  }
0x1be: {  	s31 =	simm.s32 $0xB90;
	v0 =	vld [tilespmem:$0x18290]  }
0x1bf: {  	v3 =	vld [tilespmem:s31+$0x0]  }
0x1c0: {  	v5 =	vld [tilespmem:s31+$0xFFFFFD00]  }
0x1c1: {  	v7 =	vld [tilespmem:s31+$0xFFFFFD80]  }
0x1c2: {  	v4 =	vld [tilespmem:s31+$0xFFFFFE00]  }
0x1c3: {  	v2 =	vld [tilespmem:s31+$0xFFFFFE80]  }
0x1c4: {  	v1 =	vld [tilespmem:s31+$0xFFFFFF00];
	v8 =	vmul.f32 v3, v0  }
0x1c5: {  	s29 =	simm.s32 $0xCB90;
	v3 =	vld [tilespmem:s31+$0xFFFFFF80];
	v6 =	vmul.f32 v5, v0  }
0x1c6: {  	s30 =	simm.s32 $0x0;
	v5 =	vld [tilespmem:s31+$0xFFFFFC80];
	v7 =	vmul.f32 v7, v0;
	s31 =	simm.s32 $0x1790;
	[tilespmem:s29+$0x0] =	vst v8  }
.LBB2_37:
0x1c7: {  	v8 =	vld [tilespmem:s31+$0x0];
	s30 =	sadd.s32 $0x8, s30;
	[tilespmem:s29+$0xFFFFFD00] =	vst v6;
	v4 =	vmul.f32 v4, v0  }
0x1c8: {  	v6 =	vld [tilespmem:s31+$0xFFFFFD00];
	p0 =	slt.u32 s30, $0x38;
	[tilespmem:s29+$0xFFFFFD80] =	vst v7;
	v2 =	vmul.f32 v2, v0  }
0x1c9: {  	v7 =	vld [tilespmem:s31+$0xFFFFFD80];
	[tilespmem:s29+$0xFFFFFE00] =	vst v4;
	v1 =	vmul.f32 v1, v0  }
.Ltmp19:
0x1ca: {  	v4 =	vld [tilespmem:s31+$0xFFFFFE00];
	[tilespmem:s29+$0xFFFFFE80] =	vst v2;
	v3 =	vmul.f32 v3, v0;
	(pc) =	sbr.rel @p0 .LBB2_37-.Ltmp19, $4  }
0x1cb: {  	v2 =	vld [tilespmem:s31+$0xFFFFFE80];
	v5 =	vmul.f32 v5, v0;
	[tilespmem:s29+$0xFFFFFF00] =	vst v1  }
0x1cc: {  	v1 =	vld [tilespmem:s31+$0xFFFFFF00];
	v8 =	vmul.f32 v8, v0;
	[tilespmem:s29+$0xFFFFFF80] =	vst v3  }
0x1cd: {  	v6 =	vmul.f32 v6, v0;
	v3 =	vld [tilespmem:s31+$0xFFFFFF80];
	[tilespmem:s29+$0xFFFFFC80] =	vst v5;
	s29 =	sadd.s32 $0xC00, s29  }
0x1ce: {  	v5 =	vld [tilespmem:s31+$0xFFFFFC80];
	v7 =	vmul.f32 v7, v0;
	[tilespmem:s29+$0x0] =	vst v8;
	s31 =	sadd.s32 $0xC00, s31  }
0x1cf: {  	[tilespmem:s29+$0xFFFFFD00] =	vst v6;
	v4 =	vmul.f32 v4, v0  }
0x1d0: {  	[tilespmem:s29+$0xFFFFFD80] =	vst v7;
	v2 =	vmul.f32 v2, v0  }
0x1d1: {  	[tilespmem:s29+$0xFFFFFE00] =	vst v4;
	v1 =	vmul.f32 v1, v0  }
0x1d2: {  	[tilespmem:s29+$0xFFFFFE80] =	vst v2;
	v2 =	vmul.f32 v3, v0  }
0x1d3: {  	v0 =	vmul.f32 v5, v0;
	[tilespmem:s29+$0xFFFFFF00] =	vst v1  }
0x1d4: {  	[tilespmem:s29+$0xFFFFFF80] =	vst v2  }
0x1d5: {  	[tilespmem:s29+$0xFFFFFC80] =	vst v0  }
0x1d6: {  	s31 =	simm.s32 $0xBA0;
	v0 =	vld [tilespmem:$0x182A0]  }
0x1d7: {  	v3 =	vld [tilespmem:s31+$0x0]  }
0x1d8: {  	v5 =	vld [tilespmem:s31+$0xFFFFFD00]  }
0x1d9: {  	v7 =	vld [tilespmem:s31+$0xFFFFFD80]  }
0x1da: {  	v4 =	vld [tilespmem:s31+$0xFFFFFE00]  }
0x1db: {  	v2 =	vld [tilespmem:s31+$0xFFFFFE80]  }
0x1dc: {  	v1 =	vld [tilespmem:s31+$0xFFFFFF00];
	v8 =	vmul.f32 v3, v0  }
0x1dd: {  	s29 =	simm.s32 $0xCBA0;
	v3 =	vld [tilespmem:s31+$0xFFFFFF80];
	v6 =	vmul.f32 v5, v0  }
0x1de: {  	s30 =	simm.s32 $0x0;
	v5 =	vld [tilespmem:s31+$0xFFFFFC80];
	v7 =	vmul.f32 v7, v0;
	s31 =	simm.s32 $0x17A0;
	[tilespmem:s29+$0x0] =	vst v8  }
.LBB2_39:
0x1df: {  	v8 =	vld [tilespmem:s31+$0x0];
	s30 =	sadd.s32 $0x8, s30;
	[tilespmem:s29+$0xFFFFFD00] =	vst v6;
	v4 =	vmul.f32 v4, v0  }
0x1e0: {  	v6 =	vld [tilespmem:s31+$0xFFFFFD00];
	p0 =	slt.u32 s30, $0x38;
	[tilespmem:s29+$0xFFFFFD80] =	vst v7;
	v2 =	vmul.f32 v2, v0  }
0x1e1: {  	v7 =	vld [tilespmem:s31+$0xFFFFFD80];
	[tilespmem:s29+$0xFFFFFE00] =	vst v4;
	v1 =	vmul.f32 v1, v0  }
.Ltmp20:
0x1e2: {  	v4 =	vld [tilespmem:s31+$0xFFFFFE00];
	[tilespmem:s29+$0xFFFFFE80] =	vst v2;
	v3 =	vmul.f32 v3, v0;
	(pc) =	sbr.rel @p0 .LBB2_39-.Ltmp20, $4  }
0x1e3: {  	v2 =	vld [tilespmem:s31+$0xFFFFFE80];
	v5 =	vmul.f32 v5, v0;
	[tilespmem:s29+$0xFFFFFF00] =	vst v1  }
0x1e4: {  	v1 =	vld [tilespmem:s31+$0xFFFFFF00];
	v8 =	vmul.f32 v8, v0;
	[tilespmem:s29+$0xFFFFFF80] =	vst v3  }
0x1e5: {  	v6 =	vmul.f32 v6, v0;
	v3 =	vld [tilespmem:s31+$0xFFFFFF80];
	[tilespmem:s29+$0xFFFFFC80] =	vst v5;
	s29 =	sadd.s32 $0xC00, s29  }
0x1e6: {  	v5 =	vld [tilespmem:s31+$0xFFFFFC80];
	v7 =	vmul.f32 v7, v0;
	[tilespmem:s29+$0x0] =	vst v8;
	s31 =	sadd.s32 $0xC00, s31  }
0x1e7: {  	[tilespmem:s29+$0xFFFFFD00] =	vst v6;
	v4 =	vmul.f32 v4, v0  }
0x1e8: {  	[tilespmem:s29+$0xFFFFFD80] =	vst v7;
	v2 =	vmul.f32 v2, v0  }
0x1e9: {  	[tilespmem:s29+$0xFFFFFE00] =	vst v4;
	v1 =	vmul.f32 v1, v0  }
0x1ea: {  	[tilespmem:s29+$0xFFFFFE80] =	vst v2;
	v2 =	vmul.f32 v3, v0  }
0x1eb: {  	v0 =	vmul.f32 v5, v0;
	[tilespmem:s29+$0xFFFFFF00] =	vst v1  }
0x1ec: {  	[tilespmem:s29+$0xFFFFFF80] =	vst v2  }
0x1ed: {  	[tilespmem:s29+$0xFFFFFC80] =	vst v0  }
0x1ee: {  	s31 =	simm.s32 $0xBB0;
	v0 =	vld [tilespmem:$0x182B0]  }
0x1ef: {  	v3 =	vld [tilespmem:s31+$0x0]  }
0x1f0: {  	v5 =	vld [tilespmem:s31+$0xFFFFFD00]  }
0x1f1: {  	v7 =	vld [tilespmem:s31+$0xFFFFFD80]  }
0x1f2: {  	v4 =	vld [tilespmem:s31+$0xFFFFFE00]  }
0x1f3: {  	v2 =	vld [tilespmem:s31+$0xFFFFFE80]  }
0x1f4: {  	v1 =	vld [tilespmem:s31+$0xFFFFFF00];
	v8 =	vmul.f32 v3, v0  }
0x1f5: {  	s29 =	simm.s32 $0xCBB0;
	v3 =	vld [tilespmem:s31+$0xFFFFFF80];
	v6 =	vmul.f32 v5, v0  }
0x1f6: {  	s30 =	simm.s32 $0x0;
	v5 =	vld [tilespmem:s31+$0xFFFFFC80];
	v7 =	vmul.f32 v7, v0;
	s31 =	simm.s32 $0x17B0;
	[tilespmem:s29+$0x0] =	vst v8  }
.LBB2_41:
0x1f7: {  	v8 =	vld [tilespmem:s31+$0x0];
	s30 =	sadd.s32 $0x8, s30;
	[tilespmem:s29+$0xFFFFFD00] =	vst v6;
	v4 =	vmul.f32 v4, v0  }
0x1f8: {  	v6 =	vld [tilespmem:s31+$0xFFFFFD00];
	p0 =	slt.u32 s30, $0x38;
	[tilespmem:s29+$0xFFFFFD80] =	vst v7;
	v2 =	vmul.f32 v2, v0  }
0x1f9: {  	v7 =	vld [tilespmem:s31+$0xFFFFFD80];
	[tilespmem:s29+$0xFFFFFE00] =	vst v4;
	v1 =	vmul.f32 v1, v0  }
.Ltmp21:
0x1fa: {  	v4 =	vld [tilespmem:s31+$0xFFFFFE00];
	[tilespmem:s29+$0xFFFFFE80] =	vst v2;
	v3 =	vmul.f32 v3, v0;
	(pc) =	sbr.rel @p0 .LBB2_41-.Ltmp21, $4  }
0x1fb: {  	v2 =	vld [tilespmem:s31+$0xFFFFFE80];
	v5 =	vmul.f32 v5, v0;
	[tilespmem:s29+$0xFFFFFF00] =	vst v1  }
0x1fc: {  	v1 =	vld [tilespmem:s31+$0xFFFFFF00];
	v8 =	vmul.f32 v8, v0;
	[tilespmem:s29+$0xFFFFFF80] =	vst v3  }
0x1fd: {  	v6 =	vmul.f32 v6, v0;
	v3 =	vld [tilespmem:s31+$0xFFFFFF80];
	[tilespmem:s29+$0xFFFFFC80] =	vst v5;
	s29 =	sadd.s32 $0xC00, s29  }
0x1fe: {  	v5 =	vld [tilespmem:s31+$0xFFFFFC80];
	v7 =	vmul.f32 v7, v0;
	[tilespmem:s29+$0x0] =	vst v8;
	s31 =	sadd.s32 $0xC00, s31  }
0x1ff: {  	[tilespmem:s29+$0xFFFFFD00] =	vst v6;
	v4 =	vmul.f32 v4, v0  }
0x200: {  	[tilespmem:s29+$0xFFFFFD80] =	vst v7;
	v2 =	vmul.f32 v2, v0  }
0x201: {  	[tilespmem:s29+$0xFFFFFE00] =	vst v4;
	v1 =	vmul.f32 v1, v0  }
0x202: {  	[tilespmem:s29+$0xFFFFFE80] =	vst v2;
	v2 =	vmul.f32 v3, v0  }
0x203: {  	v0 =	vmul.f32 v5, v0;
	[tilespmem:s29+$0xFFFFFF00] =	vst v1  }
0x204: {  	[tilespmem:s29+$0xFFFFFF80] =	vst v2  }
0x205: {  	[tilespmem:s29+$0xFFFFFC80] =	vst v0  }
0x206: {  	s31 =	simm.s32 $0xBC0;
	v0 =	vld [tilespmem:$0x182C0]  }
0x207: {  	v3 =	vld [tilespmem:s31+$0x0]  }
0x208: {  	v5 =	vld [tilespmem:s31+$0xFFFFFD00]  }
0x209: {  	v7 =	vld [tilespmem:s31+$0xFFFFFD80]  }
0x20a: {  	v4 =	vld [tilespmem:s31+$0xFFFFFE00]  }
0x20b: {  	v2 =	vld [tilespmem:s31+$0xFFFFFE80]  }
0x20c: {  	v1 =	vld [tilespmem:s31+$0xFFFFFF00];
	v8 =	vmul.f32 v3, v0  }
0x20d: {  	s29 =	simm.s32 $0xCBC0;
	v3 =	vld [tilespmem:s31+$0xFFFFFF80];
	v6 =	vmul.f32 v5, v0  }
0x20e: {  	s30 =	simm.s32 $0x0;
	v5 =	vld [tilespmem:s31+$0xFFFFFC80];
	v7 =	vmul.f32 v7, v0;
	s31 =	simm.s32 $0x17C0;
	[tilespmem:s29+$0x0] =	vst v8  }
.LBB2_43:
0x20f: {  	v8 =	vld [tilespmem:s31+$0x0];
	s30 =	sadd.s32 $0x8, s30;
	[tilespmem:s29+$0xFFFFFD00] =	vst v6;
	v4 =	vmul.f32 v4, v0  }
0x210: {  	v6 =	vld [tilespmem:s31+$0xFFFFFD00];
	p0 =	slt.u32 s30, $0x38;
	[tilespmem:s29+$0xFFFFFD80] =	vst v7;
	v2 =	vmul.f32 v2, v0  }
0x211: {  	v7 =	vld [tilespmem:s31+$0xFFFFFD80];
	[tilespmem:s29+$0xFFFFFE00] =	vst v4;
	v1 =	vmul.f32 v1, v0  }
.Ltmp22:
0x212: {  	v4 =	vld [tilespmem:s31+$0xFFFFFE00];
	[tilespmem:s29+$0xFFFFFE80] =	vst v2;
	v3 =	vmul.f32 v3, v0;
	(pc) =	sbr.rel @p0 .LBB2_43-.Ltmp22, $4  }
0x213: {  	v2 =	vld [tilespmem:s31+$0xFFFFFE80];
	v5 =	vmul.f32 v5, v0;
	[tilespmem:s29+$0xFFFFFF00] =	vst v1  }
0x214: {  	v1 =	vld [tilespmem:s31+$0xFFFFFF00];
	v8 =	vmul.f32 v8, v0;
	[tilespmem:s29+$0xFFFFFF80] =	vst v3  }
0x215: {  	v6 =	vmul.f32 v6, v0;
	v3 =	vld [tilespmem:s31+$0xFFFFFF80];
	[tilespmem:s29+$0xFFFFFC80] =	vst v5;
	s29 =	sadd.s32 $0xC00, s29  }
0x216: {  	v5 =	vld [tilespmem:s31+$0xFFFFFC80];
	v7 =	vmul.f32 v7, v0;
	[tilespmem:s29+$0x0] =	vst v8;
	s31 =	sadd.s32 $0xC00, s31  }
0x217: {  	[tilespmem:s29+$0xFFFFFD00] =	vst v6;
	v4 =	vmul.f32 v4, v0  }
0x218: {  	[tilespmem:s29+$0xFFFFFD80] =	vst v7;
	v2 =	vmul.f32 v2, v0  }
0x219: {  	[tilespmem:s29+$0xFFFFFE00] =	vst v4;
	v1 =	vmul.f32 v1, v0  }
0x21a: {  	[tilespmem:s29+$0xFFFFFE80] =	vst v2;
	v2 =	vmul.f32 v3, v0  }
0x21b: {  	v0 =	vmul.f32 v5, v0;
	[tilespmem:s29+$0xFFFFFF00] =	vst v1  }
0x21c: {  	[tilespmem:s29+$0xFFFFFF80] =	vst v2  }
0x21d: {  	[tilespmem:s29+$0xFFFFFC80] =	vst v0  }
0x21e: {  	s31 =	simm.s32 $0xBD0;
	v0 =	vld [tilespmem:$0x182D0]  }
0x21f: {  	v3 =	vld [tilespmem:s31+$0x0]  }
0x220: {  	v5 =	vld [tilespmem:s31+$0xFFFFFD00]  }
0x221: {  	v7 =	vld [tilespmem:s31+$0xFFFFFD80]  }
0x222: {  	v4 =	vld [tilespmem:s31+$0xFFFFFE00]  }
0x223: {  	v2 =	vld [tilespmem:s31+$0xFFFFFE80]  }
0x224: {  	v1 =	vld [tilespmem:s31+$0xFFFFFF00];
	v8 =	vmul.f32 v3, v0  }
0x225: {  	s29 =	simm.s32 $0xCBD0;
	v3 =	vld [tilespmem:s31+$0xFFFFFF80];
	v6 =	vmul.f32 v5, v0  }
0x226: {  	s30 =	simm.s32 $0x0;
	v5 =	vld [tilespmem:s31+$0xFFFFFC80];
	v7 =	vmul.f32 v7, v0;
	s31 =	simm.s32 $0x17D0;
	[tilespmem:s29+$0x0] =	vst v8  }
.LBB2_45:
0x227: {  	v8 =	vld [tilespmem:s31+$0x0];
	s30 =	sadd.s32 $0x8, s30;
	[tilespmem:s29+$0xFFFFFD00] =	vst v6;
	v4 =	vmul.f32 v4, v0  }
0x228: {  	v6 =	vld [tilespmem:s31+$0xFFFFFD00];
	p0 =	slt.u32 s30, $0x38;
	[tilespmem:s29+$0xFFFFFD80] =	vst v7;
	v2 =	vmul.f32 v2, v0  }
0x229: {  	v7 =	vld [tilespmem:s31+$0xFFFFFD80];
	[tilespmem:s29+$0xFFFFFE00] =	vst v4;
	v1 =	vmul.f32 v1, v0  }
.Ltmp23:
0x22a: {  	v4 =	vld [tilespmem:s31+$0xFFFFFE00];
	[tilespmem:s29+$0xFFFFFE80] =	vst v2;
	v3 =	vmul.f32 v3, v0;
	(pc) =	sbr.rel @p0 .LBB2_45-.Ltmp23, $4  }
0x22b: {  	v2 =	vld [tilespmem:s31+$0xFFFFFE80];
	v5 =	vmul.f32 v5, v0;
	[tilespmem:s29+$0xFFFFFF00] =	vst v1  }
0x22c: {  	v1 =	vld [tilespmem:s31+$0xFFFFFF00];
	v8 =	vmul.f32 v8, v0;
	[tilespmem:s29+$0xFFFFFF80] =	vst v3  }
0x22d: {  	v6 =	vmul.f32 v6, v0;
	v3 =	vld [tilespmem:s31+$0xFFFFFF80];
	[tilespmem:s29+$0xFFFFFC80] =	vst v5;
	s29 =	sadd.s32 $0xC00, s29  }
0x22e: {  	v5 =	vld [tilespmem:s31+$0xFFFFFC80];
	v7 =	vmul.f32 v7, v0;
	[tilespmem:s29+$0x0] =	vst v8;
	s31 =	sadd.s32 $0xC00, s31  }
0x22f: {  	[tilespmem:s29+$0xFFFFFD00] =	vst v6;
	v4 =	vmul.f32 v4, v0  }
0x230: {  	[tilespmem:s29+$0xFFFFFD80] =	vst v7;
	v2 =	vmul.f32 v2, v0  }
0x231: {  	[tilespmem:s29+$0xFFFFFE00] =	vst v4;
	v1 =	vmul.f32 v1, v0  }
0x232: {  	[tilespmem:s29+$0xFFFFFE80] =	vst v2;
	v2 =	vmul.f32 v3, v0  }
0x233: {  	v0 =	vmul.f32 v5, v0;
	[tilespmem:s29+$0xFFFFFF00] =	vst v1  }
0x234: {  	[tilespmem:s29+$0xFFFFFF80] =	vst v2  }
0x235: {  	[tilespmem:s29+$0xFFFFFC80] =	vst v0  }
0x236: {  	s31 =	simm.s32 $0xBE0;
	v0 =	vld [tilespmem:$0x182E0]  }
0x237: {  	v3 =	vld [tilespmem:s31+$0x0]  }
0x238: {  	v5 =	vld [tilespmem:s31+$0xFFFFFD00]  }
0x239: {  	v7 =	vld [tilespmem:s31+$0xFFFFFD80]  }
0x23a: {  	v4 =	vld [tilespmem:s31+$0xFFFFFE00]  }
0x23b: {  	v2 =	vld [tilespmem:s31+$0xFFFFFE80]  }
0x23c: {  	v1 =	vld [tilespmem:s31+$0xFFFFFF00];
	v8 =	vmul.f32 v3, v0  }
0x23d: {  	s29 =	simm.s32 $0xCBE0;
	v3 =	vld [tilespmem:s31+$0xFFFFFF80];
	v6 =	vmul.f32 v5, v0  }
0x23e: {  	s30 =	simm.s32 $0x0;
	v5 =	vld [tilespmem:s31+$0xFFFFFC80];
	v7 =	vmul.f32 v7, v0;
	s31 =	simm.s32 $0x17E0;
	[tilespmem:s29+$0x0] =	vst v8  }
.LBB2_47:
0x23f: {  	v8 =	vld [tilespmem:s31+$0x0];
	s30 =	sadd.s32 $0x8, s30;
	[tilespmem:s29+$0xFFFFFD00] =	vst v6;
	v4 =	vmul.f32 v4, v0  }
0x240: {  	v6 =	vld [tilespmem:s31+$0xFFFFFD00];
	p0 =	slt.u32 s30, $0x38;
	[tilespmem:s29+$0xFFFFFD80] =	vst v7;
	v2 =	vmul.f32 v2, v0  }
0x241: {  	v7 =	vld [tilespmem:s31+$0xFFFFFD80];
	[tilespmem:s29+$0xFFFFFE00] =	vst v4;
	v1 =	vmul.f32 v1, v0  }
.Ltmp24:
0x242: {  	v4 =	vld [tilespmem:s31+$0xFFFFFE00];
	[tilespmem:s29+$0xFFFFFE80] =	vst v2;
	v3 =	vmul.f32 v3, v0;
	(pc) =	sbr.rel @p0 .LBB2_47-.Ltmp24, $4  }
0x243: {  	v2 =	vld [tilespmem:s31+$0xFFFFFE80];
	v5 =	vmul.f32 v5, v0;
	[tilespmem:s29+$0xFFFFFF00] =	vst v1  }
0x244: {  	v1 =	vld [tilespmem:s31+$0xFFFFFF00];
	v8 =	vmul.f32 v8, v0;
	[tilespmem:s29+$0xFFFFFF80] =	vst v3  }
0x245: {  	v6 =	vmul.f32 v6, v0;
	v3 =	vld [tilespmem:s31+$0xFFFFFF80];
	[tilespmem:s29+$0xFFFFFC80] =	vst v5;
	s29 =	sadd.s32 $0xC00, s29  }
0x246: {  	v5 =	vld [tilespmem:s31+$0xFFFFFC80];
	v7 =	vmul.f32 v7, v0;
	[tilespmem:s29+$0x0] =	vst v8;
	s31 =	sadd.s32 $0xC00, s31  }
0x247: {  	[tilespmem:s29+$0xFFFFFD00] =	vst v6;
	v4 =	vmul.f32 v4, v0  }
0x248: {  	[tilespmem:s29+$0xFFFFFD80] =	vst v7;
	v2 =	vmul.f32 v2, v0  }
0x249: {  	[tilespmem:s29+$0xFFFFFE00] =	vst v4;
	v1 =	vmul.f32 v1, v0  }
0x24a: {  	[tilespmem:s29+$0xFFFFFE80] =	vst v2;
	v2 =	vmul.f32 v3, v0  }
0x24b: {  	v0 =	vmul.f32 v5, v0;
	[tilespmem:s29+$0xFFFFFF00] =	vst v1  }
0x24c: {  	[tilespmem:s29+$0xFFFFFF80] =	vst v2  }
0x24d: {  	[tilespmem:s29+$0xFFFFFC80] =	vst v0  }
0x24e: {  	s31 =	simm.s32 $0xBF0;
	v0 =	vld [tilespmem:$0x182F0]  }
0x24f: {  	v3 =	vld [tilespmem:s31+$0x0]  }
0x250: {  	v5 =	vld [tilespmem:s31+$0xFFFFFD00]  }
0x251: {  	v7 =	vld [tilespmem:s31+$0xFFFFFD80]  }
0x252: {  	v4 =	vld [tilespmem:s31+$0xFFFFFE00]  }
0x253: {  	v2 =	vld [tilespmem:s31+$0xFFFFFE80]  }
0x254: {  	v1 =	vld [tilespmem:s31+$0xFFFFFF00];
	v8 =	vmul.f32 v3, v0  }
0x255: {  	s29 =	simm.s32 $0xCBF0;
	v3 =	vld [tilespmem:s31+$0xFFFFFF80];
	v6 =	vmul.f32 v5, v0  }
0x256: {  	s30 =	simm.s32 $0x0;
	v5 =	vld [tilespmem:s31+$0xFFFFFC80];
	v7 =	vmul.f32 v7, v0;
	s31 =	simm.s32 $0x17F0;
	[tilespmem:s29+$0x0] =	vst v8  }
.LBB2_49:
0x257: {  	v8 =	vld [tilespmem:s31+$0x0];
	s30 =	sadd.s32 $0x8, s30;
	[tilespmem:s29+$0xFFFFFD00] =	vst v6;
	v4 =	vmul.f32 v4, v0  }
0x258: {  	v6 =	vld [tilespmem:s31+$0xFFFFFD00];
	p0 =	slt.u32 s30, $0x38;
	[tilespmem:s29+$0xFFFFFD80] =	vst v7;
	v2 =	vmul.f32 v2, v0  }
0x259: {  	v7 =	vld [tilespmem:s31+$0xFFFFFD80];
	[tilespmem:s29+$0xFFFFFE00] =	vst v4;
	v1 =	vmul.f32 v1, v0  }
.Ltmp25:
0x25a: {  	v4 =	vld [tilespmem:s31+$0xFFFFFE00];
	[tilespmem:s29+$0xFFFFFE80] =	vst v2;
	v3 =	vmul.f32 v3, v0;
	(pc) =	sbr.rel @p0 .LBB2_49-.Ltmp25, $4  }
0x25b: {  	v2 =	vld [tilespmem:s31+$0xFFFFFE80];
	v5 =	vmul.f32 v5, v0;
	[tilespmem:s29+$0xFFFFFF00] =	vst v1  }
0x25c: {  	v1 =	vld [tilespmem:s31+$0xFFFFFF00];
	v8 =	vmul.f32 v8, v0;
	[tilespmem:s29+$0xFFFFFF80] =	vst v3  }
0x25d: {  	v6 =	vmul.f32 v6, v0;
	v3 =	vld [tilespmem:s31+$0xFFFFFF80];
	[tilespmem:s29+$0xFFFFFC80] =	vst v5;
	s29 =	sadd.s32 $0xC00, s29  }
0x25e: {  	v5 =	vld [tilespmem:s31+$0xFFFFFC80];
	v7 =	vmul.f32 v7, v0;
	[tilespmem:s29+$0x0] =	vst v8;
	s31 =	sadd.s32 $0xC00, s31  }
0x25f: {  	[tilespmem:s29+$0xFFFFFD00] =	vst v6;
	v4 =	vmul.f32 v4, v0  }
0x260: {  	[tilespmem:s29+$0xFFFFFD80] =	vst v7;
	v2 =	vmul.f32 v2, v0  }
0x261: {  	[tilespmem:s29+$0xFFFFFE00] =	vst v4;
	v1 =	vmul.f32 v1, v0  }
0x262: {  	s28 =	sshrl.u32 s28, $0x3;
	p0 =	seq.s32 s25, $0xC3;
	[tilespmem:s29+$0xFFFFFE80] =	vst v2;
	v2 =	vmul.f32 v3, v0  }
0x263: {  	s28 =	smul.u32 $0x180, s28;
	s30 =	sadd.s32 @!p0 s26, s10;
	v0 =	vmul.f32 v5, v0;
	[tilespmem:s29+$0xFFFFFF00] =	vst v1  }
0x264: {  	s30 =	sshrl.u32 @!p0 s30, $0x3;
	[tilespmem:s29+$0xFFFFFF80] =	vst v2  }
0x265: {  	s28 =	sadd.s32 s6, s28;
	[tilespmem:s29+$0xFFFFFC80] =	vst v0;
	s29 =	smul.u32 @!p0 $0x180, s30  }
0x266: {  	[hbm4b:s28+s7] =	stream.linear.scatter [tilespmem:s19], [sflag:$0x3], $0x6000, $0x38;
	[tilespmem:$0x18300] =	vst v63  }
0x267: {  	s28 =	sadd.s32 @!p0 s1, s29;
	s29 =	simm.s32 @!p0 $0x0  }
0x268: {  	[tilespmem:s29], [sflag:$0x1] =	stream.linear.gather @!p0 [hbm4b:s28+s29], $0x6000, $0x38;
	[tilespmem:$0x18300] =	vst v63  }
0x269: {  	_ =	swait.ge [sflag:s20], $0x6000  }
0x26a: {  	[sflag:s20] =	ssyncset.done $0x0  }
0x26b: {  	s28 =	simm.s32 @!p1 $0x4;
	[sflag:s20] =	ssyncadd.s32 $0xFFFFA000  }
0x26c: {  	_ =	swait.ge @!p1 [sflag:s28], $0x6000  }
0x26d: {  	[sflag:s28] =	ssyncset.done @!p1 $0x0  }
0x26e: {  	[sflag:s28] =	ssyncadd.s32 @!p1 $0xFFFFA000  }
0x26f: {  	s31 =	simm.s32 $0x6200;
	v0 =	vld [tilespmem:$0x18180]  }
0x270: {  	v3 =	vld [tilespmem:s31+$0x180]  }
0x271: {  	v5 =	vld [tilespmem:s31+$0xFFFFFE80]  }
0x272: {  	v7 =	vld [tilespmem:s31+$0xFFFFFF00]  }
0x273: {  	v4 =	vld [tilespmem:s31+$0xFFFFFF80]  }
0x274: {  	v2 =	vld [tilespmem:s31+$0x0]  }
0x275: {  	v1 =	vld [tilespmem:s31+$0x80];
	v8 =	vmul.f32 v3, v0  }
0x276: {  	s29 =	simm.s32 $0x12200;
	v3 =	vld [tilespmem:s31+$0x100];
	v6 =	vmul.f32 v5, v0  }
0x277: {  	s30 =	simm.s32 $0x0;
	s28 =	sadd.s32 s26, s11;
	v5 =	vld [tilespmem:s31+$0xFFFFFE00];
	v7 =	vmul.f32 v7, v0;
	s31 =	simm.s32 $0x6E00;
	[tilespmem:s29+$0x180] =	vst v8  }
.LBB2_51:
0x278: {  	v8 =	vld [tilespmem:s31+$0x180];
	s30 =	sadd.s32 $0x8, s30;
	[tilespmem:s29+$0xFFFFFE80] =	vst v6;
	v4 =	vmul.f32 v4, v0  }
0x279: {  	v6 =	vld [tilespmem:s31+$0xFFFFFE80];
	p1 =	slt.u32 s30, $0x38;
	[tilespmem:s29+$0xFFFFFF00] =	vst v7;
	v2 =	vmul.f32 v2, v0  }
0x27a: {  	v7 =	vld [tilespmem:s31+$0xFFFFFF00];
	[tilespmem:s29+$0xFFFFFF80] =	vst v4;
	v1 =	vmul.f32 v1, v0  }
.Ltmp26:
0x27b: {  	v4 =	vld [tilespmem:s31+$0xFFFFFF80];
	[tilespmem:s29+$0x0] =	vst v2;
	v3 =	vmul.f32 v3, v0;
	(pc) =	sbr.rel @p1 .LBB2_51-.Ltmp26, $4  }
0x27c: {  	v2 =	vld [tilespmem:s31+$0x0];
	v5 =	vmul.f32 v5, v0;
	[tilespmem:s29+$0x80] =	vst v1  }
0x27d: {  	v1 =	vld [tilespmem:s31+$0x80];
	v8 =	vmul.f32 v8, v0;
	[tilespmem:s29+$0x100] =	vst v3  }
0x27e: {  	v6 =	vmul.f32 v6, v0;
	v3 =	vld [tilespmem:s31+$0x100];
	[tilespmem:s29+$0xFFFFFE00] =	vst v5;
	s29 =	sadd.s32 $0xC00, s29  }
0x27f: {  	v5 =	vld [tilespmem:s31+$0xFFFFFE00];
	v7 =	vmul.f32 v7, v0;
	[tilespmem:s29+$0x180] =	vst v8;
	s31 =	sadd.s32 $0xC00, s31  }
0x280: {  	[tilespmem:s29+$0xFFFFFE80] =	vst v6;
	v4 =	vmul.f32 v4, v0  }
0x281: {  	[tilespmem:s29+$0xFFFFFF00] =	vst v7;
	v2 =	vmul.f32 v2, v0  }
0x282: {  	[tilespmem:s29+$0xFFFFFF80] =	vst v4;
	v1 =	vmul.f32 v1, v0  }
0x283: {  	[tilespmem:s29+$0x0] =	vst v2;
	v2 =	vmul.f32 v3, v0  }
0x284: {  	v0 =	vmul.f32 v5, v0;
	[tilespmem:s29+$0x80] =	vst v1  }
0x285: {  	[tilespmem:s29+$0x100] =	vst v2  }
0x286: {  	[tilespmem:s29+$0xFFFFFE00] =	vst v0  }
0x287: {  	s31 =	simm.s32 $0x6210;
	v0 =	vld [tilespmem:$0x18190]  }
0x288: {  	v3 =	vld [tilespmem:s31+$0x180]  }
0x289: {  	v5 =	vld [tilespmem:s31+$0xFFFFFE80]  }
0x28a: {  	v7 =	vld [tilespmem:s31+$0xFFFFFF00]  }
0x28b: {  	v4 =	vld [tilespmem:s31+$0xFFFFFF80]  }
0x28c: {  	v2 =	vld [tilespmem:s31+$0x0]  }
0x28d: {  	v1 =	vld [tilespmem:s31+$0x80];
	v8 =	vmul.f32 v3, v0  }
0x28e: {  	s29 =	simm.s32 $0x12210;
	v3 =	vld [tilespmem:s31+$0x100];
	v6 =	vmul.f32 v5, v0  }
0x28f: {  	s30 =	simm.s32 $0x0;
	v5 =	vld [tilespmem:s31+$0xFFFFFE00];
	v7 =	vmul.f32 v7, v0;
	s31 =	simm.s32 $0x6E10;
	[tilespmem:s29+$0x180] =	vst v8  }
.LBB2_53:
0x290: {  	v8 =	vld [tilespmem:s31+$0x180];
	s30 =	sadd.s32 $0x8, s30;
	[tilespmem:s29+$0xFFFFFE80] =	vst v6;
	v4 =	vmul.f32 v4, v0  }
0x291: {  	v6 =	vld [tilespmem:s31+$0xFFFFFE80];
	p1 =	slt.u32 s30, $0x38;
	[tilespmem:s29+$0xFFFFFF00] =	vst v7;
	v2 =	vmul.f32 v2, v0  }
0x292: {  	v7 =	vld [tilespmem:s31+$0xFFFFFF00];
	[tilespmem:s29+$0xFFFFFF80] =	vst v4;
	v1 =	vmul.f32 v1, v0  }
.Ltmp27:
0x293: {  	v4 =	vld [tilespmem:s31+$0xFFFFFF80];
	[tilespmem:s29+$0x0] =	vst v2;
	v3 =	vmul.f32 v3, v0;
	(pc) =	sbr.rel @p1 .LBB2_53-.Ltmp27, $4  }
0x294: {  	v2 =	vld [tilespmem:s31+$0x0];
	v5 =	vmul.f32 v5, v0;
	[tilespmem:s29+$0x80] =	vst v1  }
0x295: {  	v1 =	vld [tilespmem:s31+$0x80];
	v8 =	vmul.f32 v8, v0;
	[tilespmem:s29+$0x100] =	vst v3  }
0x296: {  	v6 =	vmul.f32 v6, v0;
	v3 =	vld [tilespmem:s31+$0x100];
	[tilespmem:s29+$0xFFFFFE00] =	vst v5;
	s29 =	sadd.s32 $0xC00, s29  }
0x297: {  	v5 =	vld [tilespmem:s31+$0xFFFFFE00];
	v7 =	vmul.f32 v7, v0;
	[tilespmem:s29+$0x180] =	vst v8;
	s31 =	sadd.s32 $0xC00, s31  }
0x298: {  	[tilespmem:s29+$0xFFFFFE80] =	vst v6;
	v4 =	vmul.f32 v4, v0  }
0x299: {  	[tilespmem:s29+$0xFFFFFF00] =	vst v7;
	v2 =	vmul.f32 v2, v0  }
0x29a: {  	[tilespmem:s29+$0xFFFFFF80] =	vst v4;
	v1 =	vmul.f32 v1, v0  }
0x29b: {  	[tilespmem:s29+$0x0] =	vst v2;
	v2 =	vmul.f32 v3, v0  }
0x29c: {  	v0 =	vmul.f32 v5, v0;
	[tilespmem:s29+$0x80] =	vst v1  }
0x29d: {  	[tilespmem:s29+$0x100] =	vst v2  }
0x29e: {  	[tilespmem:s29+$0xFFFFFE00] =	vst v0  }
0x29f: {  	s31 =	simm.s32 $0x6220;
	v0 =	vld [tilespmem:$0x181A0]  }
0x2a0: {  	v3 =	vld [tilespmem:s31+$0x180]  }
0x2a1: {  	v5 =	vld [tilespmem:s31+$0xFFFFFE80]  }
0x2a2: {  	v7 =	vld [tilespmem:s31+$0xFFFFFF00]  }
0x2a3: {  	v4 =	vld [tilespmem:s31+$0xFFFFFF80]  }
0x2a4: {  	v2 =	vld [tilespmem:s31+$0x0]  }
0x2a5: {  	v1 =	vld [tilespmem:s31+$0x80];
	v8 =	vmul.f32 v3, v0  }
0x2a6: {  	s29 =	simm.s32 $0x12220;
	v3 =	vld [tilespmem:s31+$0x100];
	v6 =	vmul.f32 v5, v0  }
0x2a7: {  	s30 =	simm.s32 $0x0;
	v5 =	vld [tilespmem:s31+$0xFFFFFE00];
	v7 =	vmul.f32 v7, v0;
	s31 =	simm.s32 $0x6E20;
	[tilespmem:s29+$0x180] =	vst v8  }
.LBB2_55:
0x2a8: {  	v8 =	vld [tilespmem:s31+$0x180];
	s30 =	sadd.s32 $0x8, s30;
	[tilespmem:s29+$0xFFFFFE80] =	vst v6;
	v4 =	vmul.f32 v4, v0  }
0x2a9: {  	v6 =	vld [tilespmem:s31+$0xFFFFFE80];
	p1 =	slt.u32 s30, $0x38;
	[tilespmem:s29+$0xFFFFFF00] =	vst v7;
	v2 =	vmul.f32 v2, v0  }
0x2aa: {  	v7 =	vld [tilespmem:s31+$0xFFFFFF00];
	[tilespmem:s29+$0xFFFFFF80] =	vst v4;
	v1 =	vmul.f32 v1, v0  }
.Ltmp28:
0x2ab: {  	v4 =	vld [tilespmem:s31+$0xFFFFFF80];
	[tilespmem:s29+$0x0] =	vst v2;
	v3 =	vmul.f32 v3, v0;
	(pc) =	sbr.rel @p1 .LBB2_55-.Ltmp28, $4  }
0x2ac: {  	v2 =	vld [tilespmem:s31+$0x0];
	v5 =	vmul.f32 v5, v0;
	[tilespmem:s29+$0x80] =	vst v1  }
0x2ad: {  	v1 =	vld [tilespmem:s31+$0x80];
	v8 =	vmul.f32 v8, v0;
	[tilespmem:s29+$0x100] =	vst v3  }
0x2ae: {  	v6 =	vmul.f32 v6, v0;
	v3 =	vld [tilespmem:s31+$0x100];
	[tilespmem:s29+$0xFFFFFE00] =	vst v5;
	s29 =	sadd.s32 $0xC00, s29  }
0x2af: {  	v5 =	vld [tilespmem:s31+$0xFFFFFE00];
	v7 =	vmul.f32 v7, v0;
	[tilespmem:s29+$0x180] =	vst v8;
	s31 =	sadd.s32 $0xC00, s31  }
0x2b0: {  	[tilespmem:s29+$0xFFFFFE80] =	vst v6;
	v4 =	vmul.f32 v4, v0  }
0x2b1: {  	[tilespmem:s29+$0xFFFFFF00] =	vst v7;
	v2 =	vmul.f32 v2, v0  }
0x2b2: {  	[tilespmem:s29+$0xFFFFFF80] =	vst v4;
	v1 =	vmul.f32 v1, v0  }
0x2b3: {  	[tilespmem:s29+$0x0] =	vst v2;
	v2 =	vmul.f32 v3, v0  }
0x2b4: {  	v0 =	vmul.f32 v5, v0;
	[tilespmem:s29+$0x80] =	vst v1  }
0x2b5: {  	[tilespmem:s29+$0x100] =	vst v2  }
0x2b6: {  	[tilespmem:s29+$0xFFFFFE00] =	vst v0  }
0x2b7: {  	s31 =	simm.s32 $0x6230;
	v0 =	vld [tilespmem:$0x181B0]  }
0x2b8: {  	v3 =	vld [tilespmem:s31+$0x180]  }
0x2b9: {  	v5 =	vld [tilespmem:s31+$0xFFFFFE80]  }
0x2ba: {  	v7 =	vld [tilespmem:s31+$0xFFFFFF00]  }
0x2bb: {  	v4 =	vld [tilespmem:s31+$0xFFFFFF80]  }
0x2bc: {  	v2 =	vld [tilespmem:s31+$0x0]  }
0x2bd: {  	v1 =	vld [tilespmem:s31+$0x80];
	v8 =	vmul.f32 v3, v0  }
0x2be: {  	s29 =	simm.s32 $0x12230;
	v3 =	vld [tilespmem:s31+$0x100];
	v6 =	vmul.f32 v5, v0  }
0x2bf: {  	s30 =	simm.s32 $0x0;
	v5 =	vld [tilespmem:s31+$0xFFFFFE00];
	v7 =	vmul.f32 v7, v0;
	s31 =	simm.s32 $0x6E30;
	[tilespmem:s29+$0x180] =	vst v8  }
.LBB2_57:
0x2c0: {  	v8 =	vld [tilespmem:s31+$0x180];
	s30 =	sadd.s32 $0x8, s30;
	[tilespmem:s29+$0xFFFFFE80] =	vst v6;
	v4 =	vmul.f32 v4, v0  }
0x2c1: {  	v6 =	vld [tilespmem:s31+$0xFFFFFE80];
	p1 =	slt.u32 s30, $0x38;
	[tilespmem:s29+$0xFFFFFF00] =	vst v7;
	v2 =	vmul.f32 v2, v0  }
0x2c2: {  	v7 =	vld [tilespmem:s31+$0xFFFFFF00];
	[tilespmem:s29+$0xFFFFFF80] =	vst v4;
	v1 =	vmul.f32 v1, v0  }
.Ltmp29:
0x2c3: {  	v4 =	vld [tilespmem:s31+$0xFFFFFF80];
	[tilespmem:s29+$0x0] =	vst v2;
	v3 =	vmul.f32 v3, v0;
	(pc) =	sbr.rel @p1 .LBB2_57-.Ltmp29, $4  }
0x2c4: {  	v2 =	vld [tilespmem:s31+$0x0];
	v5 =	vmul.f32 v5, v0;
	[tilespmem:s29+$0x80] =	vst v1  }
0x2c5: {  	v1 =	vld [tilespmem:s31+$0x80];
	v8 =	vmul.f32 v8, v0;
	[tilespmem:s29+$0x100] =	vst v3  }
0x2c6: {  	v6 =	vmul.f32 v6, v0;
	v3 =	vld [tilespmem:s31+$0x100];
	[tilespmem:s29+$0xFFFFFE00] =	vst v5;
	s29 =	sadd.s32 $0xC00, s29  }
0x2c7: {  	v5 =	vld [tilespmem:s31+$0xFFFFFE00];
	v7 =	vmul.f32 v7, v0;
	[tilespmem:s29+$0x180] =	vst v8;
	s31 =	sadd.s32 $0xC00, s31  }
0x2c8: {  	[tilespmem:s29+$0xFFFFFE80] =	vst v6;
	v4 =	vmul.f32 v4, v0  }
0x2c9: {  	[tilespmem:s29+$0xFFFFFF00] =	vst v7;
	v2 =	vmul.f32 v2, v0  }
0x2ca: {  	[tilespmem:s29+$0xFFFFFF80] =	vst v4;
	v1 =	vmul.f32 v1, v0  }
0x2cb: {  	[tilespmem:s29+$0x0] =	vst v2;
	v2 =	vmul.f32 v3, v0  }
0x2cc: {  	v0 =	vmul.f32 v5, v0;
	[tilespmem:s29+$0x80] =	vst v1  }
0x2cd: {  	[tilespmem:s29+$0x100] =	vst v2  }
0x2ce: {  	[tilespmem:s29+$0xFFFFFE00] =	vst v0  }
0x2cf: {  	s31 =	simm.s32 $0x6240;
	v0 =	vld [tilespmem:$0x181C0]  }
0x2d0: {  	v3 =	vld [tilespmem:s31+$0x180]  }
0x2d1: {  	v5 =	vld [tilespmem:s31+$0xFFFFFE80]  }
0x2d2: {  	v7 =	vld [tilespmem:s31+$0xFFFFFF00]  }
0x2d3: {  	v4 =	vld [tilespmem:s31+$0xFFFFFF80]  }
0x2d4: {  	v2 =	vld [tilespmem:s31+$0x0]  }
0x2d5: {  	v1 =	vld [tilespmem:s31+$0x80];
	v8 =	vmul.f32 v3, v0  }
0x2d6: {  	s29 =	simm.s32 $0x12240;
	v3 =	vld [tilespmem:s31+$0x100];
	v6 =	vmul.f32 v5, v0  }
0x2d7: {  	s30 =	simm.s32 $0x0;
	v5 =	vld [tilespmem:s31+$0xFFFFFE00];
	v7 =	vmul.f32 v7, v0;
	s31 =	simm.s32 $0x6E40;
	[tilespmem:s29+$0x180] =	vst v8  }
.LBB2_59:
0x2d8: {  	v8 =	vld [tilespmem:s31+$0x180];
	s30 =	sadd.s32 $0x8, s30;
	[tilespmem:s29+$0xFFFFFE80] =	vst v6;
	v4 =	vmul.f32 v4, v0  }
0x2d9: {  	v6 =	vld [tilespmem:s31+$0xFFFFFE80];
	p1 =	slt.u32 s30, $0x38;
	[tilespmem:s29+$0xFFFFFF00] =	vst v7;
	v2 =	vmul.f32 v2, v0  }
0x2da: {  	v7 =	vld [tilespmem:s31+$0xFFFFFF00];
	[tilespmem:s29+$0xFFFFFF80] =	vst v4;
	v1 =	vmul.f32 v1, v0  }
.Ltmp30:
0x2db: {  	v4 =	vld [tilespmem:s31+$0xFFFFFF80];
	[tilespmem:s29+$0x0] =	vst v2;
	v3 =	vmul.f32 v3, v0;
	(pc) =	sbr.rel @p1 .LBB2_59-.Ltmp30, $4  }
0x2dc: {  	v2 =	vld [tilespmem:s31+$0x0];
	v5 =	vmul.f32 v5, v0;
	[tilespmem:s29+$0x80] =	vst v1  }
0x2dd: {  	v1 =	vld [tilespmem:s31+$0x80];
	v8 =	vmul.f32 v8, v0;
	[tilespmem:s29+$0x100] =	vst v3  }
0x2de: {  	v6 =	vmul.f32 v6, v0;
	v3 =	vld [tilespmem:s31+$0x100];
	[tilespmem:s29+$0xFFFFFE00] =	vst v5;
	s29 =	sadd.s32 $0xC00, s29  }
0x2df: {  	v5 =	vld [tilespmem:s31+$0xFFFFFE00];
	v7 =	vmul.f32 v7, v0;
	[tilespmem:s29+$0x180] =	vst v8;
	s31 =	sadd.s32 $0xC00, s31  }
0x2e0: {  	[tilespmem:s29+$0xFFFFFE80] =	vst v6;
	v4 =	vmul.f32 v4, v0  }
0x2e1: {  	[tilespmem:s29+$0xFFFFFF00] =	vst v7;
	v2 =	vmul.f32 v2, v0  }
0x2e2: {  	[tilespmem:s29+$0xFFFFFF80] =	vst v4;
	v1 =	vmul.f32 v1, v0  }
0x2e3: {  	[tilespmem:s29+$0x0] =	vst v2;
	v2 =	vmul.f32 v3, v0  }
0x2e4: {  	v0 =	vmul.f32 v5, v0;
	[tilespmem:s29+$0x80] =	vst v1  }
0x2e5: {  	[tilespmem:s29+$0x100] =	vst v2  }
0x2e6: {  	[tilespmem:s29+$0xFFFFFE00] =	vst v0  }
0x2e7: {  	s31 =	simm.s32 $0x6250;
	v0 =	vld [tilespmem:$0x181D0]  }
0x2e8: {  	v3 =	vld [tilespmem:s31+$0x180]  }
0x2e9: {  	v5 =	vld [tilespmem:s31+$0xFFFFFE80]  }
0x2ea: {  	v7 =	vld [tilespmem:s31+$0xFFFFFF00]  }
0x2eb: {  	v4 =	vld [tilespmem:s31+$0xFFFFFF80]  }
0x2ec: {  	v2 =	vld [tilespmem:s31+$0x0]  }
0x2ed: {  	v1 =	vld [tilespmem:s31+$0x80];
	v8 =	vmul.f32 v3, v0  }
0x2ee: {  	s29 =	simm.s32 $0x12250;
	v3 =	vld [tilespmem:s31+$0x100];
	v6 =	vmul.f32 v5, v0  }
0x2ef: {  	s30 =	simm.s32 $0x0;
	v5 =	vld [tilespmem:s31+$0xFFFFFE00];
	v7 =	vmul.f32 v7, v0;
	s31 =	simm.s32 $0x6E50;
	[tilespmem:s29+$0x180] =	vst v8  }
.LBB2_61:
0x2f0: {  	v8 =	vld [tilespmem:s31+$0x180];
	s30 =	sadd.s32 $0x8, s30;
	[tilespmem:s29+$0xFFFFFE80] =	vst v6;
	v4 =	vmul.f32 v4, v0  }
0x2f1: {  	v6 =	vld [tilespmem:s31+$0xFFFFFE80];
	p1 =	slt.u32 s30, $0x38;
	[tilespmem:s29+$0xFFFFFF00] =	vst v7;
	v2 =	vmul.f32 v2, v0  }
0x2f2: {  	v7 =	vld [tilespmem:s31+$0xFFFFFF00];
	[tilespmem:s29+$0xFFFFFF80] =	vst v4;
	v1 =	vmul.f32 v1, v0  }
.Ltmp31:
0x2f3: {  	v4 =	vld [tilespmem:s31+$0xFFFFFF80];
	[tilespmem:s29+$0x0] =	vst v2;
	v3 =	vmul.f32 v3, v0;
	(pc) =	sbr.rel @p1 .LBB2_61-.Ltmp31, $4  }
0x2f4: {  	v2 =	vld [tilespmem:s31+$0x0];
	v5 =	vmul.f32 v5, v0;
	[tilespmem:s29+$0x80] =	vst v1  }
0x2f5: {  	v1 =	vld [tilespmem:s31+$0x80];
	v8 =	vmul.f32 v8, v0;
	[tilespmem:s29+$0x100] =	vst v3  }
0x2f6: {  	v6 =	vmul.f32 v6, v0;
	v3 =	vld [tilespmem:s31+$0x100];
	[tilespmem:s29+$0xFFFFFE00] =	vst v5;
	s29 =	sadd.s32 $0xC00, s29  }
0x2f7: {  	v5 =	vld [tilespmem:s31+$0xFFFFFE00];
	v7 =	vmul.f32 v7, v0;
	[tilespmem:s29+$0x180] =	vst v8;
	s31 =	sadd.s32 $0xC00, s31  }
0x2f8: {  	[tilespmem:s29+$0xFFFFFE80] =	vst v6;
	v4 =	vmul.f32 v4, v0  }
0x2f9: {  	[tilespmem:s29+$0xFFFFFF00] =	vst v7;
	v2 =	vmul.f32 v2, v0  }
0x2fa: {  	[tilespmem:s29+$0xFFFFFF80] =	vst v4;
	v1 =	vmul.f32 v1, v0  }
0x2fb: {  	[tilespmem:s29+$0x0] =	vst v2;
	v2 =	vmul.f32 v3, v0  }
0x2fc: {  	v0 =	vmul.f32 v5, v0;
	[tilespmem:s29+$0x80] =	vst v1  }
0x2fd: {  	[tilespmem:s29+$0x100] =	vst v2  }
0x2fe: {  	[tilespmem:s29+$0xFFFFFE00] =	vst v0  }
0x2ff: {  	s31 =	simm.s32 $0x6260;
	v0 =	vld [tilespmem:$0x181E0]  }
0x300: {  	v3 =	vld [tilespmem:s31+$0x180]  }
0x301: {  	v5 =	vld [tilespmem:s31+$0xFFFFFE80]  }
0x302: {  	v7 =	vld [tilespmem:s31+$0xFFFFFF00]  }
0x303: {  	v4 =	vld [tilespmem:s31+$0xFFFFFF80]  }
0x304: {  	v2 =	vld [tilespmem:s31+$0x0]  }
0x305: {  	v1 =	vld [tilespmem:s31+$0x80];
	v8 =	vmul.f32 v3, v0  }
0x306: {  	s29 =	simm.s32 $0x12260;
	v3 =	vld [tilespmem:s31+$0x100];
	v6 =	vmul.f32 v5, v0  }
0x307: {  	s30 =	simm.s32 $0x0;
	v5 =	vld [tilespmem:s31+$0xFFFFFE00];
	v7 =	vmul.f32 v7, v0;
	s31 =	simm.s32 $0x6E60;
	[tilespmem:s29+$0x180] =	vst v8  }
.LBB2_63:
0x308: {  	v8 =	vld [tilespmem:s31+$0x180];
	s30 =	sadd.s32 $0x8, s30;
	[tilespmem:s29+$0xFFFFFE80] =	vst v6;
	v4 =	vmul.f32 v4, v0  }
0x309: {  	v6 =	vld [tilespmem:s31+$0xFFFFFE80];
	p1 =	slt.u32 s30, $0x38;
	[tilespmem:s29+$0xFFFFFF00] =	vst v7;
	v2 =	vmul.f32 v2, v0  }
0x30a: {  	v7 =	vld [tilespmem:s31+$0xFFFFFF00];
	[tilespmem:s29+$0xFFFFFF80] =	vst v4;
	v1 =	vmul.f32 v1, v0  }
.Ltmp32:
0x30b: {  	v4 =	vld [tilespmem:s31+$0xFFFFFF80];
	[tilespmem:s29+$0x0] =	vst v2;
	v3 =	vmul.f32 v3, v0;
	(pc) =	sbr.rel @p1 .LBB2_63-.Ltmp32, $4  }
0x30c: {  	v2 =	vld [tilespmem:s31+$0x0];
	v5 =	vmul.f32 v5, v0;
	[tilespmem:s29+$0x80] =	vst v1  }
0x30d: {  	v1 =	vld [tilespmem:s31+$0x80];
	v8 =	vmul.f32 v8, v0;
	[tilespmem:s29+$0x100] =	vst v3  }
0x30e: {  	v6 =	vmul.f32 v6, v0;
	v3 =	vld [tilespmem:s31+$0x100];
	[tilespmem:s29+$0xFFFFFE00] =	vst v5;
	s29 =	sadd.s32 $0xC00, s29  }
0x30f: {  	v5 =	vld [tilespmem:s31+$0xFFFFFE00];
	v7 =	vmul.f32 v7, v0;
	[tilespmem:s29+$0x180] =	vst v8;
	s31 =	sadd.s32 $0xC00, s31  }
0x310: {  	[tilespmem:s29+$0xFFFFFE80] =	vst v6;
	v4 =	vmul.f32 v4, v0  }
0x311: {  	[tilespmem:s29+$0xFFFFFF00] =	vst v7;
	v2 =	vmul.f32 v2, v0  }
0x312: {  	[tilespmem:s29+$0xFFFFFF80] =	vst v4;
	v1 =	vmul.f32 v1, v0  }
0x313: {  	[tilespmem:s29+$0x0] =	vst v2;
	v2 =	vmul.f32 v3, v0  }
0x314: {  	v0 =	vmul.f32 v5, v0;
	[tilespmem:s29+$0x80] =	vst v1  }
0x315: {  	[tilespmem:s29+$0x100] =	vst v2  }
0x316: {  	[tilespmem:s29+$0xFFFFFE00] =	vst v0  }
0x317: {  	s31 =	simm.s32 $0x6270;
	v0 =	vld [tilespmem:$0x181F0]  }
0x318: {  	v3 =	vld [tilespmem:s31+$0x180]  }
0x319: {  	v5 =	vld [tilespmem:s31+$0xFFFFFE80]  }
0x31a: {  	v7 =	vld [tilespmem:s31+$0xFFFFFF00]  }
0x31b: {  	v4 =	vld [tilespmem:s31+$0xFFFFFF80]  }
0x31c: {  	v2 =	vld [tilespmem:s31+$0x0]  }
0x31d: {  	v1 =	vld [tilespmem:s31+$0x80];
	v8 =	vmul.f32 v3, v0  }
0x31e: {  	s29 =	simm.s32 $0x12270;
	v3 =	vld [tilespmem:s31+$0x100];
	v6 =	vmul.f32 v5, v0  }
0x31f: {  	s30 =	simm.s32 $0x0;
	v5 =	vld [tilespmem:s31+$0xFFFFFE00];
	v7 =	vmul.f32 v7, v0;
	s31 =	simm.s32 $0x6E70;
	[tilespmem:s29+$0x180] =	vst v8  }
.LBB2_65:
0x320: {  	v8 =	vld [tilespmem:s31+$0x180];
	s30 =	sadd.s32 $0x8, s30;
	[tilespmem:s29+$0xFFFFFE80] =	vst v6;
	v4 =	vmul.f32 v4, v0  }
0x321: {  	v6 =	vld [tilespmem:s31+$0xFFFFFE80];
	p1 =	slt.u32 s30, $0x38;
	[tilespmem:s29+$0xFFFFFF00] =	vst v7;
	v2 =	vmul.f32 v2, v0  }
0x322: {  	v7 =	vld [tilespmem:s31+$0xFFFFFF00];
	[tilespmem:s29+$0xFFFFFF80] =	vst v4;
	v1 =	vmul.f32 v1, v0  }
.Ltmp33:
0x323: {  	v4 =	vld [tilespmem:s31+$0xFFFFFF80];
	[tilespmem:s29+$0x0] =	vst v2;
	v3 =	vmul.f32 v3, v0;
	(pc) =	sbr.rel @p1 .LBB2_65-.Ltmp33, $4  }
0x324: {  	v2 =	vld [tilespmem:s31+$0x0];
	v5 =	vmul.f32 v5, v0;
	[tilespmem:s29+$0x80] =	vst v1  }
0x325: {  	v1 =	vld [tilespmem:s31+$0x80];
	v8 =	vmul.f32 v8, v0;
	[tilespmem:s29+$0x100] =	vst v3  }
0x326: {  	v6 =	vmul.f32 v6, v0;
	v3 =	vld [tilespmem:s31+$0x100];
	[tilespmem:s29+$0xFFFFFE00] =	vst v5;
	s29 =	sadd.s32 $0xC00, s29  }
0x327: {  	v5 =	vld [tilespmem:s31+$0xFFFFFE00];
	v7 =	vmul.f32 v7, v0;
	[tilespmem:s29+$0x180] =	vst v8;
	s31 =	sadd.s32 $0xC00, s31  }
0x328: {  	[tilespmem:s29+$0xFFFFFE80] =	vst v6;
	v4 =	vmul.f32 v4, v0  }
0x329: {  	[tilespmem:s29+$0xFFFFFF00] =	vst v7;
	v2 =	vmul.f32 v2, v0  }
0x32a: {  	[tilespmem:s29+$0xFFFFFF80] =	vst v4;
	v1 =	vmul.f32 v1, v0  }
0x32b: {  	[tilespmem:s29+$0x0] =	vst v2;
	v2 =	vmul.f32 v3, v0  }
0x32c: {  	v0 =	vmul.f32 v5, v0;
	[tilespmem:s29+$0x80] =	vst v1  }
0x32d: {  	[tilespmem:s29+$0x100] =	vst v2  }
0x32e: {  	[tilespmem:s29+$0xFFFFFE00] =	vst v0  }
0x32f: {  	s31 =	simm.s32 $0x6780;
	v0 =	vld [tilespmem:$0x18200]  }
0x330: {  	v3 =	vld [tilespmem:s31+$0x0]  }
0x331: {  	v5 =	vld [tilespmem:s31+$0xFFFFFD00]  }
0x332: {  	v7 =	vld [tilespmem:s31+$0xFFFFFD80]  }
0x333: {  	v4 =	vld [tilespmem:s31+$0xFFFFFE00]  }
0x334: {  	v2 =	vld [tilespmem:s31+$0xFFFFFE80]  }
0x335: {  	v1 =	vld [tilespmem:s31+$0xFFFFFF00];
	v8 =	vmul.f32 v3, v0  }
0x336: {  	s29 =	simm.s32 $0x12780;
	v3 =	vld [tilespmem:s31+$0xFFFFFF80];
	v6 =	vmul.f32 v5, v0  }
0x337: {  	s30 =	simm.s32 $0x0;
	v5 =	vld [tilespmem:s31+$0xFFFFFC80];
	v7 =	vmul.f32 v7, v0;
	s31 =	simm.s32 $0x7380;
	[tilespmem:s29+$0x0] =	vst v8  }
.LBB2_67:
0x338: {  	v8 =	vld [tilespmem:s31+$0x0];
	s30 =	sadd.s32 $0x8, s30;
	[tilespmem:s29+$0xFFFFFD00] =	vst v6;
	v4 =	vmul.f32 v4, v0  }
0x339: {  	v6 =	vld [tilespmem:s31+$0xFFFFFD00];
	p1 =	slt.u32 s30, $0x38;
	[tilespmem:s29+$0xFFFFFD80] =	vst v7;
	v2 =	vmul.f32 v2, v0  }
0x33a: {  	v7 =	vld [tilespmem:s31+$0xFFFFFD80];
	[tilespmem:s29+$0xFFFFFE00] =	vst v4;
	v1 =	vmul.f32 v1, v0  }
.Ltmp34:
0x33b: {  	v4 =	vld [tilespmem:s31+$0xFFFFFE00];
	[tilespmem:s29+$0xFFFFFE80] =	vst v2;
	v3 =	vmul.f32 v3, v0;
	(pc) =	sbr.rel @p1 .LBB2_67-.Ltmp34, $4  }
0x33c: {  	v2 =	vld [tilespmem:s31+$0xFFFFFE80];
	v5 =	vmul.f32 v5, v0;
	[tilespmem:s29+$0xFFFFFF00] =	vst v1  }
0x33d: {  	v1 =	vld [tilespmem:s31+$0xFFFFFF00];
	v8 =	vmul.f32 v8, v0;
	[tilespmem:s29+$0xFFFFFF80] =	vst v3  }
0x33e: {  	v6 =	vmul.f32 v6, v0;
	v3 =	vld [tilespmem:s31+$0xFFFFFF80];
	[tilespmem:s29+$0xFFFFFC80] =	vst v5;
	s29 =	sadd.s32 $0xC00, s29  }
0x33f: {  	v5 =	vld [tilespmem:s31+$0xFFFFFC80];
	v7 =	vmul.f32 v7, v0;
	[tilespmem:s29+$0x0] =	vst v8;
	s31 =	sadd.s32 $0xC00, s31  }
0x340: {  	[tilespmem:s29+$0xFFFFFD00] =	vst v6;
	v4 =	vmul.f32 v4, v0  }
0x341: {  	[tilespmem:s29+$0xFFFFFD80] =	vst v7;
	v2 =	vmul.f32 v2, v0  }
0x342: {  	[tilespmem:s29+$0xFFFFFE00] =	vst v4;
	v1 =	vmul.f32 v1, v0  }
0x343: {  	[tilespmem:s29+$0xFFFFFE80] =	vst v2;
	v2 =	vmul.f32 v3, v0  }
0x344: {  	v0 =	vmul.f32 v5, v0;
	[tilespmem:s29+$0xFFFFFF00] =	vst v1  }
0x345: {  	[tilespmem:s29+$0xFFFFFF80] =	vst v2  }
0x346: {  	[tilespmem:s29+$0xFFFFFC80] =	vst v0  }
0x347: {  	s31 =	simm.s32 $0x6790;
	v0 =	vld [tilespmem:$0x18210]  }
0x348: {  	v3 =	vld [tilespmem:s31+$0x0]  }
0x349: {  	v5 =	vld [tilespmem:s31+$0xFFFFFD00]  }
0x34a: {  	v7 =	vld [tilespmem:s31+$0xFFFFFD80]  }
0x34b: {  	v4 =	vld [tilespmem:s31+$0xFFFFFE00]  }
0x34c: {  	v2 =	vld [tilespmem:s31+$0xFFFFFE80]  }
0x34d: {  	v1 =	vld [tilespmem:s31+$0xFFFFFF00];
	v8 =	vmul.f32 v3, v0  }
0x34e: {  	s29 =	simm.s32 $0x12790;
	v3 =	vld [tilespmem:s31+$0xFFFFFF80];
	v6 =	vmul.f32 v5, v0  }
0x34f: {  	s30 =	simm.s32 $0x0;
	v5 =	vld [tilespmem:s31+$0xFFFFFC80];
	v7 =	vmul.f32 v7, v0;
	s31 =	simm.s32 $0x7390;
	[tilespmem:s29+$0x0] =	vst v8  }
.LBB2_69:
0x350: {  	v8 =	vld [tilespmem:s31+$0x0];
	s30 =	sadd.s32 $0x8, s30;
	[tilespmem:s29+$0xFFFFFD00] =	vst v6;
	v4 =	vmul.f32 v4, v0  }
0x351: {  	v6 =	vld [tilespmem:s31+$0xFFFFFD00];
	p1 =	slt.u32 s30, $0x38;
	[tilespmem:s29+$0xFFFFFD80] =	vst v7;
	v2 =	vmul.f32 v2, v0  }
0x352: {  	v7 =	vld [tilespmem:s31+$0xFFFFFD80];
	[tilespmem:s29+$0xFFFFFE00] =	vst v4;
	v1 =	vmul.f32 v1, v0  }
.Ltmp35:
0x353: {  	v4 =	vld [tilespmem:s31+$0xFFFFFE00];
	[tilespmem:s29+$0xFFFFFE80] =	vst v2;
	v3 =	vmul.f32 v3, v0;
	(pc) =	sbr.rel @p1 .LBB2_69-.Ltmp35, $4  }
0x354: {  	v2 =	vld [tilespmem:s31+$0xFFFFFE80];
	v5 =	vmul.f32 v5, v0;
	[tilespmem:s29+$0xFFFFFF00] =	vst v1  }
0x355: {  	v1 =	vld [tilespmem:s31+$0xFFFFFF00];
	v8 =	vmul.f32 v8, v0;
	[tilespmem:s29+$0xFFFFFF80] =	vst v3  }
0x356: {  	v6 =	vmul.f32 v6, v0;
	v3 =	vld [tilespmem:s31+$0xFFFFFF80];
	[tilespmem:s29+$0xFFFFFC80] =	vst v5;
	s29 =	sadd.s32 $0xC00, s29  }
0x357: {  	v5 =	vld [tilespmem:s31+$0xFFFFFC80];
	v7 =	vmul.f32 v7, v0;
	[tilespmem:s29+$0x0] =	vst v8;
	s31 =	sadd.s32 $0xC00, s31  }
0x358: {  	[tilespmem:s29+$0xFFFFFD00] =	vst v6;
	v4 =	vmul.f32 v4, v0  }
0x359: {  	[tilespmem:s29+$0xFFFFFD80] =	vst v7;
	v2 =	vmul.f32 v2, v0  }
0x35a: {  	[tilespmem:s29+$0xFFFFFE00] =	vst v4;
	v1 =	vmul.f32 v1, v0  }
0x35b: {  	[tilespmem:s29+$0xFFFFFE80] =	vst v2;
	v2 =	vmul.f32 v3, v0  }
0x35c: {  	v0 =	vmul.f32 v5, v0;
	[tilespmem:s29+$0xFFFFFF00] =	vst v1  }
0x35d: {  	[tilespmem:s29+$0xFFFFFF80] =	vst v2  }
0x35e: {  	[tilespmem:s29+$0xFFFFFC80] =	vst v0  }
0x35f: {  	s31 =	simm.s32 $0x67A0;
	v0 =	vld [tilespmem:$0x18220]  }
0x360: {  	v3 =	vld [tilespmem:s31+$0x0]  }
0x361: {  	v5 =	vld [tilespmem:s31+$0xFFFFFD00]  }
0x362: {  	v7 =	vld [tilespmem:s31+$0xFFFFFD80]  }
0x363: {  	v4 =	vld [tilespmem:s31+$0xFFFFFE00]  }
0x364: {  	v2 =	vld [tilespmem:s31+$0xFFFFFE80]  }
0x365: {  	v1 =	vld [tilespmem:s31+$0xFFFFFF00];
	v8 =	vmul.f32 v3, v0  }
0x366: {  	s29 =	simm.s32 $0x127A0;
	v3 =	vld [tilespmem:s31+$0xFFFFFF80];
	v6 =	vmul.f32 v5, v0  }
0x367: {  	s30 =	simm.s32 $0x0;
	v5 =	vld [tilespmem:s31+$0xFFFFFC80];
	v7 =	vmul.f32 v7, v0;
	s31 =	simm.s32 $0x73A0;
	[tilespmem:s29+$0x0] =	vst v8  }
.LBB2_71:
0x368: {  	v8 =	vld [tilespmem:s31+$0x0];
	s30 =	sadd.s32 $0x8, s30;
	[tilespmem:s29+$0xFFFFFD00] =	vst v6;
	v4 =	vmul.f32 v4, v0  }
0x369: {  	v6 =	vld [tilespmem:s31+$0xFFFFFD00];
	p1 =	slt.u32 s30, $0x38;
	[tilespmem:s29+$0xFFFFFD80] =	vst v7;
	v2 =	vmul.f32 v2, v0  }
0x36a: {  	v7 =	vld [tilespmem:s31+$0xFFFFFD80];
	[tilespmem:s29+$0xFFFFFE00] =	vst v4;
	v1 =	vmul.f32 v1, v0  }
.Ltmp36:
0x36b: {  	v4 =	vld [tilespmem:s31+$0xFFFFFE00];
	[tilespmem:s29+$0xFFFFFE80] =	vst v2;
	v3 =	vmul.f32 v3, v0;
	(pc) =	sbr.rel @p1 .LBB2_71-.Ltmp36, $4  }
0x36c: {  	v2 =	vld [tilespmem:s31+$0xFFFFFE80];
	v5 =	vmul.f32 v5, v0;
	[tilespmem:s29+$0xFFFFFF00] =	vst v1  }
0x36d: {  	v1 =	vld [tilespmem:s31+$0xFFFFFF00];
	v8 =	vmul.f32 v8, v0;
	[tilespmem:s29+$0xFFFFFF80] =	vst v3  }
0x36e: {  	v6 =	vmul.f32 v6, v0;
	v3 =	vld [tilespmem:s31+$0xFFFFFF80];
	[tilespmem:s29+$0xFFFFFC80] =	vst v5;
	s29 =	sadd.s32 $0xC00, s29  }
0x36f: {  	v5 =	vld [tilespmem:s31+$0xFFFFFC80];
	v7 =	vmul.f32 v7, v0;
	[tilespmem:s29+$0x0] =	vst v8;
	s31 =	sadd.s32 $0xC00, s31  }
0x370: {  	[tilespmem:s29+$0xFFFFFD00] =	vst v6;
	v4 =	vmul.f32 v4, v0  }
0x371: {  	[tilespmem:s29+$0xFFFFFD80] =	vst v7;
	v2 =	vmul.f32 v2, v0  }
0x372: {  	[tilespmem:s29+$0xFFFFFE00] =	vst v4;
	v1 =	vmul.f32 v1, v0  }
0x373: {  	[tilespmem:s29+$0xFFFFFE80] =	vst v2;
	v2 =	vmul.f32 v3, v0  }
0x374: {  	v0 =	vmul.f32 v5, v0;
	[tilespmem:s29+$0xFFFFFF00] =	vst v1  }
0x375: {  	[tilespmem:s29+$0xFFFFFF80] =	vst v2  }
0x376: {  	[tilespmem:s29+$0xFFFFFC80] =	vst v0  }
0x377: {  	s31 =	simm.s32 $0x67B0;
	v0 =	vld [tilespmem:$0x18230]  }
0x378: {  	v3 =	vld [tilespmem:s31+$0x0]  }
0x379: {  	v5 =	vld [tilespmem:s31+$0xFFFFFD00]  }
0x37a: {  	v7 =	vld [tilespmem:s31+$0xFFFFFD80]  }
0x37b: {  	v4 =	vld [tilespmem:s31+$0xFFFFFE00]  }
0x37c: {  	v2 =	vld [tilespmem:s31+$0xFFFFFE80]  }
0x37d: {  	v1 =	vld [tilespmem:s31+$0xFFFFFF00];
	v8 =	vmul.f32 v3, v0  }
0x37e: {  	s29 =	simm.s32 $0x127B0;
	v3 =	vld [tilespmem:s31+$0xFFFFFF80];
	v6 =	vmul.f32 v5, v0  }
0x37f: {  	s30 =	simm.s32 $0x0;
	v5 =	vld [tilespmem:s31+$0xFFFFFC80];
	v7 =	vmul.f32 v7, v0;
	s31 =	simm.s32 $0x73B0;
	[tilespmem:s29+$0x0] =	vst v8  }
.LBB2_73:
0x380: {  	v8 =	vld [tilespmem:s31+$0x0];
	s30 =	sadd.s32 $0x8, s30;
	[tilespmem:s29+$0xFFFFFD00] =	vst v6;
	v4 =	vmul.f32 v4, v0  }
0x381: {  	v6 =	vld [tilespmem:s31+$0xFFFFFD00];
	p1 =	slt.u32 s30, $0x38;
	[tilespmem:s29+$0xFFFFFD80] =	vst v7;
	v2 =	vmul.f32 v2, v0  }
0x382: {  	v7 =	vld [tilespmem:s31+$0xFFFFFD80];
	[tilespmem:s29+$0xFFFFFE00] =	vst v4;
	v1 =	vmul.f32 v1, v0  }
.Ltmp37:
0x383: {  	v4 =	vld [tilespmem:s31+$0xFFFFFE00];
	[tilespmem:s29+$0xFFFFFE80] =	vst v2;
	v3 =	vmul.f32 v3, v0;
	(pc) =	sbr.rel @p1 .LBB2_73-.Ltmp37, $4  }
0x384: {  	v2 =	vld [tilespmem:s31+$0xFFFFFE80];
	v5 =	vmul.f32 v5, v0;
	[tilespmem:s29+$0xFFFFFF00] =	vst v1  }
0x385: {  	v1 =	vld [tilespmem:s31+$0xFFFFFF00];
	v8 =	vmul.f32 v8, v0;
	[tilespmem:s29+$0xFFFFFF80] =	vst v3  }
0x386: {  	v6 =	vmul.f32 v6, v0;
	v3 =	vld [tilespmem:s31+$0xFFFFFF80];
	[tilespmem:s29+$0xFFFFFC80] =	vst v5;
	s29 =	sadd.s32 $0xC00, s29  }
0x387: {  	v5 =	vld [tilespmem:s31+$0xFFFFFC80];
	v7 =	vmul.f32 v7, v0;
	[tilespmem:s29+$0x0] =	vst v8;
	s31 =	sadd.s32 $0xC00, s31  }
0x388: {  	[tilespmem:s29+$0xFFFFFD00] =	vst v6;
	v4 =	vmul.f32 v4, v0  }
0x389: {  	[tilespmem:s29+$0xFFFFFD80] =	vst v7;
	v2 =	vmul.f32 v2, v0  }
0x38a: {  	[tilespmem:s29+$0xFFFFFE00] =	vst v4;
	v1 =	vmul.f32 v1, v0  }
0x38b: {  	[tilespmem:s29+$0xFFFFFE80] =	vst v2;
	v2 =	vmul.f32 v3, v0  }
0x38c: {  	v0 =	vmul.f32 v5, v0;
	[tilespmem:s29+$0xFFFFFF00] =	vst v1  }
0x38d: {  	[tilespmem:s29+$0xFFFFFF80] =	vst v2  }
0x38e: {  	[tilespmem:s29+$0xFFFFFC80] =	vst v0  }
0x38f: {  	s31 =	simm.s32 $0x67C0;
	v0 =	vld [tilespmem:$0x18240]  }
0x390: {  	v3 =	vld [tilespmem:s31+$0x0]  }
0x391: {  	v5 =	vld [tilespmem:s31+$0xFFFFFD00]  }
0x392: {  	v7 =	vld [tilespmem:s31+$0xFFFFFD80]  }
0x393: {  	v4 =	vld [tilespmem:s31+$0xFFFFFE00]  }
0x394: {  	v2 =	vld [tilespmem:s31+$0xFFFFFE80]  }
0x395: {  	v1 =	vld [tilespmem:s31+$0xFFFFFF00];
	v8 =	vmul.f32 v3, v0  }
0x396: {  	s29 =	simm.s32 $0x127C0;
	v3 =	vld [tilespmem:s31+$0xFFFFFF80];
	v6 =	vmul.f32 v5, v0  }
0x397: {  	s30 =	simm.s32 $0x0;
	v5 =	vld [tilespmem:s31+$0xFFFFFC80];
	v7 =	vmul.f32 v7, v0;
	s31 =	simm.s32 $0x73C0;
	[tilespmem:s29+$0x0] =	vst v8  }
.LBB2_75:
0x398: {  	v8 =	vld [tilespmem:s31+$0x0];
	s30 =	sadd.s32 $0x8, s30;
	[tilespmem:s29+$0xFFFFFD00] =	vst v6;
	v4 =	vmul.f32 v4, v0  }
0x399: {  	v6 =	vld [tilespmem:s31+$0xFFFFFD00];
	p1 =	slt.u32 s30, $0x38;
	[tilespmem:s29+$0xFFFFFD80] =	vst v7;
	v2 =	vmul.f32 v2, v0  }
0x39a: {  	v7 =	vld [tilespmem:s31+$0xFFFFFD80];
	[tilespmem:s29+$0xFFFFFE00] =	vst v4;
	v1 =	vmul.f32 v1, v0  }
.Ltmp38:
0x39b: {  	v4 =	vld [tilespmem:s31+$0xFFFFFE00];
	[tilespmem:s29+$0xFFFFFE80] =	vst v2;
	v3 =	vmul.f32 v3, v0;
	(pc) =	sbr.rel @p1 .LBB2_75-.Ltmp38, $4  }
0x39c: {  	v2 =	vld [tilespmem:s31+$0xFFFFFE80];
	v5 =	vmul.f32 v5, v0;
	[tilespmem:s29+$0xFFFFFF00] =	vst v1  }
0x39d: {  	v1 =	vld [tilespmem:s31+$0xFFFFFF00];
	v8 =	vmul.f32 v8, v0;
	[tilespmem:s29+$0xFFFFFF80] =	vst v3  }
0x39e: {  	v6 =	vmul.f32 v6, v0;
	v3 =	vld [tilespmem:s31+$0xFFFFFF80];
	[tilespmem:s29+$0xFFFFFC80] =	vst v5;
	s29 =	sadd.s32 $0xC00, s29  }
0x39f: {  	v5 =	vld [tilespmem:s31+$0xFFFFFC80];
	v7 =	vmul.f32 v7, v0;
	[tilespmem:s29+$0x0] =	vst v8;
	s31 =	sadd.s32 $0xC00, s31  }
0x3a0: {  	[tilespmem:s29+$0xFFFFFD00] =	vst v6;
	v4 =	vmul.f32 v4, v0  }
0x3a1: {  	[tilespmem:s29+$0xFFFFFD80] =	vst v7;
	v2 =	vmul.f32 v2, v0  }
0x3a2: {  	[tilespmem:s29+$0xFFFFFE00] =	vst v4;
	v1 =	vmul.f32 v1, v0  }
0x3a3: {  	[tilespmem:s29+$0xFFFFFE80] =	vst v2;
	v2 =	vmul.f32 v3, v0  }
0x3a4: {  	v0 =	vmul.f32 v5, v0;
	[tilespmem:s29+$0xFFFFFF00] =	vst v1  }
0x3a5: {  	[tilespmem:s29+$0xFFFFFF80] =	vst v2  }
0x3a6: {  	[tilespmem:s29+$0xFFFFFC80] =	vst v0  }
0x3a7: {  	s31 =	simm.s32 $0x67D0;
	v0 =	vld [tilespmem:$0x18250]  }
0x3a8: {  	v3 =	vld [tilespmem:s31+$0x0]  }
0x3a9: {  	v5 =	vld [tilespmem:s31+$0xFFFFFD00]  }
0x3aa: {  	v7 =	vld [tilespmem:s31+$0xFFFFFD80]  }
0x3ab: {  	v4 =	vld [tilespmem:s31+$0xFFFFFE00]  }
0x3ac: {  	v2 =	vld [tilespmem:s31+$0xFFFFFE80]  }
0x3ad: {  	v1 =	vld [tilespmem:s31+$0xFFFFFF00];
	v8 =	vmul.f32 v3, v0  }
0x3ae: {  	s29 =	simm.s32 $0x127D0;
	v3 =	vld [tilespmem:s31+$0xFFFFFF80];
	v6 =	vmul.f32 v5, v0  }
0x3af: {  	s30 =	simm.s32 $0x0;
	v5 =	vld [tilespmem:s31+$0xFFFFFC80];
	v7 =	vmul.f32 v7, v0;
	s31 =	simm.s32 $0x73D0;
	[tilespmem:s29+$0x0] =	vst v8  }
.LBB2_77:
0x3b0: {  	v8 =	vld [tilespmem:s31+$0x0];
	s30 =	sadd.s32 $0x8, s30;
	[tilespmem:s29+$0xFFFFFD00] =	vst v6;
	v4 =	vmul.f32 v4, v0  }
0x3b1: {  	v6 =	vld [tilespmem:s31+$0xFFFFFD00];
	p1 =	slt.u32 s30, $0x38;
	[tilespmem:s29+$0xFFFFFD80] =	vst v7;
	v2 =	vmul.f32 v2, v0  }
0x3b2: {  	v7 =	vld [tilespmem:s31+$0xFFFFFD80];
	[tilespmem:s29+$0xFFFFFE00] =	vst v4;
	v1 =	vmul.f32 v1, v0  }
.Ltmp39:
0x3b3: {  	v4 =	vld [tilespmem:s31+$0xFFFFFE00];
	[tilespmem:s29+$0xFFFFFE80] =	vst v2;
	v3 =	vmul.f32 v3, v0;
	(pc) =	sbr.rel @p1 .LBB2_77-.Ltmp39, $4  }
0x3b4: {  	v2 =	vld [tilespmem:s31+$0xFFFFFE80];
	v5 =	vmul.f32 v5, v0;
	[tilespmem:s29+$0xFFFFFF00] =	vst v1  }
0x3b5: {  	v1 =	vld [tilespmem:s31+$0xFFFFFF00];
	v8 =	vmul.f32 v8, v0;
	[tilespmem:s29+$0xFFFFFF80] =	vst v3  }
0x3b6: {  	v6 =	vmul.f32 v6, v0;
	v3 =	vld [tilespmem:s31+$0xFFFFFF80];
	[tilespmem:s29+$0xFFFFFC80] =	vst v5;
	s29 =	sadd.s32 $0xC00, s29  }
0x3b7: {  	v5 =	vld [tilespmem:s31+$0xFFFFFC80];
	v7 =	vmul.f32 v7, v0;
	[tilespmem:s29+$0x0] =	vst v8;
	s31 =	sadd.s32 $0xC00, s31  }
0x3b8: {  	[tilespmem:s29+$0xFFFFFD00] =	vst v6;
	v4 =	vmul.f32 v4, v0  }
0x3b9: {  	[tilespmem:s29+$0xFFFFFD80] =	vst v7;
	v2 =	vmul.f32 v2, v0  }
0x3ba: {  	[tilespmem:s29+$0xFFFFFE00] =	vst v4;
	v1 =	vmul.f32 v1, v0  }
0x3bb: {  	[tilespmem:s29+$0xFFFFFE80] =	vst v2;
	v2 =	vmul.f32 v3, v0  }
0x3bc: {  	v0 =	vmul.f32 v5, v0;
	[tilespmem:s29+$0xFFFFFF00] =	vst v1  }
0x3bd: {  	[tilespmem:s29+$0xFFFFFF80] =	vst v2  }
0x3be: {  	[tilespmem:s29+$0xFFFFFC80] =	vst v0  }
0x3bf: {  	s31 =	simm.s32 $0x67E0;
	v0 =	vld [tilespmem:$0x18260]  }
0x3c0: {  	v3 =	vld [tilespmem:s31+$0x0]  }
0x3c1: {  	v5 =	vld [tilespmem:s31+$0xFFFFFD00]  }
0x3c2: {  	v7 =	vld [tilespmem:s31+$0xFFFFFD80]  }
0x3c3: {  	v4 =	vld [tilespmem:s31+$0xFFFFFE00]  }
0x3c4: {  	v2 =	vld [tilespmem:s31+$0xFFFFFE80]  }
0x3c5: {  	v1 =	vld [tilespmem:s31+$0xFFFFFF00];
	v8 =	vmul.f32 v3, v0  }
0x3c6: {  	s29 =	simm.s32 $0x127E0;
	v3 =	vld [tilespmem:s31+$0xFFFFFF80];
	v6 =	vmul.f32 v5, v0  }
0x3c7: {  	s30 =	simm.s32 $0x0;
	v5 =	vld [tilespmem:s31+$0xFFFFFC80];
	v7 =	vmul.f32 v7, v0;
	s31 =	simm.s32 $0x73E0;
	[tilespmem:s29+$0x0] =	vst v8  }
.LBB2_79:
0x3c8: {  	v8 =	vld [tilespmem:s31+$0x0];
	s30 =	sadd.s32 $0x8, s30;
	[tilespmem:s29+$0xFFFFFD00] =	vst v6;
	v4 =	vmul.f32 v4, v0  }
0x3c9: {  	v6 =	vld [tilespmem:s31+$0xFFFFFD00];
	p1 =	slt.u32 s30, $0x38;
	[tilespmem:s29+$0xFFFFFD80] =	vst v7;
	v2 =	vmul.f32 v2, v0  }
0x3ca: {  	v7 =	vld [tilespmem:s31+$0xFFFFFD80];
	[tilespmem:s29+$0xFFFFFE00] =	vst v4;
	v1 =	vmul.f32 v1, v0  }
.Ltmp40:
0x3cb: {  	v4 =	vld [tilespmem:s31+$0xFFFFFE00];
	[tilespmem:s29+$0xFFFFFE80] =	vst v2;
	v3 =	vmul.f32 v3, v0;
	(pc) =	sbr.rel @p1 .LBB2_79-.Ltmp40, $4  }
0x3cc: {  	v2 =	vld [tilespmem:s31+$0xFFFFFE80];
	v5 =	vmul.f32 v5, v0;
	[tilespmem:s29+$0xFFFFFF00] =	vst v1  }
0x3cd: {  	v1 =	vld [tilespmem:s31+$0xFFFFFF00];
	v8 =	vmul.f32 v8, v0;
	[tilespmem:s29+$0xFFFFFF80] =	vst v3  }
0x3ce: {  	v6 =	vmul.f32 v6, v0;
	v3 =	vld [tilespmem:s31+$0xFFFFFF80];
	[tilespmem:s29+$0xFFFFFC80] =	vst v5;
	s29 =	sadd.s32 $0xC00, s29  }
0x3cf: {  	v5 =	vld [tilespmem:s31+$0xFFFFFC80];
	v7 =	vmul.f32 v7, v0;
	[tilespmem:s29+$0x0] =	vst v8;
	s31 =	sadd.s32 $0xC00, s31  }
0x3d0: {  	[tilespmem:s29+$0xFFFFFD00] =	vst v6;
	v4 =	vmul.f32 v4, v0  }
0x3d1: {  	[tilespmem:s29+$0xFFFFFD80] =	vst v7;
	v2 =	vmul.f32 v2, v0  }
0x3d2: {  	[tilespmem:s29+$0xFFFFFE00] =	vst v4;
	v1 =	vmul.f32 v1, v0  }
0x3d3: {  	[tilespmem:s29+$0xFFFFFE80] =	vst v2;
	v2 =	vmul.f32 v3, v0  }
0x3d4: {  	v0 =	vmul.f32 v5, v0;
	[tilespmem:s29+$0xFFFFFF00] =	vst v1  }
0x3d5: {  	[tilespmem:s29+$0xFFFFFF80] =	vst v2  }
0x3d6: {  	[tilespmem:s29+$0xFFFFFC80] =	vst v0  }
0x3d7: {  	s31 =	simm.s32 $0x67F0;
	v0 =	vld [tilespmem:$0x18270]  }
0x3d8: {  	v3 =	vld [tilespmem:s31+$0x0]  }
0x3d9: {  	v5 =	vld [tilespmem:s31+$0xFFFFFD00]  }
0x3da: {  	v7 =	vld [tilespmem:s31+$0xFFFFFD80]  }
0x3db: {  	v4 =	vld [tilespmem:s31+$0xFFFFFE00]  }
0x3dc: {  	v2 =	vld [tilespmem:s31+$0xFFFFFE80]  }
0x3dd: {  	v1 =	vld [tilespmem:s31+$0xFFFFFF00];
	v8 =	vmul.f32 v3, v0  }
0x3de: {  	s29 =	simm.s32 $0x127F0;
	v3 =	vld [tilespmem:s31+$0xFFFFFF80];
	v6 =	vmul.f32 v5, v0  }
0x3df: {  	s30 =	simm.s32 $0x0;
	v5 =	vld [tilespmem:s31+$0xFFFFFC80];
	v7 =	vmul.f32 v7, v0;
	s31 =	simm.s32 $0x73F0;
	[tilespmem:s29+$0x0] =	vst v8  }
.LBB2_81:
0x3e0: {  	v8 =	vld [tilespmem:s31+$0x0];
	s30 =	sadd.s32 $0x8, s30;
	[tilespmem:s29+$0xFFFFFD00] =	vst v6;
	v4 =	vmul.f32 v4, v0  }
0x3e1: {  	v6 =	vld [tilespmem:s31+$0xFFFFFD00];
	p1 =	slt.u32 s30, $0x38;
	[tilespmem:s29+$0xFFFFFD80] =	vst v7;
	v2 =	vmul.f32 v2, v0  }
0x3e2: {  	v7 =	vld [tilespmem:s31+$0xFFFFFD80];
	[tilespmem:s29+$0xFFFFFE00] =	vst v4;
	v1 =	vmul.f32 v1, v0  }
.Ltmp41:
0x3e3: {  	v4 =	vld [tilespmem:s31+$0xFFFFFE00];
	[tilespmem:s29+$0xFFFFFE80] =	vst v2;
	v3 =	vmul.f32 v3, v0;
	(pc) =	sbr.rel @p1 .LBB2_81-.Ltmp41, $4  }
0x3e4: {  	v2 =	vld [tilespmem:s31+$0xFFFFFE80];
	v5 =	vmul.f32 v5, v0;
	[tilespmem:s29+$0xFFFFFF00] =	vst v1  }
0x3e5: {  	v1 =	vld [tilespmem:s31+$0xFFFFFF00];
	v8 =	vmul.f32 v8, v0;
	[tilespmem:s29+$0xFFFFFF80] =	vst v3  }
0x3e6: {  	v6 =	vmul.f32 v6, v0;
	v3 =	vld [tilespmem:s31+$0xFFFFFF80];
	[tilespmem:s29+$0xFFFFFC80] =	vst v5;
	s29 =	sadd.s32 $0xC00, s29  }
0x3e7: {  	v5 =	vld [tilespmem:s31+$0xFFFFFC80];
	v7 =	vmul.f32 v7, v0;
	[tilespmem:s29+$0x0] =	vst v8;
	s31 =	sadd.s32 $0xC00, s31  }
0x3e8: {  	[tilespmem:s29+$0xFFFFFD00] =	vst v6;
	v4 =	vmul.f32 v4, v0  }
0x3e9: {  	[tilespmem:s29+$0xFFFFFD80] =	vst v7;
	v2 =	vmul.f32 v2, v0  }
0x3ea: {  	[tilespmem:s29+$0xFFFFFE00] =	vst v4;
	v1 =	vmul.f32 v1, v0  }
0x3eb: {  	[tilespmem:s29+$0xFFFFFE80] =	vst v2;
	v2 =	vmul.f32 v3, v0  }
0x3ec: {  	v0 =	vmul.f32 v5, v0;
	[tilespmem:s29+$0xFFFFFF00] =	vst v1  }
0x3ed: {  	[tilespmem:s29+$0xFFFFFF80] =	vst v2  }
0x3ee: {  	[tilespmem:s29+$0xFFFFFC80] =	vst v0  }
0x3ef: {  	s31 =	simm.s32 $0x6B80;
	v0 =	vld [tilespmem:$0x18280]  }
0x3f0: {  	v3 =	vld [tilespmem:s31+$0x0]  }
0x3f1: {  	v5 =	vld [tilespmem:s31+$0xFFFFFD00]  }
0x3f2: {  	v7 =	vld [tilespmem:s31+$0xFFFFFD80]  }
0x3f3: {  	v4 =	vld [tilespmem:s31+$0xFFFFFE00]  }
0x3f4: {  	v2 =	vld [tilespmem:s31+$0xFFFFFE80]  }
0x3f5: {  	v1 =	vld [tilespmem:s31+$0xFFFFFF00];
	v8 =	vmul.f32 v3, v0  }
0x3f6: {  	s29 =	simm.s32 $0x12B80;
	v3 =	vld [tilespmem:s31+$0xFFFFFF80];
	v6 =	vmul.f32 v5, v0  }
0x3f7: {  	s30 =	simm.s32 $0x0;
	v5 =	vld [tilespmem:s31+$0xFFFFFC80];
	v7 =	vmul.f32 v7, v0;
	s31 =	simm.s32 $0x7780;
	[tilespmem:s29+$0x0] =	vst v8  }
.LBB2_83:
0x3f8: {  	v8 =	vld [tilespmem:s31+$0x0];
	s30 =	sadd.s32 $0x8, s30;
	[tilespmem:s29+$0xFFFFFD00] =	vst v6;
	v4 =	vmul.f32 v4, v0  }
0x3f9: {  	v6 =	vld [tilespmem:s31+$0xFFFFFD00];
	p1 =	slt.u32 s30, $0x38;
	[tilespmem:s29+$0xFFFFFD80] =	vst v7;
	v2 =	vmul.f32 v2, v0  }
0x3fa: {  	v7 =	vld [tilespmem:s31+$0xFFFFFD80];
	[tilespmem:s29+$0xFFFFFE00] =	vst v4;
	v1 =	vmul.f32 v1, v0  }
.Ltmp42:
0x3fb: {  	v4 =	vld [tilespmem:s31+$0xFFFFFE00];
	[tilespmem:s29+$0xFFFFFE80] =	vst v2;
	v3 =	vmul.f32 v3, v0;
	(pc) =	sbr.rel @p1 .LBB2_83-.Ltmp42, $4  }
0x3fc: {  	v2 =	vld [tilespmem:s31+$0xFFFFFE80];
	v5 =	vmul.f32 v5, v0;
	[tilespmem:s29+$0xFFFFFF00] =	vst v1  }
0x3fd: {  	v1 =	vld [tilespmem:s31+$0xFFFFFF00];
	v8 =	vmul.f32 v8, v0;
	[tilespmem:s29+$0xFFFFFF80] =	vst v3  }
0x3fe: {  	v6 =	vmul.f32 v6, v0;
	v3 =	vld [tilespmem:s31+$0xFFFFFF80];
	[tilespmem:s29+$0xFFFFFC80] =	vst v5;
	s29 =	sadd.s32 $0xC00, s29  }
0x3ff: {  	v5 =	vld [tilespmem:s31+$0xFFFFFC80];
	v7 =	vmul.f32 v7, v0;
	[tilespmem:s29+$0x0] =	vst v8;
	s31 =	sadd.s32 $0xC00, s31  }
0x400: {  	[tilespmem:s29+$0xFFFFFD00] =	vst v6;
	v4 =	vmul.f32 v4, v0  }
0x401: {  	[tilespmem:s29+$0xFFFFFD80] =	vst v7;
	v2 =	vmul.f32 v2, v0  }
0x402: {  	[tilespmem:s29+$0xFFFFFE00] =	vst v4;
	v1 =	vmul.f32 v1, v0  }
0x403: {  	[tilespmem:s29+$0xFFFFFE80] =	vst v2;
	v2 =	vmul.f32 v3, v0  }
0x404: {  	v0 =	vmul.f32 v5, v0;
	[tilespmem:s29+$0xFFFFFF00] =	vst v1  }
0x405: {  	[tilespmem:s29+$0xFFFFFF80] =	vst v2  }
0x406: {  	[tilespmem:s29+$0xFFFFFC80] =	vst v0  }
0x407: {  	s31 =	simm.s32 $0x6B90;
	v0 =	vld [tilespmem:$0x18290]  }
0x408: {  	v3 =	vld [tilespmem:s31+$0x0]  }
0x409: {  	v5 =	vld [tilespmem:s31+$0xFFFFFD00]  }
0x40a: {  	v7 =	vld [tilespmem:s31+$0xFFFFFD80]  }
0x40b: {  	v4 =	vld [tilespmem:s31+$0xFFFFFE00]  }
0x40c: {  	v2 =	vld [tilespmem:s31+$0xFFFFFE80]  }
0x40d: {  	v1 =	vld [tilespmem:s31+$0xFFFFFF00];
	v8 =	vmul.f32 v3, v0  }
0x40e: {  	s29 =	simm.s32 $0x12B90;
	v3 =	vld [tilespmem:s31+$0xFFFFFF80];
	v6 =	vmul.f32 v5, v0  }
0x40f: {  	s30 =	simm.s32 $0x0;
	v5 =	vld [tilespmem:s31+$0xFFFFFC80];
	v7 =	vmul.f32 v7, v0;
	s31 =	simm.s32 $0x7790;
	[tilespmem:s29+$0x0] =	vst v8  }
.LBB2_85:
0x410: {  	v8 =	vld [tilespmem:s31+$0x0];
	s30 =	sadd.s32 $0x8, s30;
	[tilespmem:s29+$0xFFFFFD00] =	vst v6;
	v4 =	vmul.f32 v4, v0  }
0x411: {  	v6 =	vld [tilespmem:s31+$0xFFFFFD00];
	p1 =	slt.u32 s30, $0x38;
	[tilespmem:s29+$0xFFFFFD80] =	vst v7;
	v2 =	vmul.f32 v2, v0  }
0x412: {  	v7 =	vld [tilespmem:s31+$0xFFFFFD80];
	[tilespmem:s29+$0xFFFFFE00] =	vst v4;
	v1 =	vmul.f32 v1, v0  }
.Ltmp43:
0x413: {  	v4 =	vld [tilespmem:s31+$0xFFFFFE00];
	[tilespmem:s29+$0xFFFFFE80] =	vst v2;
	v3 =	vmul.f32 v3, v0;
	(pc) =	sbr.rel @p1 .LBB2_85-.Ltmp43, $4  }
0x414: {  	v2 =	vld [tilespmem:s31+$0xFFFFFE80];
	v5 =	vmul.f32 v5, v0;
	[tilespmem:s29+$0xFFFFFF00] =	vst v1  }
0x415: {  	v1 =	vld [tilespmem:s31+$0xFFFFFF00];
	v8 =	vmul.f32 v8, v0;
	[tilespmem:s29+$0xFFFFFF80] =	vst v3  }
0x416: {  	v6 =	vmul.f32 v6, v0;
	v3 =	vld [tilespmem:s31+$0xFFFFFF80];
	[tilespmem:s29+$0xFFFFFC80] =	vst v5;
	s29 =	sadd.s32 $0xC00, s29  }
0x417: {  	v5 =	vld [tilespmem:s31+$0xFFFFFC80];
	v7 =	vmul.f32 v7, v0;
	[tilespmem:s29+$0x0] =	vst v8;
	s31 =	sadd.s32 $0xC00, s31  }
0x418: {  	[tilespmem:s29+$0xFFFFFD00] =	vst v6;
	v4 =	vmul.f32 v4, v0  }
0x419: {  	[tilespmem:s29+$0xFFFFFD80] =	vst v7;
	v2 =	vmul.f32 v2, v0  }
0x41a: {  	[tilespmem:s29+$0xFFFFFE00] =	vst v4;
	v1 =	vmul.f32 v1, v0  }
0x41b: {  	[tilespmem:s29+$0xFFFFFE80] =	vst v2;
	v2 =	vmul.f32 v3, v0  }
0x41c: {  	v0 =	vmul.f32 v5, v0;
	[tilespmem:s29+$0xFFFFFF00] =	vst v1  }
0x41d: {  	[tilespmem:s29+$0xFFFFFF80] =	vst v2  }
0x41e: {  	[tilespmem:s29+$0xFFFFFC80] =	vst v0  }
0x41f: {  	s31 =	simm.s32 $0x6BA0;
	v0 =	vld [tilespmem:$0x182A0]  }
0x420: {  	v3 =	vld [tilespmem:s31+$0x0]  }
0x421: {  	v5 =	vld [tilespmem:s31+$0xFFFFFD00]  }
0x422: {  	v7 =	vld [tilespmem:s31+$0xFFFFFD80]  }
0x423: {  	v4 =	vld [tilespmem:s31+$0xFFFFFE00]  }
0x424: {  	v2 =	vld [tilespmem:s31+$0xFFFFFE80]  }
0x425: {  	v1 =	vld [tilespmem:s31+$0xFFFFFF00];
	v8 =	vmul.f32 v3, v0  }
0x426: {  	s29 =	simm.s32 $0x12BA0;
	v3 =	vld [tilespmem:s31+$0xFFFFFF80];
	v6 =	vmul.f32 v5, v0  }
0x427: {  	s30 =	simm.s32 $0x0;
	v5 =	vld [tilespmem:s31+$0xFFFFFC80];
	v7 =	vmul.f32 v7, v0;
	s31 =	simm.s32 $0x77A0;
	[tilespmem:s29+$0x0] =	vst v8  }
.LBB2_87:
0x428: {  	v8 =	vld [tilespmem:s31+$0x0];
	s30 =	sadd.s32 $0x8, s30;
	[tilespmem:s29+$0xFFFFFD00] =	vst v6;
	v4 =	vmul.f32 v4, v0  }
0x429: {  	v6 =	vld [tilespmem:s31+$0xFFFFFD00];
	p1 =	slt.u32 s30, $0x38;
	[tilespmem:s29+$0xFFFFFD80] =	vst v7;
	v2 =	vmul.f32 v2, v0  }
0x42a: {  	v7 =	vld [tilespmem:s31+$0xFFFFFD80];
	[tilespmem:s29+$0xFFFFFE00] =	vst v4;
	v1 =	vmul.f32 v1, v0  }
.Ltmp44:
0x42b: {  	v4 =	vld [tilespmem:s31+$0xFFFFFE00];
	[tilespmem:s29+$0xFFFFFE80] =	vst v2;
	v3 =	vmul.f32 v3, v0;
	(pc) =	sbr.rel @p1 .LBB2_87-.Ltmp44, $4  }
0x42c: {  	v2 =	vld [tilespmem:s31+$0xFFFFFE80];
	v5 =	vmul.f32 v5, v0;
	[tilespmem:s29+$0xFFFFFF00] =	vst v1  }
0x42d: {  	v1 =	vld [tilespmem:s31+$0xFFFFFF00];
	v8 =	vmul.f32 v8, v0;
	[tilespmem:s29+$0xFFFFFF80] =	vst v3  }
0x42e: {  	v6 =	vmul.f32 v6, v0;
	v3 =	vld [tilespmem:s31+$0xFFFFFF80];
	[tilespmem:s29+$0xFFFFFC80] =	vst v5;
	s29 =	sadd.s32 $0xC00, s29  }
0x42f: {  	v5 =	vld [tilespmem:s31+$0xFFFFFC80];
	v7 =	vmul.f32 v7, v0;
	[tilespmem:s29+$0x0] =	vst v8;
	s31 =	sadd.s32 $0xC00, s31  }
0x430: {  	[tilespmem:s29+$0xFFFFFD00] =	vst v6;
	v4 =	vmul.f32 v4, v0  }
0x431: {  	[tilespmem:s29+$0xFFFFFD80] =	vst v7;
	v2 =	vmul.f32 v2, v0  }
0x432: {  	[tilespmem:s29+$0xFFFFFE00] =	vst v4;
	v1 =	vmul.f32 v1, v0  }
0x433: {  	[tilespmem:s29+$0xFFFFFE80] =	vst v2;
	v2 =	vmul.f32 v3, v0  }
0x434: {  	v0 =	vmul.f32 v5, v0;
	[tilespmem:s29+$0xFFFFFF00] =	vst v1  }
0x435: {  	[tilespmem:s29+$0xFFFFFF80] =	vst v2  }
0x436: {  	[tilespmem:s29+$0xFFFFFC80] =	vst v0  }
0x437: {  	s31 =	simm.s32 $0x6BB0;
	v0 =	vld [tilespmem:$0x182B0]  }
0x438: {  	v3 =	vld [tilespmem:s31+$0x0]  }
0x439: {  	v5 =	vld [tilespmem:s31+$0xFFFFFD00]  }
0x43a: {  	v7 =	vld [tilespmem:s31+$0xFFFFFD80]  }
0x43b: {  	v4 =	vld [tilespmem:s31+$0xFFFFFE00]  }
0x43c: {  	v2 =	vld [tilespmem:s31+$0xFFFFFE80]  }
0x43d: {  	v1 =	vld [tilespmem:s31+$0xFFFFFF00];
	v8 =	vmul.f32 v3, v0  }
0x43e: {  	s29 =	simm.s32 $0x12BB0;
	v3 =	vld [tilespmem:s31+$0xFFFFFF80];
	v6 =	vmul.f32 v5, v0  }
0x43f: {  	s30 =	simm.s32 $0x0;
	v5 =	vld [tilespmem:s31+$0xFFFFFC80];
	v7 =	vmul.f32 v7, v0;
	s31 =	simm.s32 $0x77B0;
	[tilespmem:s29+$0x0] =	vst v8  }
.LBB2_89:
0x440: {  	v8 =	vld [tilespmem:s31+$0x0];
	s30 =	sadd.s32 $0x8, s30;
	[tilespmem:s29+$0xFFFFFD00] =	vst v6;
	v4 =	vmul.f32 v4, v0  }
0x441: {  	v6 =	vld [tilespmem:s31+$0xFFFFFD00];
	p1 =	slt.u32 s30, $0x38;
	[tilespmem:s29+$0xFFFFFD80] =	vst v7;
	v2 =	vmul.f32 v2, v0  }
0x442: {  	v7 =	vld [tilespmem:s31+$0xFFFFFD80];
	[tilespmem:s29+$0xFFFFFE00] =	vst v4;
	v1 =	vmul.f32 v1, v0  }
.Ltmp45:
0x443: {  	v4 =	vld [tilespmem:s31+$0xFFFFFE00];
	[tilespmem:s29+$0xFFFFFE80] =	vst v2;
	v3 =	vmul.f32 v3, v0;
	(pc) =	sbr.rel @p1 .LBB2_89-.Ltmp45, $4  }
0x444: {  	v2 =	vld [tilespmem:s31+$0xFFFFFE80];
	v5 =	vmul.f32 v5, v0;
	[tilespmem:s29+$0xFFFFFF00] =	vst v1  }
0x445: {  	v1 =	vld [tilespmem:s31+$0xFFFFFF00];
	v8 =	vmul.f32 v8, v0;
	[tilespmem:s29+$0xFFFFFF80] =	vst v3  }
0x446: {  	v6 =	vmul.f32 v6, v0;
	v3 =	vld [tilespmem:s31+$0xFFFFFF80];
	[tilespmem:s29+$0xFFFFFC80] =	vst v5;
	s29 =	sadd.s32 $0xC00, s29  }
0x447: {  	v5 =	vld [tilespmem:s31+$0xFFFFFC80];
	v7 =	vmul.f32 v7, v0;
	[tilespmem:s29+$0x0] =	vst v8;
	s31 =	sadd.s32 $0xC00, s31  }
0x448: {  	[tilespmem:s29+$0xFFFFFD00] =	vst v6;
	v4 =	vmul.f32 v4, v0  }
0x449: {  	[tilespmem:s29+$0xFFFFFD80] =	vst v7;
	v2 =	vmul.f32 v2, v0  }
0x44a: {  	[tilespmem:s29+$0xFFFFFE00] =	vst v4;
	v1 =	vmul.f32 v1, v0  }
0x44b: {  	[tilespmem:s29+$0xFFFFFE80] =	vst v2;
	v2 =	vmul.f32 v3, v0  }
0x44c: {  	v0 =	vmul.f32 v5, v0;
	[tilespmem:s29+$0xFFFFFF00] =	vst v1  }
0x44d: {  	[tilespmem:s29+$0xFFFFFF80] =	vst v2  }
0x44e: {  	[tilespmem:s29+$0xFFFFFC80] =	vst v0  }
0x44f: {  	s31 =	simm.s32 $0x6BC0;
	v0 =	vld [tilespmem:$0x182C0]  }
0x450: {  	v3 =	vld [tilespmem:s31+$0x0]  }
0x451: {  	v5 =	vld [tilespmem:s31+$0xFFFFFD00]  }
0x452: {  	v7 =	vld [tilespmem:s31+$0xFFFFFD80]  }
0x453: {  	v4 =	vld [tilespmem:s31+$0xFFFFFE00]  }
0x454: {  	v2 =	vld [tilespmem:s31+$0xFFFFFE80]  }
0x455: {  	v1 =	vld [tilespmem:s31+$0xFFFFFF00];
	v8 =	vmul.f32 v3, v0  }
0x456: {  	s29 =	simm.s32 $0x12BC0;
	v3 =	vld [tilespmem:s31+$0xFFFFFF80];
	v6 =	vmul.f32 v5, v0  }
0x457: {  	s30 =	simm.s32 $0x0;
	v5 =	vld [tilespmem:s31+$0xFFFFFC80];
	v7 =	vmul.f32 v7, v0;
	s31 =	simm.s32 $0x77C0;
	[tilespmem:s29+$0x0] =	vst v8  }
.LBB2_91:
0x458: {  	v8 =	vld [tilespmem:s31+$0x0];
	s30 =	sadd.s32 $0x8, s30;
	[tilespmem:s29+$0xFFFFFD00] =	vst v6;
	v4 =	vmul.f32 v4, v0  }
0x459: {  	v6 =	vld [tilespmem:s31+$0xFFFFFD00];
	p1 =	slt.u32 s30, $0x38;
	[tilespmem:s29+$0xFFFFFD80] =	vst v7;
	v2 =	vmul.f32 v2, v0  }
0x45a: {  	v7 =	vld [tilespmem:s31+$0xFFFFFD80];
	[tilespmem:s29+$0xFFFFFE00] =	vst v4;
	v1 =	vmul.f32 v1, v0  }
.Ltmp46:
0x45b: {  	v4 =	vld [tilespmem:s31+$0xFFFFFE00];
	[tilespmem:s29+$0xFFFFFE80] =	vst v2;
	v3 =	vmul.f32 v3, v0;
	(pc) =	sbr.rel @p1 .LBB2_91-.Ltmp46, $4  }
0x45c: {  	v2 =	vld [tilespmem:s31+$0xFFFFFE80];
	v5 =	vmul.f32 v5, v0;
	[tilespmem:s29+$0xFFFFFF00] =	vst v1  }
0x45d: {  	v1 =	vld [tilespmem:s31+$0xFFFFFF00];
	v8 =	vmul.f32 v8, v0;
	[tilespmem:s29+$0xFFFFFF80] =	vst v3  }
0x45e: {  	v6 =	vmul.f32 v6, v0;
	v3 =	vld [tilespmem:s31+$0xFFFFFF80];
	[tilespmem:s29+$0xFFFFFC80] =	vst v5;
	s29 =	sadd.s32 $0xC00, s29  }
0x45f: {  	v5 =	vld [tilespmem:s31+$0xFFFFFC80];
	v7 =	vmul.f32 v7, v0;
	[tilespmem:s29+$0x0] =	vst v8;
	s31 =	sadd.s32 $0xC00, s31  }
0x460: {  	[tilespmem:s29+$0xFFFFFD00] =	vst v6;
	v4 =	vmul.f32 v4, v0  }
0x461: {  	[tilespmem:s29+$0xFFFFFD80] =	vst v7;
	v2 =	vmul.f32 v2, v0  }
0x462: {  	[tilespmem:s29+$0xFFFFFE00] =	vst v4;
	v1 =	vmul.f32 v1, v0  }
0x463: {  	[tilespmem:s29+$0xFFFFFE80] =	vst v2;
	v2 =	vmul.f32 v3, v0  }
0x464: {  	v0 =	vmul.f32 v5, v0;
	[tilespmem:s29+$0xFFFFFF00] =	vst v1  }
0x465: {  	[tilespmem:s29+$0xFFFFFF80] =	vst v2  }
0x466: {  	[tilespmem:s29+$0xFFFFFC80] =	vst v0  }
0x467: {  	s31 =	simm.s32 $0x6BD0;
	v0 =	vld [tilespmem:$0x182D0]  }
0x468: {  	v3 =	vld [tilespmem:s31+$0x0]  }
0x469: {  	v5 =	vld [tilespmem:s31+$0xFFFFFD00]  }
0x46a: {  	v7 =	vld [tilespmem:s31+$0xFFFFFD80]  }
0x46b: {  	v4 =	vld [tilespmem:s31+$0xFFFFFE00]  }
0x46c: {  	v2 =	vld [tilespmem:s31+$0xFFFFFE80]  }
0x46d: {  	v1 =	vld [tilespmem:s31+$0xFFFFFF00];
	v8 =	vmul.f32 v3, v0  }
0x46e: {  	s29 =	simm.s32 $0x12BD0;
	v3 =	vld [tilespmem:s31+$0xFFFFFF80];
	v6 =	vmul.f32 v5, v0  }
0x46f: {  	s30 =	simm.s32 $0x0;
	v5 =	vld [tilespmem:s31+$0xFFFFFC80];
	v7 =	vmul.f32 v7, v0;
	s31 =	simm.s32 $0x77D0;
	[tilespmem:s29+$0x0] =	vst v8  }
.LBB2_93:
0x470: {  	v8 =	vld [tilespmem:s31+$0x0];
	s30 =	sadd.s32 $0x8, s30;
	[tilespmem:s29+$0xFFFFFD00] =	vst v6;
	v4 =	vmul.f32 v4, v0  }
0x471: {  	v6 =	vld [tilespmem:s31+$0xFFFFFD00];
	p1 =	slt.u32 s30, $0x38;
	[tilespmem:s29+$0xFFFFFD80] =	vst v7;
	v2 =	vmul.f32 v2, v0  }
0x472: {  	v7 =	vld [tilespmem:s31+$0xFFFFFD80];
	[tilespmem:s29+$0xFFFFFE00] =	vst v4;
	v1 =	vmul.f32 v1, v0  }
.Ltmp47:
0x473: {  	v4 =	vld [tilespmem:s31+$0xFFFFFE00];
	[tilespmem:s29+$0xFFFFFE80] =	vst v2;
	v3 =	vmul.f32 v3, v0;
	(pc) =	sbr.rel @p1 .LBB2_93-.Ltmp47, $4  }
0x474: {  	v2 =	vld [tilespmem:s31+$0xFFFFFE80];
	v5 =	vmul.f32 v5, v0;
	[tilespmem:s29+$0xFFFFFF00] =	vst v1  }
0x475: {  	v1 =	vld [tilespmem:s31+$0xFFFFFF00];
	v8 =	vmul.f32 v8, v0;
	[tilespmem:s29+$0xFFFFFF80] =	vst v3  }
0x476: {  	v6 =	vmul.f32 v6, v0;
	v3 =	vld [tilespmem:s31+$0xFFFFFF80];
	[tilespmem:s29+$0xFFFFFC80] =	vst v5;
	s29 =	sadd.s32 $0xC00, s29  }
0x477: {  	v5 =	vld [tilespmem:s31+$0xFFFFFC80];
	v7 =	vmul.f32 v7, v0;
	[tilespmem:s29+$0x0] =	vst v8;
	s31 =	sadd.s32 $0xC00, s31  }
0x478: {  	[tilespmem:s29+$0xFFFFFD00] =	vst v6;
	v4 =	vmul.f32 v4, v0  }
0x479: {  	[tilespmem:s29+$0xFFFFFD80] =	vst v7;
	v2 =	vmul.f32 v2, v0  }
0x47a: {  	[tilespmem:s29+$0xFFFFFE00] =	vst v4;
	v1 =	vmul.f32 v1, v0  }
0x47b: {  	[tilespmem:s29+$0xFFFFFE80] =	vst v2;
	v2 =	vmul.f32 v3, v0  }
0x47c: {  	v0 =	vmul.f32 v5, v0;
	[tilespmem:s29+$0xFFFFFF00] =	vst v1  }
0x47d: {  	[tilespmem:s29+$0xFFFFFF80] =	vst v2  }
0x47e: {  	[tilespmem:s29+$0xFFFFFC80] =	vst v0  }
0x47f: {  	s31 =	simm.s32 $0x6BE0;
	v0 =	vld [tilespmem:$0x182E0]  }
0x480: {  	v3 =	vld [tilespmem:s31+$0x0]  }
0x481: {  	v5 =	vld [tilespmem:s31+$0xFFFFFD00]  }
0x482: {  	v7 =	vld [tilespmem:s31+$0xFFFFFD80]  }
0x483: {  	v4 =	vld [tilespmem:s31+$0xFFFFFE00]  }
0x484: {  	v2 =	vld [tilespmem:s31+$0xFFFFFE80]  }
0x485: {  	v1 =	vld [tilespmem:s31+$0xFFFFFF00];
	v8 =	vmul.f32 v3, v0  }
0x486: {  	s29 =	simm.s32 $0x12BE0;
	v3 =	vld [tilespmem:s31+$0xFFFFFF80];
	v6 =	vmul.f32 v5, v0  }
0x487: {  	s30 =	simm.s32 $0x0;
	v5 =	vld [tilespmem:s31+$0xFFFFFC80];
	v7 =	vmul.f32 v7, v0;
	s31 =	simm.s32 $0x77E0;
	[tilespmem:s29+$0x0] =	vst v8  }
.LBB2_95:
0x488: {  	v8 =	vld [tilespmem:s31+$0x0];
	s30 =	sadd.s32 $0x8, s30;
	[tilespmem:s29+$0xFFFFFD00] =	vst v6;
	v4 =	vmul.f32 v4, v0  }
0x489: {  	v6 =	vld [tilespmem:s31+$0xFFFFFD00];
	p1 =	slt.u32 s30, $0x38;
	[tilespmem:s29+$0xFFFFFD80] =	vst v7;
	v2 =	vmul.f32 v2, v0  }
0x48a: {  	v7 =	vld [tilespmem:s31+$0xFFFFFD80];
	[tilespmem:s29+$0xFFFFFE00] =	vst v4;
	v1 =	vmul.f32 v1, v0  }
.Ltmp48:
0x48b: {  	v4 =	vld [tilespmem:s31+$0xFFFFFE00];
	[tilespmem:s29+$0xFFFFFE80] =	vst v2;
	v3 =	vmul.f32 v3, v0;
	(pc) =	sbr.rel @p1 .LBB2_95-.Ltmp48, $4  }
0x48c: {  	v2 =	vld [tilespmem:s31+$0xFFFFFE80];
	v5 =	vmul.f32 v5, v0;
	[tilespmem:s29+$0xFFFFFF00] =	vst v1  }
0x48d: {  	v1 =	vld [tilespmem:s31+$0xFFFFFF00];
	v8 =	vmul.f32 v8, v0;
	[tilespmem:s29+$0xFFFFFF80] =	vst v3  }
0x48e: {  	v6 =	vmul.f32 v6, v0;
	v3 =	vld [tilespmem:s31+$0xFFFFFF80];
	[tilespmem:s29+$0xFFFFFC80] =	vst v5;
	s29 =	sadd.s32 $0xC00, s29  }
0x48f: {  	v5 =	vld [tilespmem:s31+$0xFFFFFC80];
	v7 =	vmul.f32 v7, v0;
	[tilespmem:s29+$0x0] =	vst v8;
	s31 =	sadd.s32 $0xC00, s31  }
0x490: {  	[tilespmem:s29+$0xFFFFFD00] =	vst v6;
	v4 =	vmul.f32 v4, v0  }
0x491: {  	[tilespmem:s29+$0xFFFFFD80] =	vst v7;
	v2 =	vmul.f32 v2, v0  }
0x492: {  	[tilespmem:s29+$0xFFFFFE00] =	vst v4;
	v1 =	vmul.f32 v1, v0  }
0x493: {  	[tilespmem:s29+$0xFFFFFE80] =	vst v2;
	v2 =	vmul.f32 v3, v0  }
0x494: {  	v0 =	vmul.f32 v5, v0;
	[tilespmem:s29+$0xFFFFFF00] =	vst v1  }
0x495: {  	[tilespmem:s29+$0xFFFFFF80] =	vst v2  }
0x496: {  	[tilespmem:s29+$0xFFFFFC80] =	vst v0  }
0x497: {  	s31 =	simm.s32 $0x6BF0;
	v0 =	vld [tilespmem:$0x182F0]  }
0x498: {  	v3 =	vld [tilespmem:s31+$0x0]  }
0x499: {  	v5 =	vld [tilespmem:s31+$0xFFFFFD00]  }
0x49a: {  	v7 =	vld [tilespmem:s31+$0xFFFFFD80]  }
0x49b: {  	v4 =	vld [tilespmem:s31+$0xFFFFFE00]  }
0x49c: {  	v2 =	vld [tilespmem:s31+$0xFFFFFE80]  }
0x49d: {  	v1 =	vld [tilespmem:s31+$0xFFFFFF00];
	v8 =	vmul.f32 v3, v0  }
0x49e: {  	s29 =	simm.s32 $0x12BF0;
	v3 =	vld [tilespmem:s31+$0xFFFFFF80];
	v6 =	vmul.f32 v5, v0  }
0x49f: {  	s30 =	simm.s32 $0x0;
	v5 =	vld [tilespmem:s31+$0xFFFFFC80];
	v7 =	vmul.f32 v7, v0;
	s31 =	simm.s32 $0x77F0;
	[tilespmem:s29+$0x0] =	vst v8  }
.LBB2_97:
0x4a0: {  	v8 =	vld [tilespmem:s31+$0x0];
	s30 =	sadd.s32 $0x8, s30;
	[tilespmem:s29+$0xFFFFFD00] =	vst v6;
	v4 =	vmul.f32 v4, v0  }
0x4a1: {  	v6 =	vld [tilespmem:s31+$0xFFFFFD00];
	p1 =	slt.u32 s30, $0x38;
	[tilespmem:s29+$0xFFFFFD80] =	vst v7;
	v2 =	vmul.f32 v2, v0  }
0x4a2: {  	v7 =	vld [tilespmem:s31+$0xFFFFFD80];
	[tilespmem:s29+$0xFFFFFE00] =	vst v4;
	v1 =	vmul.f32 v1, v0  }
.Ltmp49:
0x4a3: {  	v4 =	vld [tilespmem:s31+$0xFFFFFE00];
	[tilespmem:s29+$0xFFFFFE80] =	vst v2;
	v3 =	vmul.f32 v3, v0;
	(pc) =	sbr.rel @p1 .LBB2_97-.Ltmp49, $4  }
0x4a4: {  	v2 =	vld [tilespmem:s31+$0xFFFFFE80];
	v5 =	vmul.f32 v5, v0;
	[tilespmem:s29+$0xFFFFFF00] =	vst v1  }
0x4a5: {  	v1 =	vld [tilespmem:s31+$0xFFFFFF00];
	v8 =	vmul.f32 v8, v0;
	[tilespmem:s29+$0xFFFFFF80] =	vst v3  }
0x4a6: {  	v6 =	vmul.f32 v6, v0;
	v3 =	vld [tilespmem:s31+$0xFFFFFF80];
	[tilespmem:s29+$0xFFFFFC80] =	vst v5;
	s29 =	sadd.s32 $0xC00, s29  }
0x4a7: {  	v5 =	vld [tilespmem:s31+$0xFFFFFC80];
	v7 =	vmul.f32 v7, v0;
	[tilespmem:s29+$0x0] =	vst v8;
	s31 =	sadd.s32 $0xC00, s31  }
0x4a8: {  	[tilespmem:s29+$0xFFFFFD00] =	vst v6;
	v4 =	vmul.f32 v4, v0  }
0x4a9: {  	[tilespmem:s29+$0xFFFFFD80] =	vst v7;
	v2 =	vmul.f32 v2, v0  }
0x4aa: {  	[tilespmem:s29+$0xFFFFFE00] =	vst v4;
	v1 =	vmul.f32 v1, v0  }
.Ltmp50:
0x4ab: {  	s28 =	sshrl.u32 s28, $0x3;
	[tilespmem:s29+$0xFFFFFE80] =	vst v2;
	v62 =	vmul.f32 v3, v0;
	(pc) =	sbr.rel @p0 .LBB2_100-.Ltmp50, $4  }
0x4ac: {  	s28 =	smul.u32 $0x180, s28;
	v63 =	vmul.f32 v5, v0;
	[tilespmem:s29+$0xFFFFFF00] =	vst v1  }
0x4ad: {  	[tilespmem:s29+$0xFFFFFF80] =	vst v62  }
0x4ae: {  	s28 =	sadd.s32 s6, s28;
	[tilespmem:s29+$0xFFFFFC80] =	vst v63  }
0x4af: {  	[hbm4b:s28+s7] =	stream.linear.scatter [tilespmem:s21], [sflag:$0x4], $0x6000, $0x38;
	[tilespmem:$0x18300] =	vst v63  }
0x4b0: {  	s26 =	sadd.s32 s26, s12  }
.Ltmp51:
0x4b1: {  	s26 =	sshrl.u32 s26, $0x3;
	(pc) =	sbr.rel .LBB2_2-.Ltmp51, $3  }
0x4b2: {  	s26 =	smul.u32 $0x180, s26;
	_ =	sdelay $0x1  }
0x4b3: {  	s25 =	sadd.s32 $0x1, s25;
	s26 =	sadd.s32 s1, s26  }
0x4b4: {  	[tilespmem:s17], [sflag:$0x2] =	stream.linear.gather [hbm4b:s26+s7], $0x6000, $0x38;
	[tilespmem:$0x18300] =	vst v63  }
.LBB2_101:
0x4b5: {  	_ =	sfence.sel $0x180000  }
0x4b6: {  	[bflag:$0x0] =	sbarrier.arrive $0xFFFF  }
0x4b7: {  	p0 =	sne.s32 s0, $0x0;
	_ =	strace $0x90000047  }
0x4b8: {  	s0 =	sadd.s32 @!p0 $0x100000, s2;
	[bflag:$0x2] =	sbarrier.arrive $0xFFFF  }
0x4b9: {  	[sflag:s0] =	ssyncadd.tile.s32 @!p0 $0x1;
	_ =	shalt  }
.Lfunc_end2:
_tile_overlayer_lowered:
.L_overlay_start_2:
0x4ba: {  	(tag) =	ssettag $0x2  }
0x4bb: {  	s0 =	rddreg [dreg:$0x0];
	s2 =	stileid.u32  }
0x4bc: {  	s1 =	rddreg [dreg:$0x1];
	p0 =	sne.s32 s2, $0x0  }
0x4bd: {  	s3 =	rddreg [dreg:$0x2];
	[bflag:$0x3] =	sbarrier.arrive $0xFFFF;
	s2 =	simm.s32 @!p0 $0x1C05  }
0x4be: {  	[timem:s3], [sflag:s2] =	dma.local @!p0 [hbm:s0], s1  }
0x4bf: {  	s0 =	simm.s32 @!p0 $0x5  }
0x4c0: {  	_ =	swait.ge @!p0 [sflag:s0], s1  }
0x4c1: {  	s1 =	ssub.s32 @!p0 $0x0, s1;
	[sflag:s0] =	ssyncset.done @!p0 $0x0  }
0x4c2: {  	[sflag:s0] =	ssyncadd.s32 @!p0 s1  }
0x4c3: {  	[bflag:$0x3] =	sbarrier.arrive $0xFFFF  }
0x4c4: {  	_ =	shalt  }

</sc_bundles>
